<compile_context>
chip_gen: v7x
topology: tpu7x:2x2x1
jax: 0.10.2.dev20260603
libtpu: 0.0.44.dev20260713+nightly
codegen_flags: <defaults>
</compile_context>

<pallas_src>
import functools

import jax
import jax.numpy as jnp
from jax import lax
from jax.experimental import pallas as pl
from jax.experimental.pallas import tpu as pltpu
from jax.experimental.pallas import tpu_sc as plsc

EMB = 64
LANES = 16
EMB_V = EMB // LANES
SUB = 40
CB = 2


def _make_pool(B, L, V):
    NC, NS = 2, 16
    NW = NC * NS
    b_per_w = B // NW
    nsub = CB * L // SUB
    nchunk = b_per_w // CB
    chunk_rows = CB * L

    mesh = plsc.VectorSubcoreMesh(
        core_axis_name="c", subcore_axis_name="s", num_cores=NC, num_subcores=NS
    )

    @functools.partial(
        pl.kernel,
        out_type=jax.ShapeDtypeStruct((B, EMB), jnp.float32),
        mesh=mesh,
        scratch_types=[
            pltpu.VMEM((b_per_w, L), jnp.int32),
            pltpu.VMEM((2 * chunk_rows, EMB), jnp.float32),
            pltpu.VMEM((b_per_w, EMB), jnp.float32),
            pltpu.SemaphoreType.DMA,
        ],
        compiler_params=pltpu.CompilerParams(use_tc_tiling_on_sc=False),
    )
    def pool(x_hbm, table_hbm, out_hbm, idx_v, rows_v, out_v, sem):
        wid = lax.axis_index("s") * NC + lax.axis_index("c")
        pltpu.sync_copy(x_hbm.at[pl.ds(wid * b_per_w, b_per_w)], idx_v)

        def gathers(ck, buf):
            return [
                pltpu.make_async_copy(
                    table_hbm.at[idx_v.at[ck * CB + i // (L // SUB),
                                          pl.ds((i % (L // SUB)) * SUB, SUB)]],
                    rows_v.at[pl.ds(buf * chunk_rows + i * SUB, SUB)],
                    sem,
                )
                for i in range(nsub)
            ]

        def fire(ck, buf):
            for cp in gathers(ck, buf):
                cp.start()

        def drain(ck, buf):
            for cp in gathers(ck, buf):
                cp.wait()

        def reduce(ck, buf):
            for r in range(CB):
                base = buf * chunk_rows + r * L

                def red(j, acc, base=base):
                    row = base + j
                    return tuple(
                        acc[k] + rows_v[row, pl.ds(LANES * k, LANES)]
                        for k in range(EMB_V)
                    )

                acc = tuple(
                    rows_v[base, pl.ds(LANES * k, LANES)] for k in range(EMB_V)
                )
                acc = lax.fori_loop(1, L, red, acc, unroll=8)
                for k in range(EMB_V):
                    out_v[ck * CB + r, pl.ds(LANES * k, LANES)] = acc[k]

        fire(0, 0)

        def body(ck, carry):
            fire(ck + 1, (ck + 1) % 2)
            drain(ck, ck % 2)
            reduce(ck, ck % 2)
            return carry

        lax.fori_loop(0, nchunk - 1, body, 0)
        last = nchunk - 1
        drain(last, last % 2)
        reduce(last, last % 2)
        pltpu.sync_copy(out_v, out_hbm.at[pl.ds(wid * b_per_w, b_per_w)])

    return pool


def _mlp_body(inv_l, s_ref, w1_ref, b1_ref, w2_ref, b2_ref, o_ref):
    p = s_ref[...] * inv_l
    h = jnp.dot(p, w1_ref[...], preferred_element_type=jnp.float32) + b1_ref[...]
    o_ref[...] = (
        jnp.dot(h, w2_ref[...], preferred_element_type=jnp.float32) + b2_ref[...]
    )


def kernel(x, table, W1, b1, W2, b2):
    B, L = x.shape
    V, _ = table.shape
    sums = _make_pool(B, L, V)(x.astype(jnp.int32), table)
    out = pl.pallas_call(
        functools.partial(_mlp_body, 1.0 / L),
        out_shape=jax.ShapeDtypeStruct((B, W2.shape[1]), jnp.float32),
    )(sums, W1, b1.reshape(1, -1), W2, b2.reshape(1, -1))
    return out

# --- scband reference (transcript-rebuilt; emitter-appended) ---
"""Pipeline reference for scband-fast-text-86603720556984 (READ-ONLY COPY).

The authoritative reference and input builder live on the scoring server;
editing this copy changes nothing except your own understanding.
"""

import jax, jax.numpy as jnp
import numpy as np

VOCAB = 1000000
EMB = 64
HID = 128
OUT = 32
PAD_IDX = 0
B = 4096
L = 200

def setup_inputs(seed: int = 0) -> dict:
    key = jax.random.key(seed)
    k_x, k_tab, k_w1, k_b1, k_w2, k_b2 = jax.random.split(key, 6)
    x = jax.random.randint(k_x, (B, L), 0, VOCAB, dtype=jnp.int64) if jax.config.jax_enable_x64 else jax.random.randint(k_x, (B, L), 0, VOCAB, dtype=jnp.int32)
    table = jax.random.normal(k_tab, (VOCAB, EMB), dtype=jnp.float32) * 0.02
    table = table.at[PAD_IDX].set(0.0)  # padding_idx row is zero
    W1 = jax.random.normal(k_w1, (EMB, HID), dtype=jnp.float32) * (1.0 / np.sqrt(EMB))
    b1 = jnp.zeros((HID,), dtype=jnp.float32)
    W2 = jax.random.normal(k_w2, (HID, OUT), dtype=jnp.float32) * (1.0 / np.sqrt(HID))
    b2 = jnp.zeros((OUT,), dtype=jnp.float32)
    return {"x": x, "table": table, "W1": W1, "b1": b1, "W2": W2, "b2": b2}

def reference(x, table, W1, b1, W2, b2):
    # embedding lookup (SparseCore gather)
    emb = jnp.take(table, x, axis=0)            # [B, L, EMB]
    # avg_pool2d with kernel (L, 1) then squeeze(1) == mean over sequence dim
    pooled = jnp.mean(emb, axis=1)              # [B, EMB]
    h = pooled @ W1 + b1                        # [B, HID]
    out = h @ W2 + b2                           # [B, OUT]
    return out

if __name__ == "__main__":
    import jax
    _d = setup_inputs()
    print(jax.jit(kernel)(*tuple(_d.values())))

</pallas_src>

<mosaic_0001>
#map = affine_map<(d0, d1) -> (0, 0)>
module attributes {stable_mosaic.version = 14 : i64} {
  func.func @pool(%arg0: i32, %arg1: i32, %arg2: memref<4096x200xi32, #tpu.memory_space<hbm>>, %arg3: memref<1000000x64xf32, #tpu.memory_space<hbm>>, %arg4: memref<4096x64xf32, #tpu.memory_space<hbm>>, %arg5: memref<128x200xi32, #tpu.memory_space<vmem>>, %arg6: memref<800x64xf32, #tpu.memory_space<vmem>>, %arg7: memref<128x64xf32, #tpu.memory_space<vmem>>, %arg8: memref<!tpu.dma_semaphore, #tpu.memory_space<semaphore_mem>>) attributes {dimension_semantics = [#tpu.dimension_semantics<core_parallel>, #tpu.dimension_semantics<subcore_parallel>], iteration_bounds = array<i64: 2, 16>, scalar_prefetch = 0 : i64, scratch_operands = 4 : i64, tpu.core_type = #tpu.core_type<sc_vector_subcore>, window_params = [{transform_indices = #map}, {transform_indices = #map}, {transform_indices = #map}]} {
    %mul3A = arith.constant 2 : i32
    %mul3A_0 = arith.muli %arg1, %mul3A : i32
    %add3A = arith.addi %mul3A_0, %arg0 : i32
    %mul3A_1 = arith.constant 128 : i32
    %mul3A_2 = arith.muli %add3A, %mul3A_1 : i32
    "tpu.region"() ({
      %run_scoped3A = tpu.sem_alloc : memref<!tpu.dma_semaphore, #tpu.memory_space<semaphore_mem>>
      %dma_start3A_642 = arith.constant 0 : i32
      %dma_start3A_643 = tpu.memref_slice %arg2[%mul3A_2, %dma_start3A_642] : memref<4096x200xi32, #tpu.memory_space<hbm>> -> memref<128x200xi32, #tpu.memory_space<hbm>>
      %dma_start3A_644 = arith.constant 0 : i32
      %dma_start3A_645 = tpu.memref_slice %arg2[%mul3A_2, %dma_start3A_644] : memref<4096x200xi32, #tpu.memory_space<hbm>> -> memref<128x200xi32, #tpu.memory_space<hbm>>
      tpu.enqueue_dma source(%dma_start3A_645 : memref<128x200xi32, #tpu.memory_space<hbm>>) target(%arg5 : memref<128x200xi32, #tpu.memory_space<vmem>>) target_semaphore(%run_scoped3A : memref<!tpu.dma_semaphore, #tpu.memory_space<semaphore_mem>>)
      %dma_wait3A_646 = arith.constant 0 : i32
      %dma_wait3A_647 = tpu.memref_slice %arg2[%mul3A_2, %dma_wait3A_646] : memref<4096x200xi32, #tpu.memory_space<hbm>> -> memref<128x200xi32, #tpu.memory_space<hbm>>
      %dma_wait3A_648 = arith.constant 0 : i32
      %dma_wait3A_649 = tpu.memref_slice %arg2[%mul3A_2, %dma_wait3A_648] : memref<4096x200xi32, #tpu.memory_space<hbm>> -> memref<128x200xi32, #tpu.memory_space<hbm>>
      tpu.wait_dma2 semaphore(%run_scoped3A : memref<!tpu.dma_semaphore, #tpu.memory_space<semaphore_mem>>) src(%dma_wait3A_649 : memref<128x200xi32, #tpu.memory_space<hbm>>) dst(%arg5 : memref<128x200xi32, #tpu.memory_space<vmem>>)
      tpu.yield
    }) : () -> ()
    %dma_start3A = arith.constant 0 : i32
    %dma_start3A_3 = arith.constant 0 : i32
    %dma_start3A_4 = arith.constant 0 : i32
    %dma_start3A_5 = tpu.memref_slice %arg6[%dma_start3A_3, %dma_start3A_4] : memref<800x64xf32, #tpu.memory_space<vmem>> -> memref<40x64xf32, #tpu.memory_space<vmem>>
    %dma_start3A_6 = arith.constant 0 : i32
    %dma_start3A_7 = tpu.memref_slice %arg5[%dma_start3A, %dma_start3A_6] : memref<128x200xi32, #tpu.memory_space<vmem>> -> memref<1x40xi32, #tpu.memory_space<vmem>>
    %dma_start3A_8 = tpu.memref_squeeze %dma_start3A_7 : memref<1x40xi32, #tpu.memory_space<vmem>> -> memref<40xi32, #tpu.memory_space<vmem>>
    %dma_start3A_9 = arith.constant 0 : i32
    %dma_start3A_10 = arith.constant 0 : i32
    %dma_start3A_11 = tpu.memref_slice %arg3[%dma_start3A_9, %dma_start3A_10] : memref<1000000x64xf32, #tpu.memory_space<hbm>> -> memref<1000000x64xf32, #tpu.memory_space<hbm>>
    tpu.enqueue_indirect_dma source(%dma_start3A_11 : memref<1000000x64xf32, #tpu.memory_space<hbm>>) target(%dma_start3A_5 : memref<40x64xf32, #tpu.memory_space<vmem>>) offsets(%dma_start3A_8 : memref<40xi32, #tpu.memory_space<vmem>>) semaphore(%arg8 : memref<!tpu.dma_semaphore, #tpu.memory_space<semaphore_mem>>)
    %dma_start3A_12 = arith.constant 0 : i32
    %dma_start3A_13 = arith.constant 40 : i32
    %dma_start3A_14 = arith.constant 0 : i32
    %dma_start3A_15 = tpu.memref_slice %arg6[%dma_start3A_13, %dma_start3A_14] : memref<800x64xf32, #tpu.memory_space<vmem>> -> memref<40x64xf32, #tpu.memory_space<vmem>>
    %dma_start3A_16 = arith.constant 40 : i32
    %dma_start3A_17 = tpu.memref_slice %arg5[%dma_start3A_12, %dma_start3A_16] : memref<128x200xi32, #tpu.memory_space<vmem>> -> memref<1x40xi32, #tpu.memory_space<vmem>>
    %dma_start3A_18 = tpu.memref_squeeze %dma_start3A_17 : memref<1x40xi32, #tpu.memory_space<vmem>> -> memref<40xi32, #tpu.memory_space<vmem>>
    %dma_start3A_19 = arith.constant 0 : i32
    %dma_start3A_20 = arith.constant 0 : i32
    %dma_start3A_21 = tpu.memref_slice %arg3[%dma_start3A_19, %dma_start3A_20] : memref<1000000x64xf32, #tpu.memory_space<hbm>> -> memref<1000000x64xf32, #tpu.memory_space<hbm>>
    tpu.enqueue_indirect_dma source(%dma_start3A_21 : memref<1000000x64xf32, #tpu.memory_space<hbm>>) target(%dma_start3A_15 : memref<40x64xf32, #tpu.memory_space<vmem>>) offsets(%dma_start3A_18 : memref<40xi32, #tpu.memory_space<vmem>>) semaphore(%arg8 : memref<!tpu.dma_semaphore, #tpu.memory_space<semaphore_mem>>)
    %dma_start3A_22 = arith.constant 0 : i32
    %dma_start3A_23 = arith.constant 80 : i32
    %dma_start3A_24 = arith.constant 0 : i32
    %dma_start3A_25 = tpu.memref_slice %arg6[%dma_start3A_23, %dma_start3A_24] : memref<800x64xf32, #tpu.memory_space<vmem>> -> memref<40x64xf32, #tpu.memory_space<vmem>>
    %dma_start3A_26 = arith.constant 80 : i32
    %dma_start3A_27 = tpu.memref_slice %arg5[%dma_start3A_22, %dma_start3A_26] : memref<128x200xi32, #tpu.memory_space<vmem>> -> memref<1x40xi32, #tpu.memory_space<vmem>>
    %dma_start3A_28 = tpu.memref_squeeze %dma_start3A_27 : memref<1x40xi32, #tpu.memory_space<vmem>> -> memref<40xi32, #tpu.memory_space<vmem>>
    %dma_start3A_29 = arith.constant 0 : i32
    %dma_start3A_30 = arith.constant 0 : i32
    %dma_start3A_31 = tpu.memref_slice %arg3[%dma_start3A_29, %dma_start3A_30] : memref<1000000x64xf32, #tpu.memory_space<hbm>> -> memref<1000000x64xf32, #tpu.memory_space<hbm>>
    tpu.enqueue_indirect_dma source(%dma_start3A_31 : memref<1000000x64xf32, #tpu.memory_space<hbm>>) target(%dma_start3A_25 : memref<40x64xf32, #tpu.memory_space<vmem>>) offsets(%dma_start3A_28 : memref<40xi32, #tpu.memory_space<vmem>>) semaphore(%arg8 : memref<!tpu.dma_semaphore, #tpu.memory_space<semaphore_mem>>)
    %dma_start3A_32 = arith.constant 0 : i32
    %dma_start3A_33 = arith.constant 120 : i32
    %dma_start3A_34 = arith.constant 0 : i32
    %dma_start3A_35 = tpu.memref_slice %arg6[%dma_start3A_33, %dma_start3A_34] : memref<800x64xf32, #tpu.memory_space<vmem>> -> memref<40x64xf32, #tpu.memory_space<vmem>>
    %dma_start3A_36 = arith.constant 120 : i32
    %dma_start3A_37 = tpu.memref_slice %arg5[%dma_start3A_32, %dma_start3A_36] : memref<128x200xi32, #tpu.memory_space<vmem>> -> memref<1x40xi32, #tpu.memory_space<vmem>>
    %dma_start3A_38 = tpu.memref_squeeze %dma_start3A_37 : memref<1x40xi32, #tpu.memory_space<vmem>> -> memref<40xi32, #tpu.memory_space<vmem>>
    %dma_start3A_39 = arith.constant 0 : i32
    %dma_start3A_40 = arith.constant 0 : i32
    %dma_start3A_41 = tpu.memref_slice %arg3[%dma_start3A_39, %dma_start3A_40] : memref<1000000x64xf32, #tpu.memory_space<hbm>> -> memref<1000000x64xf32, #tpu.memory_space<hbm>>
    tpu.enqueue_indirect_dma source(%dma_start3A_41 : memref<1000000x64xf32, #tpu.memory_space<hbm>>) target(%dma_start3A_35 : memref<40x64xf32, #tpu.memory_space<vmem>>) offsets(%dma_start3A_38 : memref<40xi32, #tpu.memory_space<vmem>>) semaphore(%arg8 : memref<!tpu.dma_semaphore, #tpu.memory_space<semaphore_mem>>)
    %dma_start3A_42 = arith.constant 0 : i32
    %dma_start3A_43 = arith.constant 160 : i32
    %dma_start3A_44 = arith.constant 0 : i32
    %dma_start3A_45 = tpu.memref_slice %arg6[%dma_start3A_43, %dma_start3A_44] : memref<800x64xf32, #tpu.memory_space<vmem>> -> memref<40x64xf32, #tpu.memory_space<vmem>>
    %dma_start3A_46 = arith.constant 160 : i32
    %dma_start3A_47 = tpu.memref_slice %arg5[%dma_start3A_42, %dma_start3A_46] : memref<128x200xi32, #tpu.memory_space<vmem>> -> memref<1x40xi32, #tpu.memory_space<vmem>>
    %dma_start3A_48 = tpu.memref_squeeze %dma_start3A_47 : memref<1x40xi32, #tpu.memory_space<vmem>> -> memref<40xi32, #tpu.memory_space<vmem>>
    %dma_start3A_49 = arith.constant 0 : i32
    %dma_start3A_50 = arith.constant 0 : i32
    %dma_start3A_51 = tpu.memref_slice %arg3[%dma_start3A_49, %dma_start3A_50] : memref<1000000x64xf32, #tpu.memory_space<hbm>> -> memref<1000000x64xf32, #tpu.memory_space<hbm>>
    tpu.enqueue_indirect_dma source(%dma_start3A_51 : memref<1000000x64xf32, #tpu.memory_space<hbm>>) target(%dma_start3A_45 : memref<40x64xf32, #tpu.memory_space<vmem>>) offsets(%dma_start3A_48 : memref<40xi32, #tpu.memory_space<vmem>>) semaphore(%arg8 : memref<!tpu.dma_semaphore, #tpu.memory_space<semaphore_mem>>)
    %dma_start3A_52 = arith.constant 1 : i32
    %dma_start3A_53 = arith.constant 200 : i32
    %dma_start3A_54 = arith.constant 0 : i32
    %dma_start3A_55 = tpu.memref_slice %arg6[%dma_start3A_53, %dma_start3A_54] : memref<800x64xf32, #tpu.memory_space<vmem>> -> memref<40x64xf32, #tpu.memory_space<vmem>>
    %dma_start3A_56 = arith.constant 0 : i32
    %dma_start3A_57 = tpu.memref_slice %arg5[%dma_start3A_52, %dma_start3A_56] : memref<128x200xi32, #tpu.memory_space<vmem>> -> memref<1x40xi32, #tpu.memory_space<vmem>>
    %dma_start3A_58 = tpu.memref_squeeze %dma_start3A_57 : memref<1x40xi32, #tpu.memory_space<vmem>> -> memref<40xi32, #tpu.memory_space<vmem>>
    %dma_start3A_59 = arith.constant 0 : i32
    %dma_start3A_60 = arith.constant 0 : i32
    %dma_start3A_61 = tpu.memref_slice %arg3[%dma_start3A_59, %dma_start3A_60] : memref<1000000x64xf32, #tpu.memory_space<hbm>> -> memref<1000000x64xf32, #tpu.memory_space<hbm>>
    tpu.enqueue_indirect_dma source(%dma_start3A_61 : memref<1000000x64xf32, #tpu.memory_space<hbm>>) target(%dma_start3A_55 : memref<40x64xf32, #tpu.memory_space<vmem>>) offsets(%dma_start3A_58 : memref<40xi32, #tpu.memory_space<vmem>>) semaphore(%arg8 : memref<!tpu.dma_semaphore, #tpu.memory_space<semaphore_mem>>)
    %dma_start3A_62 = arith.constant 1 : i32
    %dma_start3A_63 = arith.constant 240 : i32
    %dma_start3A_64 = arith.constant 0 : i32
    %dma_start3A_65 = tpu.memref_slice %arg6[%dma_start3A_63, %dma_start3A_64] : memref<800x64xf32, #tpu.memory_space<vmem>> -> memref<40x64xf32, #tpu.memory_space<vmem>>
    %dma_start3A_66 = arith.constant 40 : i32
    %dma_start3A_67 = tpu.memref_slice %arg5[%dma_start3A_62, %dma_start3A_66] : memref<128x200xi32, #tpu.memory_space<vmem>> -> memref<1x40xi32, #tpu.memory_space<vmem>>
    %dma_start3A_68 = tpu.memref_squeeze %dma_start3A_67 : memref<1x40xi32, #tpu.memory_space<vmem>> -> memref<40xi32, #tpu.memory_space<vmem>>
    %dma_start3A_69 = arith.constant 0 : i32
    %dma_start3A_70 = arith.constant 0 : i32
    %dma_start3A_71 = tpu.memref_slice %arg3[%dma_start3A_69, %dma_start3A_70] : memref<1000000x64xf32, #tpu.memory_space<hbm>> -> memref<1000000x64xf32, #tpu.memory_space<hbm>>
    tpu.enqueue_indirect_dma source(%dma_start3A_71 : memref<1000000x64xf32, #tpu.memory_space<hbm>>) target(%dma_start3A_65 : memref<40x64xf32, #tpu.memory_space<vmem>>) offsets(%dma_start3A_68 : memref<40xi32, #tpu.memory_space<vmem>>) semaphore(%arg8 : memref<!tpu.dma_semaphore, #tpu.memory_space<semaphore_mem>>)
    %dma_start3A_72 = arith.constant 1 : i32
    %dma_start3A_73 = arith.constant 280 : i32
    %dma_start3A_74 = arith.constant 0 : i32
    %dma_start3A_75 = tpu.memref_slice %arg6[%dma_start3A_73, %dma_start3A_74] : memref<800x64xf32, #tpu.memory_space<vmem>> -> memref<40x64xf32, #tpu.memory_space<vmem>>
    %dma_start3A_76 = arith.constant 80 : i32
    %dma_start3A_77 = tpu.memref_slice %arg5[%dma_start3A_72, %dma_start3A_76] : memref<128x200xi32, #tpu.memory_space<vmem>> -> memref<1x40xi32, #tpu.memory_space<vmem>>
    %dma_start3A_78 = tpu.memref_squeeze %dma_start3A_77 : memref<1x40xi32, #tpu.memory_space<vmem>> -> memref<40xi32, #tpu.memory_space<vmem>>
    %dma_start3A_79 = arith.constant 0 : i32
    %dma_start3A_80 = arith.constant 0 : i32
    %dma_start3A_81 = tpu.memref_slice %arg3[%dma_start3A_79, %dma_start3A_80] : memref<1000000x64xf32, #tpu.memory_space<hbm>> -> memref<1000000x64xf32, #tpu.memory_space<hbm>>
    tpu.enqueue_indirect_dma source(%dma_start3A_81 : memref<1000000x64xf32, #tpu.memory_space<hbm>>) target(%dma_start3A_75 : memref<40x64xf32, #tpu.memory_space<vmem>>) offsets(%dma_start3A_78 : memref<40xi32, #tpu.memory_space<vmem>>) semaphore(%arg8 : memref<!tpu.dma_semaphore, #tpu.memory_space<semaphore_mem>>)
    %dma_start3A_82 = arith.constant 1 : i32
    %dma_start3A_83 = arith.constant 320 : i32
    %dma_start3A_84 = arith.constant 0 : i32
    %dma_start3A_85 = tpu.memref_slice %arg6[%dma_start3A_83, %dma_start3A_84] : memref<800x64xf32, #tpu.memory_space<vmem>> -> memref<40x64xf32, #tpu.memory_space<vmem>>
    %dma_start3A_86 = arith.constant 120 : i32
    %dma_start3A_87 = tpu.memref_slice %arg5[%dma_start3A_82, %dma_start3A_86] : memref<128x200xi32, #tpu.memory_space<vmem>> -> memref<1x40xi32, #tpu.memory_space<vmem>>
    %dma_start3A_88 = tpu.memref_squeeze %dma_start3A_87 : memref<1x40xi32, #tpu.memory_space<vmem>> -> memref<40xi32, #tpu.memory_space<vmem>>
    %dma_start3A_89 = arith.constant 0 : i32
    %dma_start3A_90 = arith.constant 0 : i32
    %dma_start3A_91 = tpu.memref_slice %arg3[%dma_start3A_89, %dma_start3A_90] : memref<1000000x64xf32, #tpu.memory_space<hbm>> -> memref<1000000x64xf32, #tpu.memory_space<hbm>>
    tpu.enqueue_indirect_dma source(%dma_start3A_91 : memref<1000000x64xf32, #tpu.memory_space<hbm>>) target(%dma_start3A_85 : memref<40x64xf32, #tpu.memory_space<vmem>>) offsets(%dma_start3A_88 : memref<40xi32, #tpu.memory_space<vmem>>) semaphore(%arg8 : memref<!tpu.dma_semaphore, #tpu.memory_space<semaphore_mem>>)
    %dma_start3A_92 = arith.constant 1 : i32
    %dma_start3A_93 = arith.constant 360 : i32
    %dma_start3A_94 = arith.constant 0 : i32
    %dma_start3A_95 = tpu.memref_slice %arg6[%dma_start3A_93, %dma_start3A_94] : memref<800x64xf32, #tpu.memory_space<vmem>> -> memref<40x64xf32, #tpu.memory_space<vmem>>
    %dma_start3A_96 = arith.constant 160 : i32
    %dma_start3A_97 = tpu.memref_slice %arg5[%dma_start3A_92, %dma_start3A_96] : memref<128x200xi32, #tpu.memory_space<vmem>> -> memref<1x40xi32, #tpu.memory_space<vmem>>
    %dma_start3A_98 = tpu.memref_squeeze %dma_start3A_97 : memref<1x40xi32, #tpu.memory_space<vmem>> -> memref<40xi32, #tpu.memory_space<vmem>>
    %dma_start3A_99 = arith.constant 0 : i32
    %dma_start3A_100 = arith.constant 0 : i32
    %dma_start3A_101 = tpu.memref_slice %arg3[%dma_start3A_99, %dma_start3A_100] : memref<1000000x64xf32, #tpu.memory_space<hbm>> -> memref<1000000x64xf32, #tpu.memory_space<hbm>>
    tpu.enqueue_indirect_dma source(%dma_start3A_101 : memref<1000000x64xf32, #tpu.memory_space<hbm>>) target(%dma_start3A_95 : memref<40x64xf32, #tpu.memory_space<vmem>>) offsets(%dma_start3A_98 : memref<40xi32, #tpu.memory_space<vmem>>) semaphore(%arg8 : memref<!tpu.dma_semaphore, #tpu.memory_space<semaphore_mem>>)
    %scan3A = arith.constant 0 : i32
    %scan3A_102 = arith.constant 0 : i32
    %scan3A_103 = arith.constant 63 : i32
    %scan3A_104 = arith.addi %scan3A_102, %scan3A_103 : i32
    %scan3A_105 = arith.constant 1 : i32
    scf.for %scan3A_642 = %scan3A_102 to %scan3A_104 step %scan3A_105  : i32 {
      %add3A_643 = arith.constant 1 : i32
      %add3A_644 = arith.addi %scan3A_642, %add3A_643 : i32
      %add3A_645 = arith.constant 1 : i32
      %add3A_646 = arith.addi %scan3A_642, %add3A_645 : i32
      %jit3A = arith.constant 2 : i32
      %eq3A = arith.constant 0 : i32
      %eq3A_647 = arith.cmpi eq, %jit3A, %eq3A : i32
      %jit3A_648 = arith.constant 1 : i32
      %select_n3A = arith.select %eq3A_647, %jit3A_648, %jit3A : i32
      %rem3A = arith.remsi %add3A_646, %select_n3A : i32
      %ne3A = arith.constant 0 : i32
      %ne3A_649 = arith.cmpi ne, %rem3A, %ne3A : i32
      %lt3A = arith.constant 0 : i32
      %lt3A_650 = arith.cmpi slt, %rem3A, %lt3A : i32
      %lt3A_651 = arith.constant 0 : i32
      %lt3A_652 = arith.cmpi slt, %select_n3A, %lt3A_651 : i32
      %ne3A_653 = arith.xori %lt3A_650, %lt3A_652 : i1
      %and3A = arith.andi %ne3A_653, %ne3A_649 : i1
      %add3A_654 = arith.addi %rem3A, %select_n3A : i32
      %select_n3A_655 = arith.select %and3A, %add3A_654, %rem3A : i32
      %mul3A_656 = arith.constant 2 : i32
      %mul3A_657 = arith.muli %add3A_644, %mul3A_656 : i32
      %add3A_658 = arith.constant 0 : i32
      %add3A_659 = arith.addi %mul3A_657, %add3A_658 : i32
      %mul3A_660 = arith.constant 400 : i32
      %mul3A_661 = arith.muli %select_n3A_655, %mul3A_660 : i32
      %add3A_662 = arith.constant 0 : i32
      %add3A_663 = arith.addi %mul3A_661, %add3A_662 : i32
      %mul3A_664 = arith.constant 2 : i32
      %mul3A_665 = arith.muli %add3A_644, %mul3A_664 : i32
      %add3A_666 = arith.constant 0 : i32
      %add3A_667 = arith.addi %mul3A_665, %add3A_666 : i32
      %mul3A_668 = arith.constant 400 : i32
      %mul3A_669 = arith.muli %select_n3A_655, %mul3A_668 : i32
      %add3A_670 = arith.constant 40 : i32
      %add3A_671 = arith.addi %mul3A_669, %add3A_670 : i32
      %mul3A_672 = arith.constant 2 : i32
      %mul3A_673 = arith.muli %add3A_644, %mul3A_672 : i32
      %add3A_674 = arith.constant 0 : i32
      %add3A_675 = arith.addi %mul3A_673, %add3A_674 : i32
      %mul3A_676 = arith.constant 400 : i32
      %mul3A_677 = arith.muli %select_n3A_655, %mul3A_676 : i32
      %add3A_678 = arith.constant 80 : i32
      %add3A_679 = arith.addi %mul3A_677, %add3A_678 : i32
      %mul3A_680 = arith.constant 2 : i32
      %mul3A_681 = arith.muli %add3A_644, %mul3A_680 : i32
      %add3A_682 = arith.constant 0 : i32
      %add3A_683 = arith.addi %mul3A_681, %add3A_682 : i32
      %mul3A_684 = arith.constant 400 : i32
      %mul3A_685 = arith.muli %select_n3A_655, %mul3A_684 : i32
      %add3A_686 = arith.constant 120 : i32
      %add3A_687 = arith.addi %mul3A_685, %add3A_686 : i32
      %mul3A_688 = arith.constant 2 : i32
      %mul3A_689 = arith.muli %add3A_644, %mul3A_688 : i32
      %add3A_690 = arith.constant 0 : i32
      %add3A_691 = arith.addi %mul3A_689, %add3A_690 : i32
      %mul3A_692 = arith.constant 400 : i32
      %mul3A_693 = arith.muli %select_n3A_655, %mul3A_692 : i32
      %add3A_694 = arith.constant 160 : i32
      %add3A_695 = arith.addi %mul3A_693, %add3A_694 : i32
      %mul3A_696 = arith.constant 2 : i32
      %mul3A_697 = arith.muli %add3A_644, %mul3A_696 : i32
      %add3A_698 = arith.constant 1 : i32
      %add3A_699 = arith.addi %mul3A_697, %add3A_698 : i32
      %mul3A_700 = arith.constant 400 : i32
      %mul3A_701 = arith.muli %select_n3A_655, %mul3A_700 : i32
      %add3A_702 = arith.constant 200 : i32
      %add3A_703 = arith.addi %mul3A_701, %add3A_702 : i32
      %mul3A_704 = arith.constant 2 : i32
      %mul3A_705 = arith.muli %add3A_644, %mul3A_704 : i32
      %add3A_706 = arith.constant 1 : i32
      %add3A_707 = arith.addi %mul3A_705, %add3A_706 : i32
      %mul3A_708 = arith.constant 400 : i32
      %mul3A_709 = arith.muli %select_n3A_655, %mul3A_708 : i32
      %add3A_710 = arith.constant 240 : i32
      %add3A_711 = arith.addi %mul3A_709, %add3A_710 : i32
      %mul3A_712 = arith.constant 2 : i32
      %mul3A_713 = arith.muli %add3A_644, %mul3A_712 : i32
      %add3A_714 = arith.constant 1 : i32
      %add3A_715 = arith.addi %mul3A_713, %add3A_714 : i32
      %mul3A_716 = arith.constant 400 : i32
      %mul3A_717 = arith.muli %select_n3A_655, %mul3A_716 : i32
      %add3A_718 = arith.constant 280 : i32
      %add3A_719 = arith.addi %mul3A_717, %add3A_718 : i32
      %mul3A_720 = arith.constant 2 : i32
      %mul3A_721 = arith.muli %add3A_644, %mul3A_720 : i32
      %add3A_722 = arith.constant 1 : i32
      %add3A_723 = arith.addi %mul3A_721, %add3A_722 : i32
      %mul3A_724 = arith.constant 400 : i32
      %mul3A_725 = arith.muli %select_n3A_655, %mul3A_724 : i32
      %add3A_726 = arith.constant 320 : i32
      %add3A_727 = arith.addi %mul3A_725, %add3A_726 : i32
      %mul3A_728 = arith.constant 2 : i32
      %mul3A_729 = arith.muli %add3A_644, %mul3A_728 : i32
      %add3A_730 = arith.constant 1 : i32
      %add3A_731 = arith.addi %mul3A_729, %add3A_730 : i32
      %mul3A_732 = arith.constant 400 : i32
      %mul3A_733 = arith.muli %select_n3A_655, %mul3A_732 : i32
      %add3A_734 = arith.constant 360 : i32
      %add3A_735 = arith.addi %mul3A_733, %add3A_734 : i32
      %dma_start3A_736 = arith.constant 0 : i32
      %dma_start3A_737 = tpu.memref_slice %arg6[%add3A_663, %dma_start3A_736] : memref<800x64xf32, #tpu.memory_space<vmem>> -> memref<40x64xf32, #tpu.memory_space<vmem>>
      %dma_start3A_738 = arith.constant 0 : i32
      %dma_start3A_739 = tpu.memref_slice %arg5[%add3A_659, %dma_start3A_738] : memref<128x200xi32, #tpu.memory_space<vmem>> -> memref<1x40xi32, #tpu.memory_space<vmem>>
      %dma_start3A_740 = tpu.memref_squeeze %dma_start3A_739 : memref<1x40xi32, #tpu.memory_space<vmem>> -> memref<40xi32, #tpu.memory_space<vmem>>
      %dma_start3A_741 = arith.constant 0 : i32
      %dma_start3A_742 = arith.constant 0 : i32
      %dma_start3A_743 = tpu.memref_slice %arg3[%dma_start3A_741, %dma_start3A_742] : memref<1000000x64xf32, #tpu.memory_space<hbm>> -> memref<1000000x64xf32, #tpu.memory_space<hbm>>
      tpu.enqueue_indirect_dma source(%dma_start3A_743 : memref<1000000x64xf32, #tpu.memory_space<hbm>>) target(%dma_start3A_737 : memref<40x64xf32, #tpu.memory_space<vmem>>) offsets(%dma_start3A_740 : memref<40xi32, #tpu.memory_space<vmem>>) semaphore(%arg8 : memref<!tpu.dma_semaphore, #tpu.memory_space<semaphore_mem>>)
      %dma_start3A_744 = arith.constant 0 : i32
      %dma_start3A_745 = tpu.memref_slice %arg6[%add3A_671, %dma_start3A_744] : memref<800x64xf32, #tpu.memory_space<vmem>> -> memref<40x64xf32, #tpu.memory_space<vmem>>
      %dma_start3A_746 = arith.constant 40 : i32
      %dma_start3A_747 = tpu.memref_slice %arg5[%add3A_667, %dma_start3A_746] : memref<128x200xi32, #tpu.memory_space<vmem>> -> memref<1x40xi32, #tpu.memory_space<vmem>>
      %dma_start3A_748 = tpu.memref_squeeze %dma_start3A_747 : memref<1x40xi32, #tpu.memory_space<vmem>> -> memref<40xi32, #tpu.memory_space<vmem>>
      %dma_start3A_749 = arith.constant 0 : i32
      %dma_start3A_750 = arith.constant 0 : i32
      %dma_start3A_751 = tpu.memref_slice %arg3[%dma_start3A_749, %dma_start3A_750] : memref<1000000x64xf32, #tpu.memory_space<hbm>> -> memref<1000000x64xf32, #tpu.memory_space<hbm>>
      tpu.enqueue_indirect_dma source(%dma_start3A_751 : memref<1000000x64xf32, #tpu.memory_space<hbm>>) target(%dma_start3A_745 : memref<40x64xf32, #tpu.memory_space<vmem>>) offsets(%dma_start3A_748 : memref<40xi32, #tpu.memory_space<vmem>>) semaphore(%arg8 : memref<!tpu.dma_semaphore, #tpu.memory_space<semaphore_mem>>)
      %dma_start3A_752 = arith.constant 0 : i32
      %dma_start3A_753 = tpu.memref_slice %arg6[%add3A_679, %dma_start3A_752] : memref<800x64xf32, #tpu.memory_space<vmem>> -> memref<40x64xf32, #tpu.memory_space<vmem>>
      %dma_start3A_754 = arith.constant 80 : i32
      %dma_start3A_755 = tpu.memref_slice %arg5[%add3A_675, %dma_start3A_754] : memref<128x200xi32, #tpu.memory_space<vmem>> -> memref<1x40xi32, #tpu.memory_space<vmem>>
      %dma_start3A_756 = tpu.memref_squeeze %dma_start3A_755 : memref<1x40xi32, #tpu.memory_space<vmem>> -> memref<40xi32, #tpu.memory_space<vmem>>
      %dma_start3A_757 = arith.constant 0 : i32
      %dma_start3A_758 = arith.constant 0 : i32
      %dma_start3A_759 = tpu.memref_slice %arg3[%dma_start3A_757, %dma_start3A_758] : memref<1000000x64xf32, #tpu.memory_space<hbm>> -> memref<1000000x64xf32, #tpu.memory_space<hbm>>
      tpu.enqueue_indirect_dma source(%dma_start3A_759 : memref<1000000x64xf32, #tpu.memory_space<hbm>>) target(%dma_start3A_753 : memref<40x64xf32, #tpu.memory_space<vmem>>) offsets(%dma_start3A_756 : memref<40xi32, #tpu.memory_space<vmem>>) semaphore(%arg8 : memref<!tpu.dma_semaphore, #tpu.memory_space<semaphore_mem>>)
      %dma_start3A_760 = arith.constant 0 : i32
      %dma_start3A_761 = tpu.memref_slice %arg6[%add3A_687, %dma_start3A_760] : memref<800x64xf32, #tpu.memory_space<vmem>> -> memref<40x64xf32, #tpu.memory_space<vmem>>
      %dma_start3A_762 = arith.constant 120 : i32
      %dma_start3A_763 = tpu.memref_slice %arg5[%add3A_683, %dma_start3A_762] : memref<128x200xi32, #tpu.memory_space<vmem>> -> memref<1x40xi32, #tpu.memory_space<vmem>>
      %dma_start3A_764 = tpu.memref_squeeze %dma_start3A_763 : memref<1x40xi32, #tpu.memory_space<vmem>> -> memref<40xi32, #tpu.memory_space<vmem>>
      %dma_start3A_765 = arith.constant 0 : i32
      %dma_start3A_766 = arith.constant 0 : i32
      %dma_start3A_767 = tpu.memref_slice %arg3[%dma_start3A_765, %dma_start3A_766] : memref<1000000x64xf32, #tpu.memory_space<hbm>> -> memref<1000000x64xf32, #tpu.memory_space<hbm>>
      tpu.enqueue_indirect_dma source(%dma_start3A_767 : memref<1000000x64xf32, #tpu.memory_space<hbm>>) target(%dma_start3A_761 : memref<40x64xf32, #tpu.memory_space<vmem>>) offsets(%dma_start3A_764 : memref<40xi32, #tpu.memory_space<vmem>>) semaphore(%arg8 : memref<!tpu.dma_semaphore, #tpu.memory_space<semaphore_mem>>)
      %dma_start3A_768 = arith.constant 0 : i32
      %dma_start3A_769 = tpu.memref_slice %arg6[%add3A_695, %dma_start3A_768] : memref<800x64xf32, #tpu.memory_space<vmem>> -> memref<40x64xf32, #tpu.memory_space<vmem>>
      %dma_start3A_770 = arith.constant 160 : i32
      %dma_start3A_771 = tpu.memref_slice %arg5[%add3A_691, %dma_start3A_770] : memref<128x200xi32, #tpu.memory_space<vmem>> -> memref<1x40xi32, #tpu.memory_space<vmem>>
      %dma_start3A_772 = tpu.memref_squeeze %dma_start3A_771 : memref<1x40xi32, #tpu.memory_space<vmem>> -> memref<40xi32, #tpu.memory_space<vmem>>
      %dma_start3A_773 = arith.constant 0 : i32
      %dma_start3A_774 = arith.constant 0 : i32
      %dma_start3A_775 = tpu.memref_slice %arg3[%dma_start3A_773, %dma_start3A_774] : memref<1000000x64xf32, #tpu.memory_space<hbm>> -> memref<1000000x64xf32, #tpu.memory_space<hbm>>
      tpu.enqueue_indirect_dma source(%dma_start3A_775 : memref<1000000x64xf32, #tpu.memory_space<hbm>>) target(%dma_start3A_769 : memref<40x64xf32, #tpu.memory_space<vmem>>) offsets(%dma_start3A_772 : memref<40xi32, #tpu.memory_space<vmem>>) semaphore(%arg8 : memref<!tpu.dma_semaphore, #tpu.memory_space<semaphore_mem>>)
      %dma_start3A_776 = arith.constant 0 : i32
      %dma_start3A_777 = tpu.memref_slice %arg6[%add3A_703, %dma_start3A_776] : memref<800x64xf32, #tpu.memory_space<vmem>> -> memref<40x64xf32, #tpu.memory_space<vmem>>
      %dma_start3A_778 = arith.constant 0 : i32
      %dma_start3A_779 = tpu.memref_slice %arg5[%add3A_699, %dma_start3A_778] : memref<128x200xi32, #tpu.memory_space<vmem>> -> memref<1x40xi32, #tpu.memory_space<vmem>>
      %dma_start3A_780 = tpu.memref_squeeze %dma_start3A_779 : memref<1x40xi32, #tpu.memory_space<vmem>> -> memref<40xi32, #tpu.memory_space<vmem>>
      %dma_start3A_781 = arith.constant 0 : i32
      %dma_start3A_782 = arith.constant 0 : i32
      %dma_start3A_783 = tpu.memref_slice %arg3[%dma_start3A_781, %dma_start3A_782] : memref<1000000x64xf32, #tpu.memory_space<hbm>> -> memref<1000000x64xf32, #tpu.memory_space<hbm>>
      tpu.enqueue_indirect_dma source(%dma_start3A_783 : memref<1000000x64xf32, #tpu.memory_space<hbm>>) target(%dma_start3A_777 : memref<40x64xf32, #tpu.memory_space<vmem>>) offsets(%dma_start3A_780 : memref<40xi32, #tpu.memory_space<vmem>>) semaphore(%arg8 : memref<!tpu.dma_semaphore, #tpu.memory_space<semaphore_mem>>)
      %dma_start3A_784 = arith.constant 0 : i32
      %dma_start3A_785 = tpu.memref_slice %arg6[%add3A_711, %dma_start3A_784] : memref<800x64xf32, #tpu.memory_space<vmem>> -> memref<40x64xf32, #tpu.memory_space<vmem>>
      %dma_start3A_786 = arith.constant 40 : i32
      %dma_start3A_787 = tpu.memref_slice %arg5[%add3A_707, %dma_start3A_786] : memref<128x200xi32, #tpu.memory_space<vmem>> -> memref<1x40xi32, #tpu.memory_space<vmem>>
      %dma_start3A_788 = tpu.memref_squeeze %dma_start3A_787 : memref<1x40xi32, #tpu.memory_space<vmem>> -> memref<40xi32, #tpu.memory_space<vmem>>
      %dma_start3A_789 = arith.constant 0 : i32
      %dma_start3A_790 = arith.constant 0 : i32
      %dma_start3A_791 = tpu.memref_slice %arg3[%dma_start3A_789, %dma_start3A_790] : memref<1000000x64xf32, #tpu.memory_space<hbm>> -> memref<1000000x64xf32, #tpu.memory_space<hbm>>
      tpu.enqueue_indirect_dma source(%dma_start3A_791 : memref<1000000x64xf32, #tpu.memory_space<hbm>>) target(%dma_start3A_785 : memref<40x64xf32, #tpu.memory_space<vmem>>) offsets(%dma_start3A_788 : memref<40xi32, #tpu.memory_space<vmem>>) semaphore(%arg8 : memref<!tpu.dma_semaphore, #tpu.memory_space<semaphore_mem>>)
      %dma_start3A_792 = arith.constant 0 : i32
      %dma_start3A_793 = tpu.memref_slice %arg6[%add3A_719, %dma_start3A_792] : memref<800x64xf32, #tpu.memory_space<vmem>> -> memref<40x64xf32, #tpu.memory_space<vmem>>
      %dma_start3A_794 = arith.constant 80 : i32
      %dma_start3A_795 = tpu.memref_slice %arg5[%add3A_715, %dma_start3A_794] : memref<128x200xi32, #tpu.memory_space<vmem>> -> memref<1x40xi32, #tpu.memory_space<vmem>>
      %dma_start3A_796 = tpu.memref_squeeze %dma_start3A_795 : memref<1x40xi32, #tpu.memory_space<vmem>> -> memref<40xi32, #tpu.memory_space<vmem>>
      %dma_start3A_797 = arith.constant 0 : i32
      %dma_start3A_798 = arith.constant 0 : i32
      %dma_start3A_799 = tpu.memref_slice %arg3[%dma_start3A_797, %dma_start3A_798] : memref<1000000x64xf32, #tpu.memory_space<hbm>> -> memref<1000000x64xf32, #tpu.memory_space<hbm>>
      tpu.enqueue_indirect_dma source(%dma_start3A_799 : memref<1000000x64xf32, #tpu.memory_space<hbm>>) target(%dma_start3A_793 : memref<40x64xf32, #tpu.memory_space<vmem>>) offsets(%dma_start3A_796 : memref<40xi32, #tpu.memory_space<vmem>>) semaphore(%arg8 : memref<!tpu.dma_semaphore, #tpu.memory_space<semaphore_mem>>)
      %dma_start3A_800 = arith.constant 0 : i32
      %dma_start3A_801 = tpu.memref_slice %arg6[%add3A_727, %dma_start3A_800] : memref<800x64xf32, #tpu.memory_space<vmem>> -> memref<40x64xf32, #tpu.memory_space<vmem>>
      %dma_start3A_802 = arith.constant 120 : i32
      %dma_start3A_803 = tpu.memref_slice %arg5[%add3A_723, %dma_start3A_802] : memref<128x200xi32, #tpu.memory_space<vmem>> -> memref<1x40xi32, #tpu.memory_space<vmem>>
      %dma_start3A_804 = tpu.memref_squeeze %dma_start3A_803 : memref<1x40xi32, #tpu.memory_space<vmem>> -> memref<40xi32, #tpu.memory_space<vmem>>
      %dma_start3A_805 = arith.constant 0 : i32
      %dma_start3A_806 = arith.constant 0 : i32
      %dma_start3A_807 = tpu.memref_slice %arg3[%dma_start3A_805, %dma_start3A_806] : memref<1000000x64xf32, #tpu.memory_space<hbm>> -> memref<1000000x64xf32, #tpu.memory_space<hbm>>
      tpu.enqueue_indirect_dma source(%dma_start3A_807 : memref<1000000x64xf32, #tpu.memory_space<hbm>>) target(%dma_start3A_801 : memref<40x64xf32, #tpu.memory_space<vmem>>) offsets(%dma_start3A_804 : memref<40xi32, #tpu.memory_space<vmem>>) semaphore(%arg8 : memref<!tpu.dma_semaphore, #tpu.memory_space<semaphore_mem>>)
      %dma_start3A_808 = arith.constant 0 : i32
      %dma_start3A_809 = tpu.memref_slice %arg6[%add3A_735, %dma_start3A_808] : memref<800x64xf32, #tpu.memory_space<vmem>> -> memref<40x64xf32, #tpu.memory_space<vmem>>
      %dma_start3A_810 = arith.constant 160 : i32
      %dma_start3A_811 = tpu.memref_slice %arg5[%add3A_731, %dma_start3A_810] : memref<128x200xi32, #tpu.memory_space<vmem>> -> memref<1x40xi32, #tpu.memory_space<vmem>>
      %dma_start3A_812 = tpu.memref_squeeze %dma_start3A_811 : memref<1x40xi32, #tpu.memory_space<vmem>> -> memref<40xi32, #tpu.memory_space<vmem>>
      %dma_start3A_813 = arith.constant 0 : i32
      %dma_start3A_814 = arith.constant 0 : i32
      %dma_start3A_815 = tpu.memref_slice %arg3[%dma_start3A_813, %dma_start3A_814] : memref<1000000x64xf32, #tpu.memory_space<hbm>> -> memref<1000000x64xf32, #tpu.memory_space<hbm>>
      tpu.enqueue_indirect_dma source(%dma_start3A_815 : memref<1000000x64xf32, #tpu.memory_space<hbm>>) target(%dma_start3A_809 : memref<40x64xf32, #tpu.memory_space<vmem>>) offsets(%dma_start3A_812 : memref<40xi32, #tpu.memory_space<vmem>>) semaphore(%arg8 : memref<!tpu.dma_semaphore, #tpu.memory_space<semaphore_mem>>)
      %jit3A_816 = arith.constant 2 : i32
      %eq3A_817 = arith.constant 0 : i32
      %eq3A_818 = arith.cmpi eq, %jit3A_816, %eq3A_817 : i32
      %jit3A_819 = arith.constant 1 : i32
      %select_n3A_820 = arith.select %eq3A_818, %jit3A_819, %jit3A_816 : i32
      %rem3A_821 = arith.remsi %scan3A_642, %select_n3A_820 : i32
      %ne3A_822 = arith.constant 0 : i32
      %ne3A_823 = arith.cmpi ne, %rem3A_821, %ne3A_822 : i32
      %lt3A_824 = arith.constant 0 : i32
      %lt3A_825 = arith.cmpi slt, %rem3A_821, %lt3A_824 : i32
      %lt3A_826 = arith.constant 0 : i32
      %lt3A_827 = arith.cmpi slt, %select_n3A_820, %lt3A_826 : i32
      %ne3A_828 = arith.xori %lt3A_825, %lt3A_827 : i1
      %and3A_829 = arith.andi %ne3A_828, %ne3A_823 : i1
      %add3A_830 = arith.addi %rem3A_821, %select_n3A_820 : i32
      %select_n3A_831 = arith.select %and3A_829, %add3A_830, %rem3A_821 : i32
      %mul3A_832 = arith.constant 2 : i32
      %mul3A_833 = arith.muli %scan3A_642, %mul3A_832 : i32
      %add3A_834 = arith.constant 0 : i32
      %add3A_835 = arith.addi %mul3A_833, %add3A_834 : i32
      %mul3A_836 = arith.constant 400 : i32
      %mul3A_837 = arith.muli %select_n3A_831, %mul3A_836 : i32
      %add3A_838 = arith.constant 0 : i32
      %add3A_839 = arith.addi %mul3A_837, %add3A_838 : i32
      %mul3A_840 = arith.constant 2 : i32
      %mul3A_841 = arith.muli %scan3A_642, %mul3A_840 : i32
      %add3A_842 = arith.constant 0 : i32
      %add3A_843 = arith.addi %mul3A_841, %add3A_842 : i32
      %mul3A_844 = arith.constant 400 : i32
      %mul3A_845 = arith.muli %select_n3A_831, %mul3A_844 : i32
      %add3A_846 = arith.constant 40 : i32
      %add3A_847 = arith.addi %mul3A_845, %add3A_846 : i32
      %mul3A_848 = arith.constant 2 : i32
      %mul3A_849 = arith.muli %scan3A_642, %mul3A_848 : i32
      %add3A_850 = arith.constant 0 : i32
      %add3A_851 = arith.addi %mul3A_849, %add3A_850 : i32
      %mul3A_852 = arith.constant 400 : i32
      %mul3A_853 = arith.muli %select_n3A_831, %mul3A_852 : i32
      %add3A_854 = arith.constant 80 : i32
      %add3A_855 = arith.addi %mul3A_853, %add3A_854 : i32
      %mul3A_856 = arith.constant 2 : i32
      %mul3A_857 = arith.muli %scan3A_642, %mul3A_856 : i32
      %add3A_858 = arith.constant 0 : i32
      %add3A_859 = arith.addi %mul3A_857, %add3A_858 : i32
      %mul3A_860 = arith.constant 400 : i32
      %mul3A_861 = arith.muli %select_n3A_831, %mul3A_860 : i32
      %add3A_862 = arith.constant 120 : i32
      %add3A_863 = arith.addi %mul3A_861, %add3A_862 : i32
      %mul3A_864 = arith.constant 2 : i32
      %mul3A_865 = arith.muli %scan3A_642, %mul3A_864 : i32
      %add3A_866 = arith.constant 0 : i32
      %add3A_867 = arith.addi %mul3A_865, %add3A_866 : i32
      %mul3A_868 = arith.constant 400 : i32
      %mul3A_869 = arith.muli %select_n3A_831, %mul3A_868 : i32
      %add3A_870 = arith.constant 160 : i32
      %add3A_871 = arith.addi %mul3A_869, %add3A_870 : i32
      %mul3A_872 = arith.constant 2 : i32
      %mul3A_873 = arith.muli %scan3A_642, %mul3A_872 : i32
      %add3A_874 = arith.constant 1 : i32
      %add3A_875 = arith.addi %mul3A_873, %add3A_874 : i32
      %mul3A_876 = arith.constant 400 : i32
      %mul3A_877 = arith.muli %select_n3A_831, %mul3A_876 : i32
      %add3A_878 = arith.constant 200 : i32
      %add3A_879 = arith.addi %mul3A_877, %add3A_878 : i32
      %mul3A_880 = arith.constant 2 : i32
      %mul3A_881 = arith.muli %scan3A_642, %mul3A_880 : i32
      %add3A_882 = arith.constant 1 : i32
      %add3A_883 = arith.addi %mul3A_881, %add3A_882 : i32
      %mul3A_884 = arith.constant 400 : i32
      %mul3A_885 = arith.muli %select_n3A_831, %mul3A_884 : i32
      %add3A_886 = arith.constant 240 : i32
      %add3A_887 = arith.addi %mul3A_885, %add3A_886 : i32
      %mul3A_888 = arith.constant 2 : i32
      %mul3A_889 = arith.muli %scan3A_642, %mul3A_888 : i32
      %add3A_890 = arith.constant 1 : i32
      %add3A_891 = arith.addi %mul3A_889, %add3A_890 : i32
      %mul3A_892 = arith.constant 400 : i32
      %mul3A_893 = arith.muli %select_n3A_831, %mul3A_892 : i32
      %add3A_894 = arith.constant 280 : i32
      %add3A_895 = arith.addi %mul3A_893, %add3A_894 : i32
      %mul3A_896 = arith.constant 2 : i32
      %mul3A_897 = arith.muli %scan3A_642, %mul3A_896 : i32
      %add3A_898 = arith.constant 1 : i32
      %add3A_899 = arith.addi %mul3A_897, %add3A_898 : i32
      %mul3A_900 = arith.constant 400 : i32
      %mul3A_901 = arith.muli %select_n3A_831, %mul3A_900 : i32
      %add3A_902 = arith.constant 320 : i32
      %add3A_903 = arith.addi %mul3A_901, %add3A_902 : i32
      %mul3A_904 = arith.constant 2 : i32
      %mul3A_905 = arith.muli %scan3A_642, %mul3A_904 : i32
      %add3A_906 = arith.constant 1 : i32
      %add3A_907 = arith.addi %mul3A_905, %add3A_906 : i32
      %mul3A_908 = arith.constant 400 : i32
      %mul3A_909 = arith.muli %select_n3A_831, %mul3A_908 : i32
      %add3A_910 = arith.constant 360 : i32
      %add3A_911 = arith.addi %mul3A_909, %add3A_910 : i32
      %dma_wait3A_912 = arith.constant 0 : i32
      %dma_wait3A_913 = tpu.memref_slice %arg6[%add3A_839, %dma_wait3A_912] : memref<800x64xf32, #tpu.memory_space<vmem>> -> memref<40x64xf32, #tpu.memory_space<vmem>>
      %dma_wait3A_914 = arith.constant 0 : i32
      %dma_wait3A_915 = tpu.memref_slice %arg5[%add3A_835, %dma_wait3A_914] : memref<128x200xi32, #tpu.memory_space<vmem>> -> memref<1x40xi32, #tpu.memory_space<vmem>>
      %dma_wait3A_916 = tpu.memref_squeeze %dma_wait3A_915 : memref<1x40xi32, #tpu.memory_space<vmem>> -> memref<40xi32, #tpu.memory_space<vmem>>
      %dma_wait3A_917 = arith.constant 0 : i32
      %dma_wait3A_918 = arith.constant 0 : i32
      %dma_wait3A_919 = tpu.memref_slice %arg3[%dma_wait3A_917, %dma_wait3A_918] : memref<1000000x64xf32, #tpu.memory_space<hbm>> -> memref<1000000x64xf32, #tpu.memory_space<hbm>>
      tpu.wait_indirect_dma semaphore(%arg8 : memref<!tpu.dma_semaphore, #tpu.memory_space<semaphore_mem>>) src(%dma_wait3A_919 : memref<1000000x64xf32, #tpu.memory_space<hbm>>) dst(%dma_wait3A_913 : memref<40x64xf32, #tpu.memory_space<vmem>>)
      %dma_wait3A_920 = arith.constant 0 : i32
      %dma_wait3A_921 = tpu.memref_slice %arg6[%add3A_847, %dma_wait3A_920] : memref<800x64xf32, #tpu.memory_space<vmem>> -> memref<40x64xf32, #tpu.memory_space<vmem>>
      %dma_wait3A_922 = arith.constant 40 : i32
      %dma_wait3A_923 = tpu.memref_slice %arg5[%add3A_843, %dma_wait3A_922] : memref<128x200xi32, #tpu.memory_space<vmem>> -> memref<1x40xi32, #tpu.memory_space<vmem>>
      %dma_wait3A_924 = tpu.memref_squeeze %dma_wait3A_923 : memref<1x40xi32, #tpu.memory_space<vmem>> -> memref<40xi32, #tpu.memory_space<vmem>>
      %dma_wait3A_925 = arith.constant 0 : i32
      %dma_wait3A_926 = arith.constant 0 : i32
      %dma_wait3A_927 = tpu.memref_slice %arg3[%dma_wait3A_925, %dma_wait3A_926] : memref<1000000x64xf32, #tpu.memory_space<hbm>> -> memref<1000000x64xf32, #tpu.memory_space<hbm>>
      tpu.wait_indirect_dma semaphore(%arg8 : memref<!tpu.dma_semaphore, #tpu.memory_space<semaphore_mem>>) src(%dma_wait3A_927 : memref<1000000x64xf32, #tpu.memory_space<hbm>>) dst(%dma_wait3A_921 : memref<40x64xf32, #tpu.memory_space<vmem>>)
      %dma_wait3A_928 = arith.constant 0 : i32
      %dma_wait3A_929 = tpu.memref_slice %arg6[%add3A_855, %dma_wait3A_928] : memref<800x64xf32, #tpu.memory_space<vmem>> -> memref<40x64xf32, #tpu.memory_space<vmem>>
      %dma_wait3A_930 = arith.constant 80 : i32
      %dma_wait3A_931 = tpu.memref_slice %arg5[%add3A_851, %dma_wait3A_930] : memref<128x200xi32, #tpu.memory_space<vmem>> -> memref<1x40xi32, #tpu.memory_space<vmem>>
      %dma_wait3A_932 = tpu.memref_squeeze %dma_wait3A_931 : memref<1x40xi32, #tpu.memory_space<vmem>> -> memref<40xi32, #tpu.memory_space<vmem>>
      %dma_wait3A_933 = arith.constant 0 : i32
      %dma_wait3A_934 = arith.constant 0 : i32
      %dma_wait3A_935 = tpu.memref_slice %arg3[%dma_wait3A_933, %dma_wait3A_934] : memref<1000000x64xf32, #tpu.memory_space<hbm>> -> memref<1000000x64xf32, #tpu.memory_space<hbm>>
      tpu.wait_indirect_dma semaphore(%arg8 : memref<!tpu.dma_semaphore, #tpu.memory_space<semaphore_mem>>) src(%dma_wait3A_935 : memref<1000000x64xf32, #tpu.memory_space<hbm>>) dst(%dma_wait3A_929 : memref<40x64xf32, #tpu.memory_space<vmem>>)
      %dma_wait3A_936 = arith.constant 0 : i32
      %dma_wait3A_937 = tpu.memref_slice %arg6[%add3A_863, %dma_wait3A_936] : memref<800x64xf32, #tpu.memory_space<vmem>> -> memref<40x64xf32, #tpu.memory_space<vmem>>
      %dma_wait3A_938 = arith.constant 120 : i32
      %dma_wait3A_939 = tpu.memref_slice %arg5[%add3A_859, %dma_wait3A_938] : memref<128x200xi32, #tpu.memory_space<vmem>> -> memref<1x40xi32, #tpu.memory_space<vmem>>
      %dma_wait3A_940 = tpu.memref_squeeze %dma_wait3A_939 : memref<1x40xi32, #tpu.memory_space<vmem>> -> memref<40xi32, #tpu.memory_space<vmem>>
      %dma_wait3A_941 = arith.constant 0 : i32
      %dma_wait3A_942 = arith.constant 0 : i32
      %dma_wait3A_943 = tpu.memref_slice %arg3[%dma_wait3A_941, %dma_wait3A_942] : memref<1000000x64xf32, #tpu.memory_space<hbm>> -> memref<1000000x64xf32, #tpu.memory_space<hbm>>
      tpu.wait_indirect_dma semaphore(%arg8 : memref<!tpu.dma_semaphore, #tpu.memory_space<semaphore_mem>>) src(%dma_wait3A_943 : memref<1000000x64xf32, #tpu.memory_space<hbm>>) dst(%dma_wait3A_937 : memref<40x64xf32, #tpu.memory_space<vmem>>)
      %dma_wait3A_944 = arith.constant 0 : i32
      %dma_wait3A_945 = tpu.memref_slice %arg6[%add3A_871, %dma_wait3A_944] : memref<800x64xf32, #tpu.memory_space<vmem>> -> memref<40x64xf32, #tpu.memory_space<vmem>>
      %dma_wait3A_946 = arith.constant 160 : i32
      %dma_wait3A_947 = tpu.memref_slice %arg5[%add3A_867, %dma_wait3A_946] : memref<128x200xi32, #tpu.memory_space<vmem>> -> memref<1x40xi32, #tpu.memory_space<vmem>>
      %dma_wait3A_948 = tpu.memref_squeeze %dma_wait3A_947 : memref<1x40xi32, #tpu.memory_space<vmem>> -> memref<40xi32, #tpu.memory_space<vmem>>
      %dma_wait3A_949 = arith.constant 0 : i32
      %dma_wait3A_950 = arith.constant 0 : i32
      %dma_wait3A_951 = tpu.memref_slice %arg3[%dma_wait3A_949, %dma_wait3A_950] : memref<1000000x64xf32, #tpu.memory_space<hbm>> -> memref<1000000x64xf32, #tpu.memory_space<hbm>>
      tpu.wait_indirect_dma semaphore(%arg8 : memref<!tpu.dma_semaphore, #tpu.memory_space<semaphore_mem>>) src(%dma_wait3A_951 : memref<1000000x64xf32, #tpu.memory_space<hbm>>) dst(%dma_wait3A_945 : memref<40x64xf32, #tpu.memory_space<vmem>>)
      %dma_wait3A_952 = arith.constant 0 : i32
      %dma_wait3A_953 = tpu.memref_slice %arg6[%add3A_879, %dma_wait3A_952] : memref<800x64xf32, #tpu.memory_space<vmem>> -> memref<40x64xf32, #tpu.memory_space<vmem>>
      %dma_wait3A_954 = arith.constant 0 : i32
      %dma_wait3A_955 = tpu.memref_slice %arg5[%add3A_875, %dma_wait3A_954] : memref<128x200xi32, #tpu.memory_space<vmem>> -> memref<1x40xi32, #tpu.memory_space<vmem>>
      %dma_wait3A_956 = tpu.memref_squeeze %dma_wait3A_955 : memref<1x40xi32, #tpu.memory_space<vmem>> -> memref<40xi32, #tpu.memory_space<vmem>>
      %dma_wait3A_957 = arith.constant 0 : i32
      %dma_wait3A_958 = arith.constant 0 : i32
      %dma_wait3A_959 = tpu.memref_slice %arg3[%dma_wait3A_957, %dma_wait3A_958] : memref<1000000x64xf32, #tpu.memory_space<hbm>> -> memref<1000000x64xf32, #tpu.memory_space<hbm>>
      tpu.wait_indirect_dma semaphore(%arg8 : memref<!tpu.dma_semaphore, #tpu.memory_space<semaphore_mem>>) src(%dma_wait3A_959 : memref<1000000x64xf32, #tpu.memory_space<hbm>>) dst(%dma_wait3A_953 : memref<40x64xf32, #tpu.memory_space<vmem>>)
      %dma_wait3A_960 = arith.constant 0 : i32
      %dma_wait3A_961 = tpu.memref_slice %arg6[%add3A_887, %dma_wait3A_960] : memref<800x64xf32, #tpu.memory_space<vmem>> -> memref<40x64xf32, #tpu.memory_space<vmem>>
      %dma_wait3A_962 = arith.constant 40 : i32
      %dma_wait3A_963 = tpu.memref_slice %arg5[%add3A_883, %dma_wait3A_962] : memref<128x200xi32, #tpu.memory_space<vmem>> -> memref<1x40xi32, #tpu.memory_space<vmem>>
      %dma_wait3A_964 = tpu.memref_squeeze %dma_wait3A_963 : memref<1x40xi32, #tpu.memory_space<vmem>> -> memref<40xi32, #tpu.memory_space<vmem>>
      %dma_wait3A_965 = arith.constant 0 : i32
      %dma_wait3A_966 = arith.constant 0 : i32
      %dma_wait3A_967 = tpu.memref_slice %arg3[%dma_wait3A_965, %dma_wait3A_966] : memref<1000000x64xf32, #tpu.memory_space<hbm>> -> memref<1000000x64xf32, #tpu.memory_space<hbm>>
      tpu.wait_indirect_dma semaphore(%arg8 : memref<!tpu.dma_semaphore, #tpu.memory_space<semaphore_mem>>) src(%dma_wait3A_967 : memref<1000000x64xf32, #tpu.memory_space<hbm>>) dst(%dma_wait3A_961 : memref<40x64xf32, #tpu.memory_space<vmem>>)
      %dma_wait3A_968 = arith.constant 0 : i32
      %dma_wait3A_969 = tpu.memref_slice %arg6[%add3A_895, %dma_wait3A_968] : memref<800x64xf32, #tpu.memory_space<vmem>> -> memref<40x64xf32, #tpu.memory_space<vmem>>
      %dma_wait3A_970 = arith.constant 80 : i32
      %dma_wait3A_971 = tpu.memref_slice %arg5[%add3A_891, %dma_wait3A_970] : memref<128x200xi32, #tpu.memory_space<vmem>> -> memref<1x40xi32, #tpu.memory_space<vmem>>
      %dma_wait3A_972 = tpu.memref_squeeze %dma_wait3A_971 : memref<1x40xi32, #tpu.memory_space<vmem>> -> memref<40xi32, #tpu.memory_space<vmem>>
      %dma_wait3A_973 = arith.constant 0 : i32
      %dma_wait3A_974 = arith.constant 0 : i32
      %dma_wait3A_975 = tpu.memref_slice %arg3[%dma_wait3A_973, %dma_wait3A_974] : memref<1000000x64xf32, #tpu.memory_space<hbm>> -> memref<1000000x64xf32, #tpu.memory_space<hbm>>
      tpu.wait_indirect_dma semaphore(%arg8 : memref<!tpu.dma_semaphore, #tpu.memory_space<semaphore_mem>>) src(%dma_wait3A_975 : memref<1000000x64xf32, #tpu.memory_space<hbm>>) dst(%dma_wait3A_969 : memref<40x64xf32, #tpu.memory_space<vmem>>)
      %dma_wait3A_976 = arith.constant 0 : i32
      %dma_wait3A_977 = tpu.memref_slice %arg6[%add3A_903, %dma_wait3A_976] : memref<800x64xf32, #tpu.memory_space<vmem>> -> memref<40x64xf32, #tpu.memory_space<vmem>>
      %dma_wait3A_978 = arith.constant 120 : i32
      %dma_wait3A_979 = tpu.memref_slice %arg5[%add3A_899, %dma_wait3A_978] : memref<128x200xi32, #tpu.memory_space<vmem>> -> memref<1x40xi32, #tpu.memory_space<vmem>>
      %dma_wait3A_980 = tpu.memref_squeeze %dma_wait3A_979 : memref<1x40xi32, #tpu.memory_space<vmem>> -> memref<40xi32, #tpu.memory_space<vmem>>
      %dma_wait3A_981 = arith.constant 0 : i32
      %dma_wait3A_982 = arith.constant 0 : i32
      %dma_wait3A_983 = tpu.memref_slice %arg3[%dma_wait3A_981, %dma_wait3A_982] : memref<1000000x64xf32, #tpu.memory_space<hbm>> -> memref<1000000x64xf32, #tpu.memory_space<hbm>>
      tpu.wait_indirect_dma semaphore(%arg8 : memref<!tpu.dma_semaphore, #tpu.memory_space<semaphore_mem>>) src(%dma_wait3A_983 : memref<1000000x64xf32, #tpu.memory_space<hbm>>) dst(%dma_wait3A_977 : memref<40x64xf32, #tpu.memory_space<vmem>>)
      %dma_wait3A_984 = arith.constant 0 : i32
      %dma_wait3A_985 = tpu.memref_slice %arg6[%add3A_911, %dma_wait3A_984] : memref<800x64xf32, #tpu.memory_space<vmem>> -> memref<40x64xf32, #tpu.memory_space<vmem>>
      %dma_wait3A_986 = arith.constant 160 : i32
      %dma_wait3A_987 = tpu.memref_slice %arg5[%add3A_907, %dma_wait3A_986] : memref<128x200xi32, #tpu.memory_space<vmem>> -> memref<1x40xi32, #tpu.memory_space<vmem>>
      %dma_wait3A_988 = tpu.memref_squeeze %dma_wait3A_987 : memref<1x40xi32, #tpu.memory_space<vmem>> -> memref<40xi32, #tpu.memory_space<vmem>>
      %dma_wait3A_989 = arith.constant 0 : i32
      %dma_wait3A_990 = arith.constant 0 : i32
      %dma_wait3A_991 = tpu.memref_slice %arg3[%dma_wait3A_989, %dma_wait3A_990] : memref<1000000x64xf32, #tpu.memory_space<hbm>> -> memref<1000000x64xf32, #tpu.memory_space<hbm>>
      tpu.wait_indirect_dma semaphore(%arg8 : memref<!tpu.dma_semaphore, #tpu.memory_space<semaphore_mem>>) src(%dma_wait3A_991 : memref<1000000x64xf32, #tpu.memory_space<hbm>>) dst(%dma_wait3A_985 : memref<40x64xf32, #tpu.memory_space<vmem>>)
      %jit3A_992 = arith.constant 2 : i32
      %eq3A_993 = arith.constant 0 : i32
      %eq3A_994 = arith.cmpi eq, %jit3A_992, %eq3A_993 : i32
      %jit3A_995 = arith.constant 1 : i32
      %select_n3A_996 = arith.select %eq3A_994, %jit3A_995, %jit3A_992 : i32
      %rem3A_997 = arith.remsi %scan3A_642, %select_n3A_996 : i32
      %ne3A_998 = arith.constant 0 : i32
      %ne3A_999 = arith.cmpi ne, %rem3A_997, %ne3A_998 : i32
      %lt3A_1000 = arith.constant 0 : i32
      %lt3A_1001 = arith.cmpi slt, %rem3A_997, %lt3A_1000 : i32
      %lt3A_1002 = arith.constant 0 : i32
      %lt3A_1003 = arith.cmpi slt, %select_n3A_996, %lt3A_1002 : i32
      %ne3A_1004 = arith.xori %lt3A_1001, %lt3A_1003 : i1
      %and3A_1005 = arith.andi %ne3A_1004, %ne3A_999 : i1
      %add3A_1006 = arith.addi %rem3A_997, %select_n3A_996 : i32
      %select_n3A_1007 = arith.select %and3A_1005, %add3A_1006, %rem3A_997 : i32
      %mul3A_1008 = arith.constant 400 : i32
      %mul3A_1009 = arith.muli %select_n3A_1007, %mul3A_1008 : i32
      %add3A_1010 = arith.constant 0 : i32
      %add3A_1011 = arith.addi %mul3A_1009, %add3A_1010 : i32
      %get3A_1012 = arith.index_cast %add3A_1011 : i32 to index
      %get3A_1013 = arith.constant 0 : index
      %get3A_1014 = tpu.vector_load %arg6[%get3A_1012, %get3A_1013] {strides = array<i32>} : memref<800x64xf32, #tpu.memory_space<vmem>>, vector<1x16xf32>,
      %get3A_1015 = vector.shape_cast %get3A_1014 : vector<1x16xf32> to vector<16xf32>
      %get3A_1016 = arith.index_cast %add3A_1011 : i32 to index
      %get3A_1017 = arith.constant 16 : index
      %get3A_1018 = tpu.vector_load %arg6[%get3A_1016, %get3A_1017] {strides = array<i32>} : memref<800x64xf32, #tpu.memory_space<vmem>>, vector<1x16xf32>,
      %get3A_1019 = vector.shape_cast %get3A_1018 : vector<1x16xf32> to vector<16xf32>
      %get3A_1020 = arith.index_cast %add3A_1011 : i32 to index
      %get3A_1021 = arith.constant 32 : index
      %get3A_1022 = tpu.vector_load %arg6[%get3A_1020, %get3A_1021] {strides = array<i32>} : memref<800x64xf32, #tpu.memory_space<vmem>>, vector<1x16xf32>,
      %get3A_1023 = vector.shape_cast %get3A_1022 : vector<1x16xf32> to vector<16xf32>
      %get3A_1024 = arith.index_cast %add3A_1011 : i32 to index
      %get3A_1025 = arith.constant 48 : index
      %get3A_1026 = tpu.vector_load %arg6[%get3A_1024, %get3A_1025] {strides = array<i32>} : memref<800x64xf32, #tpu.memory_space<vmem>>, vector<1x16xf32>,
      %get3A_1027 = vector.shape_cast %get3A_1026 : vector<1x16xf32> to vector<16xf32>
      %scan3A_1028 = arith.constant 1 : i32
      %scan3A_1029 = arith.constant 192 : i32
      %scan3A_1030 = arith.addi %scan3A_1028, %scan3A_1029 : i32
      %scan3A_1031 = arith.constant 8 : i32
      %scan3A_1032:4 = scf.for %scan3A_1454 = %scan3A_1028 to %scan3A_1030 step %scan3A_1031 iter_args(%scan3A_1455 = %get3A_1015, %scan3A_1456 = %get3A_1019, %scan3A_1457 = %get3A_1023, %scan3A_1458 = %get3A_1027) -> (vector<16xf32>, vector<16xf32>, vector<16xf32>, vector<16xf32>)  : i32 {
        %add3A_1459 = arith.addi %add3A_1011, %scan3A_1454 : i32
        %get3A_1460 = arith.index_cast %add3A_1459 : i32 to index
        %get3A_1461 = arith.constant 0 : index
        %get3A_1462 = tpu.vector_load %arg6[%get3A_1460, %get3A_1461] {strides = array<i32>} : memref<800x64xf32, #tpu.memory_space<vmem>>, vector<1x16xf32>,
        %get3A_1463 = vector.shape_cast %get3A_1462 : vector<1x16xf32> to vector<16xf32>
        %add3A_1464 = arith.addf %scan3A_1455, %get3A_1463 : vector<16xf32>
        %get3A_1465 = arith.index_cast %add3A_1459 : i32 to index
        %get3A_1466 = arith.constant 16 : index
        %get3A_1467 = tpu.vector_load %arg6[%get3A_1465, %get3A_1466] {strides = array<i32>} : memref<800x64xf32, #tpu.memory_space<vmem>>, vector<1x16xf32>,
        %get3A_1468 = vector.shape_cast %get3A_1467 : vector<1x16xf32> to vector<16xf32>
        %add3A_1469 = arith.addf %scan3A_1456, %get3A_1468 : vector<16xf32>
        %get3A_1470 = arith.index_cast %add3A_1459 : i32 to index
        %get3A_1471 = arith.constant 32 : index
        %get3A_1472 = tpu.vector_load %arg6[%get3A_1470, %get3A_1471] {strides = array<i32>} : memref<800x64xf32, #tpu.memory_space<vmem>>, vector<1x16xf32>,
        %get3A_1473 = vector.shape_cast %get3A_1472 : vector<1x16xf32> to vector<16xf32>
        %add3A_1474 = arith.addf %scan3A_1457, %get3A_1473 : vector<16xf32>
        %get3A_1475 = arith.index_cast %add3A_1459 : i32 to index
        %get3A_1476 = arith.constant 48 : index
        %get3A_1477 = tpu.vector_load %arg6[%get3A_1475, %get3A_1476] {strides = array<i32>} : memref<800x64xf32, #tpu.memory_space<vmem>>, vector<1x16xf32>,
        %get3A_1478 = vector.shape_cast %get3A_1477 : vector<1x16xf32> to vector<16xf32>
        %add3A_1479 = arith.addf %scan3A_1458, %get3A_1478 : vector<16xf32>
        %scan3A_1480 = arith.constant 1 : i32
        %scan3A_1481 = arith.addi %scan3A_1454, %scan3A_1480 : i32
        %add3A_1482 = arith.addi %add3A_1011, %scan3A_1481 : i32
        %get3A_1483 = arith.index_cast %add3A_1482 : i32 to index
        %get3A_1484 = arith.constant 0 : index
        %get3A_1485 = tpu.vector_load %arg6[%get3A_1483, %get3A_1484] {strides = array<i32>} : memref<800x64xf32, #tpu.memory_space<vmem>>, vector<1x16xf32>,
        %get3A_1486 = vector.shape_cast %get3A_1485 : vector<1x16xf32> to vector<16xf32>
        %add3A_1487 = arith.addf %add3A_1464, %get3A_1486 : vector<16xf32>
        %get3A_1488 = arith.index_cast %add3A_1482 : i32 to index
        %get3A_1489 = arith.constant 16 : index
        %get3A_1490 = tpu.vector_load %arg6[%get3A_1488, %get3A_1489] {strides = array<i32>} : memref<800x64xf32, #tpu.memory_space<vmem>>, vector<1x16xf32>,
        %get3A_1491 = vector.shape_cast %get3A_1490 : vector<1x16xf32> to vector<16xf32>
        %add3A_1492 = arith.addf %add3A_1469, %get3A_1491 : vector<16xf32>
        %get3A_1493 = arith.index_cast %add3A_1482 : i32 to index
        %get3A_1494 = arith.constant 32 : index
        %get3A_1495 = tpu.vector_load %arg6[%get3A_1493, %get3A_1494] {strides = array<i32>} : memref<800x64xf32, #tpu.memory_space<vmem>>, vector<1x16xf32>,
        %get3A_1496 = vector.shape_cast %get3A_1495 : vector<1x16xf32> to vector<16xf32>
        %add3A_1497 = arith.addf %add3A_1474, %get3A_1496 : vector<16xf32>
        %get3A_1498 = arith.index_cast %add3A_1482 : i32 to index
        %get3A_1499 = arith.constant 48 : index
        %get3A_1500 = tpu.vector_load %arg6[%get3A_1498, %get3A_1499] {strides = array<i32>} : memref<800x64xf32, #tpu.memory_space<vmem>>, vector<1x16xf32>,
        %get3A_1501 = vector.shape_cast %get3A_1500 : vector<1x16xf32> to vector<16xf32>
        %add3A_1502 = arith.addf %add3A_1479, %get3A_1501 : vector<16xf32>
        %scan3A_1503 = arith.constant 2 : i32
        %scan3A_1504 = arith.addi %scan3A_1454, %scan3A_1503 : i32
        %add3A_1505 = arith.addi %add3A_1011, %scan3A_1504 : i32
        %get3A_1506 = arith.index_cast %add3A_1505 : i32 to index
        %get3A_1507 = arith.constant 0 : index
        %get3A_1508 = tpu.vector_load %arg6[%get3A_1506, %get3A_1507] {strides = array<i32>} : memref<800x64xf32, #tpu.memory_space<vmem>>, vector<1x16xf32>,
        %get3A_1509 = vector.shape_cast %get3A_1508 : vector<1x16xf32> to vector<16xf32>
        %add3A_1510 = arith.addf %add3A_1487, %get3A_1509 : vector<16xf32>
        %get3A_1511 = arith.index_cast %add3A_1505 : i32 to index
        %get3A_1512 = arith.constant 16 : index
        %get3A_1513 = tpu.vector_load %arg6[%get3A_1511, %get3A_1512] {strides = array<i32>} : memref<800x64xf32, #tpu.memory_space<vmem>>, vector<1x16xf32>,
        %get3A_1514 = vector.shape_cast %get3A_1513 : vector<1x16xf32> to vector<16xf32>
        %add3A_1515 = arith.addf %add3A_1492, %get3A_1514 : vector<16xf32>
        %get3A_1516 = arith.index_cast %add3A_1505 : i32 to index
        %get3A_1517 = arith.constant 32 : index
        %get3A_1518 = tpu.vector_load %arg6[%get3A_1516, %get3A_1517] {strides = array<i32>} : memref<800x64xf32, #tpu.memory_space<vmem>>, vector<1x16xf32>,
        %get3A_1519 = vector.shape_cast %get3A_1518 : vector<1x16xf32> to vector<16xf32>
        %add3A_1520 = arith.addf %add3A_1497, %get3A_1519 : vector<16xf32>
        %get3A_1521 = arith.index_cast %add3A_1505 : i32 to index
        %get3A_1522 = arith.constant 48 : index
        %get3A_1523 = tpu.vector_load %arg6[%get3A_1521, %get3A_1522] {strides = array<i32>} : memref<800x64xf32, #tpu.memory_space<vmem>>, vector<1x16xf32>,
        %get3A_1524 = vector.shape_cast %get3A_1523 : vector<1x16xf32> to vector<16xf32>
        %add3A_1525 = arith.addf %add3A_1502, %get3A_1524 : vector<16xf32>
        %scan3A_1526 = arith.constant 3 : i32
        %scan3A_1527 = arith.addi %scan3A_1454, %scan3A_1526 : i32
        %add3A_1528 = arith.addi %add3A_1011, %scan3A_1527 : i32
        %get3A_1529 = arith.index_cast %add3A_1528 : i32 to index
        %get3A_1530 = arith.constant 0 : index
        %get3A_1531 = tpu.vector_load %arg6[%get3A_1529, %get3A_1530] {strides = array<i32>} : memref<800x64xf32, #tpu.memory_space<vmem>>, vector<1x16xf32>,
        %get3A_1532 = vector.shape_cast %get3A_1531 : vector<1x16xf32> to vector<16xf32>
        %add3A_1533 = arith.addf %add3A_1510, %get3A_1532 : vector<16xf32>
        %get3A_1534 = arith.index_cast %add3A_1528 : i32 to index
        %get3A_1535 = arith.constant 16 : index
        %get3A_1536 = tpu.vector_load %arg6[%get3A_1534, %get3A_1535] {strides = array<i32>} : memref<800x64xf32, #tpu.memory_space<vmem>>, vector<1x16xf32>,
        %get3A_1537 = vector.shape_cast %get3A_1536 : vector<1x16xf32> to vector<16xf32>
        %add3A_1538 = arith.addf %add3A_1515, %get3A_1537 : vector<16xf32>
        %get3A_1539 = arith.index_cast %add3A_1528 : i32 to index
        %get3A_1540 = arith.constant 32 : index
        %get3A_1541 = tpu.vector_load %arg6[%get3A_1539, %get3A_1540] {strides = array<i32>} : memref<800x64xf32, #tpu.memory_space<vmem>>, vector<1x16xf32>,
        %get3A_1542 = vector.shape_cast %get3A_1541 : vector<1x16xf32> to vector<16xf32>
        %add3A_1543 = arith.addf %add3A_1520, %get3A_1542 : vector<16xf32>
        %get3A_1544 = arith.index_cast %add3A_1528 : i32 to index
        %get3A_1545 = arith.constant 48 : index
        %get3A_1546 = tpu.vector_load %arg6[%get3A_1544, %get3A_1545] {strides = array<i32>} : memref<800x64xf32, #tpu.memory_space<vmem>>, vector<1x16xf32>,
        %get3A_1547 = vector.shape_cast %get3A_1546 : vector<1x16xf32> to vector<16xf32>
        %add3A_1548 = arith.addf %add3A_1525, %get3A_1547 : vector<16xf32>
        %scan3A_1549 = arith.constant 4 : i32
        %scan3A_1550 = arith.addi %scan3A_1454, %scan3A_1549 : i32
        %add3A_1551 = arith.addi %add3A_1011, %scan3A_1550 : i32
        %get3A_1552 = arith.index_cast %add3A_1551 : i32 to index
        %get3A_1553 = arith.constant 0 : index
        %get3A_1554 = tpu.vector_load %arg6[%get3A_1552, %get3A_1553] {strides = array<i32>} : memref<800x64xf32, #tpu.memory_space<vmem>>, vector<1x16xf32>,
        %get3A_1555 = vector.shape_cast %get3A_1554 : vector<1x16xf32> to vector<16xf32>
        %add3A_1556 = arith.addf %add3A_1533, %get3A_1555 : vector<16xf32>
        %get3A_1557 = arith.index_cast %add3A_1551 : i32 to index
        %get3A_1558 = arith.constant 16 : index
        %get3A_1559 = tpu.vector_load %arg6[%get3A_1557, %get3A_1558] {strides = array<i32>} : memref<800x64xf32, #tpu.memory_space<vmem>>, vector<1x16xf32>,
        %get3A_1560 = vector.shape_cast %get3A_1559 : vector<1x16xf32> to vector<16xf32>
        %add3A_1561 = arith.addf %add3A_1538, %get3A_1560 : vector<16xf32>
        %get3A_1562 = arith.index_cast %add3A_1551 : i32 to index
        %get3A_1563 = arith.constant 32 : index
        %get3A_1564 = tpu.vector_load %arg6[%get3A_1562, %get3A_1563] {strides = array<i32>} : memref<800x64xf32, #tpu.memory_space<vmem>>, vector<1x16xf32>,
        %get3A_1565 = vector.shape_cast %get3A_1564 : vector<1x16xf32> to vector<16xf32>
        %add3A_1566 = arith.addf %add3A_1543, %get3A_1565 : vector<16xf32>
        %get3A_1567 = arith.index_cast %add3A_1551 : i32 to index
        %get3A_1568 = arith.constant 48 : index
        %get3A_1569 = tpu.vector_load %arg6[%get3A_1567, %get3A_1568] {strides = array<i32>} : memref<800x64xf32, #tpu.memory_space<vmem>>, vector<1x16xf32>,
        %get3A_1570 = vector.shape_cast %get3A_1569 : vector<1x16xf32> to vector<16xf32>
        %add3A_1571 = arith.addf %add3A_1548, %get3A_1570 : vector<16xf32>
        %scan3A_1572 = arith.constant 5 : i32
        %scan3A_1573 = arith.addi %scan3A_1454, %scan3A_1572 : i32
        %add3A_1574 = arith.addi %add3A_1011, %scan3A_1573 : i32
        %get3A_1575 = arith.index_cast %add3A_1574 : i32 to index
        %get3A_1576 = arith.constant 0 : index
        %get3A_1577 = tpu.vector_load %arg6[%get3A_1575, %get3A_1576] {strides = array<i32>} : memref<800x64xf32, #tpu.memory_space<vmem>>, vector<1x16xf32>,
        %get3A_1578 = vector.shape_cast %get3A_1577 : vector<1x16xf32> to vector<16xf32>
        %add3A_1579 = arith.addf %add3A_1556, %get3A_1578 : vector<16xf32>
        %get3A_1580 = arith.index_cast %add3A_1574 : i32 to index
        %get3A_1581 = arith.constant 16 : index
        %get3A_1582 = tpu.vector_load %arg6[%get3A_1580, %get3A_1581] {strides = array<i32>} : memref<800x64xf32, #tpu.memory_space<vmem>>, vector<1x16xf32>,
        %get3A_1583 = vector.shape_cast %get3A_1582 : vector<1x16xf32> to vector<16xf32>
        %add3A_1584 = arith.addf %add3A_1561, %get3A_1583 : vector<16xf32>
        %get3A_1585 = arith.index_cast %add3A_1574 : i32 to index
        %get3A_1586 = arith.constant 32 : index
        %get3A_1587 = tpu.vector_load %arg6[%get3A_1585, %get3A_1586] {strides = array<i32>} : memref<800x64xf32, #tpu.memory_space<vmem>>, vector<1x16xf32>,
        %get3A_1588 = vector.shape_cast %get3A_1587 : vector<1x16xf32> to vector<16xf32>
        %add3A_1589 = arith.addf %add3A_1566, %get3A_1588 : vector<16xf32>
        %get3A_1590 = arith.index_cast %add3A_1574 : i32 to index
        %get3A_1591 = arith.constant 48 : index
        %get3A_1592 = tpu.vector_load %arg6[%get3A_1590, %get3A_1591] {strides = array<i32>} : memref<800x64xf32, #tpu.memory_space<vmem>>, vector<1x16xf32>,
        %get3A_1593 = vector.shape_cast %get3A_1592 : vector<1x16xf32> to vector<16xf32>
        %add3A_1594 = arith.addf %add3A_1571, %get3A_1593 : vector<16xf32>
        %scan3A_1595 = arith.constant 6 : i32
        %scan3A_1596 = arith.addi %scan3A_1454, %scan3A_1595 : i32
        %add3A_1597 = arith.addi %add3A_1011, %scan3A_1596 : i32
        %get3A_1598 = arith.index_cast %add3A_1597 : i32 to index
        %get3A_1599 = arith.constant 0 : index
        %get3A_1600 = tpu.vector_load %arg6[%get3A_1598, %get3A_1599] {strides = array<i32>} : memref<800x64xf32, #tpu.memory_space<vmem>>, vector<1x16xf32>,
        %get3A_1601 = vector.shape_cast %get3A_1600 : vector<1x16xf32> to vector<16xf32>
        %add3A_1602 = arith.addf %add3A_1579, %get3A_1601 : vector<16xf32>
        %get3A_1603 = arith.index_cast %add3A_1597 : i32 to index
        %get3A_1604 = arith.constant 16 : index
        %get3A_1605 = tpu.vector_load %arg6[%get3A_1603, %get3A_1604] {strides = array<i32>} : memref<800x64xf32, #tpu.memory_space<vmem>>, vector<1x16xf32>,
        %get3A_1606 = vector.shape_cast %get3A_1605 : vector<1x16xf32> to vector<16xf32>
        %add3A_1607 = arith.addf %add3A_1584, %get3A_1606 : vector<16xf32>
        %get3A_1608 = arith.index_cast %add3A_1597 : i32 to index
        %get3A_1609 = arith.constant 32 : index
        %get3A_1610 = tpu.vector_load %arg6[%get3A_1608, %get3A_1609] {strides = array<i32>} : memref<800x64xf32, #tpu.memory_space<vmem>>, vector<1x16xf32>,
        %get3A_1611 = vector.shape_cast %get3A_1610 : vector<1x16xf32> to vector<16xf32>
        %add3A_1612 = arith.addf %add3A_1589, %get3A_1611 : vector<16xf32>
        %get3A_1613 = arith.index_cast %add3A_1597 : i32 to index
        %get3A_1614 = arith.constant 48 : index
        %get3A_1615 = tpu.vector_load %arg6[%get3A_1613, %get3A_1614] {strides = array<i32>} : memref<800x64xf32, #tpu.memory_space<vmem>>, vector<1x16xf32>,
        %get3A_1616 = vector.shape_cast %get3A_1615 : vector<1x16xf32> to vector<16xf32>
        %add3A_1617 = arith.addf %add3A_1594, %get3A_1616 : vector<16xf32>
        %scan3A_1618 = arith.constant 7 : i32
        %scan3A_1619 = arith.addi %scan3A_1454, %scan3A_1618 : i32
        %add3A_1620 = arith.addi %add3A_1011, %scan3A_1619 : i32
        %get3A_1621 = arith.index_cast %add3A_1620 : i32 to index
        %get3A_1622 = arith.constant 0 : index
        %get3A_1623 = tpu.vector_load %arg6[%get3A_1621, %get3A_1622] {strides = array<i32>} : memref<800x64xf32, #tpu.memory_space<vmem>>, vector<1x16xf32>,
        %get3A_1624 = vector.shape_cast %get3A_1623 : vector<1x16xf32> to vector<16xf32>
        %add3A_1625 = arith.addf %add3A_1602, %get3A_1624 : vector<16xf32>
        %get3A_1626 = arith.index_cast %add3A_1620 : i32 to index
        %get3A_1627 = arith.constant 16 : index
        %get3A_1628 = tpu.vector_load %arg6[%get3A_1626, %get3A_1627] {strides = array<i32>} : memref<800x64xf32, #tpu.memory_space<vmem>>, vector<1x16xf32>,
        %get3A_1629 = vector.shape_cast %get3A_1628 : vector<1x16xf32> to vector<16xf32>
        %add3A_1630 = arith.addf %add3A_1607, %get3A_1629 : vector<16xf32>
        %get3A_1631 = arith.index_cast %add3A_1620 : i32 to index
        %get3A_1632 = arith.constant 32 : index
        %get3A_1633 = tpu.vector_load %arg6[%get3A_1631, %get3A_1632] {strides = array<i32>} : memref<800x64xf32, #tpu.memory_space<vmem>>, vector<1x16xf32>,
        %get3A_1634 = vector.shape_cast %get3A_1633 : vector<1x16xf32> to vector<16xf32>
        %add3A_1635 = arith.addf %add3A_1612, %get3A_1634 : vector<16xf32>
        %get3A_1636 = arith.index_cast %add3A_1620 : i32 to index
        %get3A_1637 = arith.constant 48 : index
        %get3A_1638 = tpu.vector_load %arg6[%get3A_1636, %get3A_1637] {strides = array<i32>} : memref<800x64xf32, #tpu.memory_space<vmem>>, vector<1x16xf32>,
        %get3A_1639 = vector.shape_cast %get3A_1638 : vector<1x16xf32> to vector<16xf32>
        %add3A_1640 = arith.addf %add3A_1617, %get3A_1639 : vector<16xf32>
        scf.yield %add3A_1625, %add3A_1630, %add3A_1635, %add3A_1640 : vector<16xf32>, vector<16xf32>, vector<16xf32>, vector<16xf32>
      }
      %scan3A_1033 = arith.constant 192 : i32
      %scan3A_1034 = arith.addi %scan3A_1028, %scan3A_1033 : i32
      %add3A_1035 = arith.addi %add3A_1011, %scan3A_1034 : i32
      %get3A_1036 = arith.index_cast %add3A_1035 : i32 to index
      %get3A_1037 = arith.constant 0 : index
      %get3A_1038 = tpu.vector_load %arg6[%get3A_1036, %get3A_1037] {strides = array<i32>} : memref<800x64xf32, #tpu.memory_space<vmem>>, vector<1x16xf32>,
      %get3A_1039 = vector.shape_cast %get3A_1038 : vector<1x16xf32> to vector<16xf32>
      %add3A_1040 = arith.addf %scan3A_1032#0, %get3A_1039 : vector<16xf32>
      %get3A_1041 = arith.index_cast %add3A_1035 : i32 to index
      %get3A_1042 = arith.constant 16 : index
      %get3A_1043 = tpu.vector_load %arg6[%get3A_1041, %get3A_1042] {strides = array<i32>} : memref<800x64xf32, #tpu.memory_space<vmem>>, vector<1x16xf32>,
      %get3A_1044 = vector.shape_cast %get3A_1043 : vector<1x16xf32> to vector<16xf32>
      %add3A_1045 = arith.addf %scan3A_1032#1, %get3A_1044 : vector<16xf32>
      %get3A_1046 = arith.index_cast %add3A_1035 : i32 to index
      %get3A_1047 = arith.constant 32 : index
      %get3A_1048 = tpu.vector_load %arg6[%get3A_1046, %get3A_1047] {strides = array<i32>} : memref<800x64xf32, #tpu.memory_space<vmem>>, vector<1x16xf32>,
      %get3A_1049 = vector.shape_cast %get3A_1048 : vector<1x16xf32> to vector<16xf32>
      %add3A_1050 = arith.addf %scan3A_1032#2, %get3A_1049 : vector<16xf32>
      %get3A_1051 = arith.index_cast %add3A_1035 : i32 to index
      %get3A_1052 = arith.constant 48 : index
      %get3A_1053 = tpu.vector_load %arg6[%get3A_1051, %get3A_1052] {strides = array<i32>} : memref<800x64xf32, #tpu.memory_space<vmem>>, vector<1x16xf32>,
      %get3A_1054 = vector.shape_cast %get3A_1053 : vector<1x16xf32> to vector<16xf32>
      %add3A_1055 = arith.addf %scan3A_1032#3, %get3A_1054 : vector<16xf32>
      %scan3A_1056 = arith.constant 193 : i32
      %scan3A_1057 = arith.addi %scan3A_1028, %scan3A_1056 : i32
      %add3A_1058 = arith.addi %add3A_1011, %scan3A_1057 : i32
      %get3A_1059 = arith.index_cast %add3A_1058 : i32 to index
      %get3A_1060 = arith.constant 0 : index
      %get3A_1061 = tpu.vector_load %arg6[%get3A_1059, %get3A_1060] {strides = array<i32>} : memref<800x64xf32, #tpu.memory_space<vmem>>, vector<1x16xf32>,
      %get3A_1062 = vector.shape_cast %get3A_1061 : vector<1x16xf32> to vector<16xf32>
      %add3A_1063 = arith.addf %add3A_1040, %get3A_1062 : vector<16xf32>
      %get3A_1064 = arith.index_cast %add3A_1058 : i32 to index
      %get3A_1065 = arith.constant 16 : index
      %get3A_1066 = tpu.vector_load %arg6[%get3A_1064, %get3A_1065] {strides = array<i32>} : memref<800x64xf32, #tpu.memory_space<vmem>>, vector<1x16xf32>,
      %get3A_1067 = vector.shape_cast %get3A_1066 : vector<1x16xf32> to vector<16xf32>
      %add3A_1068 = arith.addf %add3A_1045, %get3A_1067 : vector<16xf32>
      %get3A_1069 = arith.index_cast %add3A_1058 : i32 to index
      %get3A_1070 = arith.constant 32 : index
      %get3A_1071 = tpu.vector_load %arg6[%get3A_1069, %get3A_1070] {strides = array<i32>} : memref<800x64xf32, #tpu.memory_space<vmem>>, vector<1x16xf32>,
      %get3A_1072 = vector.shape_cast %get3A_1071 : vector<1x16xf32> to vector<16xf32>
      %add3A_1073 = arith.addf %add3A_1050, %get3A_1072 : vector<16xf32>
      %get3A_1074 = arith.index_cast %add3A_1058 : i32 to index
      %get3A_1075 = arith.constant 48 : index
      %get3A_1076 = tpu.vector_load %arg6[%get3A_1074, %get3A_1075] {strides = array<i32>} : memref<800x64xf32, #tpu.memory_space<vmem>>, vector<1x16xf32>,
      %get3A_1077 = vector.shape_cast %get3A_1076 : vector<1x16xf32> to vector<16xf32>
      %add3A_1078 = arith.addf %add3A_1055, %get3A_1077 : vector<16xf32>
      %scan3A_1079 = arith.constant 194 : i32
      %scan3A_1080 = arith.addi %scan3A_1028, %scan3A_1079 : i32
      %add3A_1081 = arith.addi %add3A_1011, %scan3A_1080 : i32
      %get3A_1082 = arith.index_cast %add3A_1081 : i32 to index
      %get3A_1083 = arith.constant 0 : index
      %get3A_1084 = tpu.vector_load %arg6[%get3A_1082, %get3A_1083] {strides = array<i32>} : memref<800x64xf32, #tpu.memory_space<vmem>>, vector<1x16xf32>,
      %get3A_1085 = vector.shape_cast %get3A_1084 : vector<1x16xf32> to vector<16xf32>
      %add3A_1086 = arith.addf %add3A_1063, %get3A_1085 : vector<16xf32>
      %get3A_1087 = arith.index_cast %add3A_1081 : i32 to index
      %get3A_1088 = arith.constant 16 : index
      %get3A_1089 = tpu.vector_load %arg6[%get3A_1087, %get3A_1088] {strides = array<i32>} : memref<800x64xf32, #tpu.memory_space<vmem>>, vector<1x16xf32>,
      %get3A_1090 = vector.shape_cast %get3A_1089 : vector<1x16xf32> to vector<16xf32>
      %add3A_1091 = arith.addf %add3A_1068, %get3A_1090 : vector<16xf32>
      %get3A_1092 = arith.index_cast %add3A_1081 : i32 to index
      %get3A_1093 = arith.constant 32 : index
      %get3A_1094 = tpu.vector_load %arg6[%get3A_1092, %get3A_1093] {strides = array<i32>} : memref<800x64xf32, #tpu.memory_space<vmem>>, vector<1x16xf32>,
      %get3A_1095 = vector.shape_cast %get3A_1094 : vector<1x16xf32> to vector<16xf32>
      %add3A_1096 = arith.addf %add3A_1073, %get3A_1095 : vector<16xf32>
      %get3A_1097 = arith.index_cast %add3A_1081 : i32 to index
      %get3A_1098 = arith.constant 48 : index
      %get3A_1099 = tpu.vector_load %arg6[%get3A_1097, %get3A_1098] {strides = array<i32>} : memref<800x64xf32, #tpu.memory_space<vmem>>, vector<1x16xf32>,
      %get3A_1100 = vector.shape_cast %get3A_1099 : vector<1x16xf32> to vector<16xf32>
      %add3A_1101 = arith.addf %add3A_1078, %get3A_1100 : vector<16xf32>
      %scan3A_1102 = arith.constant 195 : i32
      %scan3A_1103 = arith.addi %scan3A_1028, %scan3A_1102 : i32
      %add3A_1104 = arith.addi %add3A_1011, %scan3A_1103 : i32
      %get3A_1105 = arith.index_cast %add3A_1104 : i32 to index
      %get3A_1106 = arith.constant 0 : index
      %get3A_1107 = tpu.vector_load %arg6[%get3A_1105, %get3A_1106] {strides = array<i32>} : memref<800x64xf32, #tpu.memory_space<vmem>>, vector<1x16xf32>,
      %get3A_1108 = vector.shape_cast %get3A_1107 : vector<1x16xf32> to vector<16xf32>
      %add3A_1109 = arith.addf %add3A_1086, %get3A_1108 : vector<16xf32>
      %get3A_1110 = arith.index_cast %add3A_1104 : i32 to index
      %get3A_1111 = arith.constant 16 : index
      %get3A_1112 = tpu.vector_load %arg6[%get3A_1110, %get3A_1111] {strides = array<i32>} : memref<800x64xf32, #tpu.memory_space<vmem>>, vector<1x16xf32>,
      %get3A_1113 = vector.shape_cast %get3A_1112 : vector<1x16xf32> to vector<16xf32>
      %add3A_1114 = arith.addf %add3A_1091, %get3A_1113 : vector<16xf32>
      %get3A_1115 = arith.index_cast %add3A_1104 : i32 to index
      %get3A_1116 = arith.constant 32 : index
      %get3A_1117 = tpu.vector_load %arg6[%get3A_1115, %get3A_1116] {strides = array<i32>} : memref<800x64xf32, #tpu.memory_space<vmem>>, vector<1x16xf32>,
      %get3A_1118 = vector.shape_cast %get3A_1117 : vector<1x16xf32> to vector<16xf32>
      %add3A_1119 = arith.addf %add3A_1096, %get3A_1118 : vector<16xf32>
      %get3A_1120 = arith.index_cast %add3A_1104 : i32 to index
      %get3A_1121 = arith.constant 48 : index
      %get3A_1122 = tpu.vector_load %arg6[%get3A_1120, %get3A_1121] {strides = array<i32>} : memref<800x64xf32, #tpu.memory_space<vmem>>, vector<1x16xf32>,
      %get3A_1123 = vector.shape_cast %get3A_1122 : vector<1x16xf32> to vector<16xf32>
      %add3A_1124 = arith.addf %add3A_1101, %get3A_1123 : vector<16xf32>
      %scan3A_1125 = arith.constant 196 : i32
      %scan3A_1126 = arith.addi %scan3A_1028, %scan3A_1125 : i32
      %add3A_1127 = arith.addi %add3A_1011, %scan3A_1126 : i32
      %get3A_1128 = arith.index_cast %add3A_1127 : i32 to index
      %get3A_1129 = arith.constant 0 : index
      %get3A_1130 = tpu.vector_load %arg6[%get3A_1128, %get3A_1129] {strides = array<i32>} : memref<800x64xf32, #tpu.memory_space<vmem>>, vector<1x16xf32>,
      %get3A_1131 = vector.shape_cast %get3A_1130 : vector<1x16xf32> to vector<16xf32>
      %add3A_1132 = arith.addf %add3A_1109, %get3A_1131 : vector<16xf32>
      %get3A_1133 = arith.index_cast %add3A_1127 : i32 to index
      %get3A_1134 = arith.constant 16 : index
      %get3A_1135 = tpu.vector_load %arg6[%get3A_1133, %get3A_1134] {strides = array<i32>} : memref<800x64xf32, #tpu.memory_space<vmem>>, vector<1x16xf32>,
      %get3A_1136 = vector.shape_cast %get3A_1135 : vector<1x16xf32> to vector<16xf32>
      %add3A_1137 = arith.addf %add3A_1114, %get3A_1136 : vector<16xf32>
      %get3A_1138 = arith.index_cast %add3A_1127 : i32 to index
      %get3A_1139 = arith.constant 32 : index
      %get3A_1140 = tpu.vector_load %arg6[%get3A_1138, %get3A_1139] {strides = array<i32>} : memref<800x64xf32, #tpu.memory_space<vmem>>, vector<1x16xf32>,
      %get3A_1141 = vector.shape_cast %get3A_1140 : vector<1x16xf32> to vector<16xf32>
      %add3A_1142 = arith.addf %add3A_1119, %get3A_1141 : vector<16xf32>
      %get3A_1143 = arith.index_cast %add3A_1127 : i32 to index
      %get3A_1144 = arith.constant 48 : index
      %get3A_1145 = tpu.vector_load %arg6[%get3A_1143, %get3A_1144] {strides = array<i32>} : memref<800x64xf32, #tpu.memory_space<vmem>>, vector<1x16xf32>,
      %get3A_1146 = vector.shape_cast %get3A_1145 : vector<1x16xf32> to vector<16xf32>
      %add3A_1147 = arith.addf %add3A_1124, %get3A_1146 : vector<16xf32>
      %scan3A_1148 = arith.constant 197 : i32
      %scan3A_1149 = arith.addi %scan3A_1028, %scan3A_1148 : i32
      %add3A_1150 = arith.addi %add3A_1011, %scan3A_1149 : i32
      %get3A_1151 = arith.index_cast %add3A_1150 : i32 to index
      %get3A_1152 = arith.constant 0 : index
      %get3A_1153 = tpu.vector_load %arg6[%get3A_1151, %get3A_1152] {strides = array<i32>} : memref<800x64xf32, #tpu.memory_space<vmem>>, vector<1x16xf32>,
      %get3A_1154 = vector.shape_cast %get3A_1153 : vector<1x16xf32> to vector<16xf32>
      %add3A_1155 = arith.addf %add3A_1132, %get3A_1154 : vector<16xf32>
      %get3A_1156 = arith.index_cast %add3A_1150 : i32 to index
      %get3A_1157 = arith.constant 16 : index
      %get3A_1158 = tpu.vector_load %arg6[%get3A_1156, %get3A_1157] {strides = array<i32>} : memref<800x64xf32, #tpu.memory_space<vmem>>, vector<1x16xf32>,
      %get3A_1159 = vector.shape_cast %get3A_1158 : vector<1x16xf32> to vector<16xf32>
      %add3A_1160 = arith.addf %add3A_1137, %get3A_1159 : vector<16xf32>
      %get3A_1161 = arith.index_cast %add3A_1150 : i32 to index
      %get3A_1162 = arith.constant 32 : index
      %get3A_1163 = tpu.vector_load %arg6[%get3A_1161, %get3A_1162] {strides = array<i32>} : memref<800x64xf32, #tpu.memory_space<vmem>>, vector<1x16xf32>,
      %get3A_1164 = vector.shape_cast %get3A_1163 : vector<1x16xf32> to vector<16xf32>
      %add3A_1165 = arith.addf %add3A_1142, %get3A_1164 : vector<16xf32>
      %get3A_1166 = arith.index_cast %add3A_1150 : i32 to index
      %get3A_1167 = arith.constant 48 : index
      %get3A_1168 = tpu.vector_load %arg6[%get3A_1166, %get3A_1167] {strides = array<i32>} : memref<800x64xf32, #tpu.memory_space<vmem>>, vector<1x16xf32>,
      %get3A_1169 = vector.shape_cast %get3A_1168 : vector<1x16xf32> to vector<16xf32>
      %add3A_1170 = arith.addf %add3A_1147, %get3A_1169 : vector<16xf32>
      %scan3A_1171 = arith.constant 198 : i32
      %scan3A_1172 = arith.addi %scan3A_1028, %scan3A_1171 : i32
      %add3A_1173 = arith.addi %add3A_1011, %scan3A_1172 : i32
      %get3A_1174 = arith.index_cast %add3A_1173 : i32 to index
      %get3A_1175 = arith.constant 0 : index
      %get3A_1176 = tpu.vector_load %arg6[%get3A_1174, %get3A_1175] {strides = array<i32>} : memref<800x64xf32, #tpu.memory_space<vmem>>, vector<1x16xf32>,
      %get3A_1177 = vector.shape_cast %get3A_1176 : vector<1x16xf32> to vector<16xf32>
      %add3A_1178 = arith.addf %add3A_1155, %get3A_1177 : vector<16xf32>
      %get3A_1179 = arith.index_cast %add3A_1173 : i32 to index
      %get3A_1180 = arith.constant 16 : index
      %get3A_1181 = tpu.vector_load %arg6[%get3A_1179, %get3A_1180] {strides = array<i32>} : memref<800x64xf32, #tpu.memory_space<vmem>>, vector<1x16xf32>,
      %get3A_1182 = vector.shape_cast %get3A_1181 : vector<1x16xf32> to vector<16xf32>
      %add3A_1183 = arith.addf %add3A_1160, %get3A_1182 : vector<16xf32>
      %get3A_1184 = arith.index_cast %add3A_1173 : i32 to index
      %get3A_1185 = arith.constant 32 : index
      %get3A_1186 = tpu.vector_load %arg6[%get3A_1184, %get3A_1185] {strides = array<i32>} : memref<800x64xf32, #tpu.memory_space<vmem>>, vector<1x16xf32>,
      %get3A_1187 = vector.shape_cast %get3A_1186 : vector<1x16xf32> to vector<16xf32>
      %add3A_1188 = arith.addf %add3A_1165, %get3A_1187 : vector<16xf32>
      %get3A_1189 = arith.index_cast %add3A_1173 : i32 to index
      %get3A_1190 = arith.constant 48 : index
      %get3A_1191 = tpu.vector_load %arg6[%get3A_1189, %get3A_1190] {strides = array<i32>} : memref<800x64xf32, #tpu.memory_space<vmem>>, vector<1x16xf32>,
      %get3A_1192 = vector.shape_cast %get3A_1191 : vector<1x16xf32> to vector<16xf32>
      %add3A_1193 = arith.addf %add3A_1170, %get3A_1192 : vector<16xf32>
      %scan3A_1194 = arith.constant 199 : i32
      %mul3A_1195 = arith.constant 2 : i32
      %mul3A_1196 = arith.muli %scan3A_642, %mul3A_1195 : i32
      %add3A_1197 = arith.constant 0 : i32
      %add3A_1198 = arith.addi %mul3A_1196, %add3A_1197 : i32
      %swap3A_1199 = arith.index_cast %add3A_1198 : i32 to index
      %swap3A_1200 = arith.constant 0 : index
      %swap3A_1201 = tpu.vector_load %arg7[%swap3A_1199, %swap3A_1200] {strides = array<i32>} : memref<128x64xf32, #tpu.memory_space<vmem>>, vector<1x16xf32>,
      %swap3A_1202 = vector.shape_cast %swap3A_1201 : vector<1x16xf32> to vector<16xf32>
      %swap3A_1203 = vector.shape_cast %add3A_1178 : vector<16xf32> to vector<1x16xf32>
      tpu.vector_store %arg7[%swap3A_1199, %swap3A_1200], %swap3A_1203 {strides = array<i32>} : memref<128x64xf32, #tpu.memory_space<vmem>>, vector<1x16xf32>,
      %mul3A_1204 = arith.constant 2 : i32
      %mul3A_1205 = arith.muli %scan3A_642, %mul3A_1204 : i32
      %add3A_1206 = arith.constant 0 : i32
      %add3A_1207 = arith.addi %mul3A_1205, %add3A_1206 : i32
      %swap3A_1208 = arith.index_cast %add3A_1207 : i32 to index
      %swap3A_1209 = arith.constant 16 : index
      %swap3A_1210 = tpu.vector_load %arg7[%swap3A_1208, %swap3A_1209] {strides = array<i32>} : memref<128x64xf32, #tpu.memory_space<vmem>>, vector<1x16xf32>,
      %swap3A_1211 = vector.shape_cast %swap3A_1210 : vector<1x16xf32> to vector<16xf32>
      %swap3A_1212 = vector.shape_cast %add3A_1183 : vector<16xf32> to vector<1x16xf32>
      tpu.vector_store %arg7[%swap3A_1208, %swap3A_1209], %swap3A_1212 {strides = array<i32>} : memref<128x64xf32, #tpu.memory_space<vmem>>, vector<1x16xf32>,
      %mul3A_1213 = arith.constant 2 : i32
      %mul3A_1214 = arith.muli %scan3A_642, %mul3A_1213 : i32
      %add3A_1215 = arith.constant 0 : i32
      %add3A_1216 = arith.addi %mul3A_1214, %add3A_1215 : i32
      %swap3A_1217 = arith.index_cast %add3A_1216 : i32 to index
      %swap3A_1218 = arith.constant 32 : index
      %swap3A_1219 = tpu.vector_load %arg7[%swap3A_1217, %swap3A_1218] {strides = array<i32>} : memref<128x64xf32, #tpu.memory_space<vmem>>, vector<1x16xf32>,
      %swap3A_1220 = vector.shape_cast %swap3A_1219 : vector<1x16xf32> to vector<16xf32>
      %swap3A_1221 = vector.shape_cast %add3A_1188 : vector<16xf32> to vector<1x16xf32>
      tpu.vector_store %arg7[%swap3A_1217, %swap3A_1218], %swap3A_1221 {strides = array<i32>} : memref<128x64xf32, #tpu.memory_space<vmem>>, vector<1x16xf32>,
      %mul3A_1222 = arith.constant 2 : i32
      %mul3A_1223 = arith.muli %scan3A_642, %mul3A_1222 : i32
      %add3A_1224 = arith.constant 0 : i32
      %add3A_1225 = arith.addi %mul3A_1223, %add3A_1224 : i32
      %swap3A_1226 = arith.index_cast %add3A_1225 : i32 to index
      %swap3A_1227 = arith.constant 48 : index
      %swap3A_1228 = tpu.vector_load %arg7[%swap3A_1226, %swap3A_1227] {strides = array<i32>} : memref<128x64xf32, #tpu.memory_space<vmem>>, vector<1x16xf32>,
      %swap3A_1229 = vector.shape_cast %swap3A_1228 : vector<1x16xf32> to vector<16xf32>
      %swap3A_1230 = vector.shape_cast %add3A_1193 : vector<16xf32> to vector<1x16xf32>
      tpu.vector_store %arg7[%swap3A_1226, %swap3A_1227], %swap3A_1230 {strides = array<i32>} : memref<128x64xf32, #tpu.memory_space<vmem>>, vector<1x16xf32>,
      %mul3A_1231 = arith.constant 400 : i32
      %mul3A_1232 = arith.muli %select_n3A_1007, %mul3A_1231 : i32
      %add3A_1233 = arith.constant 200 : i32
      %add3A_1234 = arith.addi %mul3A_1232, %add3A_1233 : i32
      %get3A_1235 = arith.index_cast %add3A_1234 : i32 to index
      %get3A_1236 = arith.constant 0 : index
      %get3A_1237 = tpu.vector_load %arg6[%get3A_1235, %get3A_1236] {strides = array<i32>} : memref<800x64xf32, #tpu.memory_space<vmem>>, vector<1x16xf32>,
      %get3A_1238 = vector.shape_cast %get3A_1237 : vector<1x16xf32> to vector<16xf32>
      %get3A_1239 = arith.index_cast %add3A_1234 : i32 to index
      %get3A_1240 = arith.constant 16 : index
      %get3A_1241 = tpu.vector_load %arg6[%get3A_1239, %get3A_1240] {strides = array<i32>} : memref<800x64xf32, #tpu.memory_space<vmem>>, vector<1x16xf32>,
      %get3A_1242 = vector.shape_cast %get3A_1241 : vector<1x16xf32> to vector<16xf32>
      %get3A_1243 = arith.index_cast %add3A_1234 : i32 to index
      %get3A_1244 = arith.constant 32 : index
      %get3A_1245 = tpu.vector_load %arg6[%get3A_1243, %get3A_1244] {strides = array<i32>} : memref<800x64xf32, #tpu.memory_space<vmem>>, vector<1x16xf32>,
      %get3A_1246 = vector.shape_cast %get3A_1245 : vector<1x16xf32> to vector<16xf32>
      %get3A_1247 = arith.index_cast %add3A_1234 : i32 to index
      %get3A_1248 = arith.constant 48 : index
      %get3A_1249 = tpu.vector_load %arg6[%get3A_1247, %get3A_1248] {strides = array<i32>} : memref<800x64xf32, #tpu.memory_space<vmem>>, vector<1x16xf32>,
      %get3A_1250 = vector.shape_cast %get3A_1249 : vector<1x16xf32> to vector<16xf32>
      %scan3A_1251 = arith.constant 1 : i32
      %scan3A_1252 = arith.constant 192 : i32
      %scan3A_1253 = arith.addi %scan3A_1251, %scan3A_1252 : i32
      %scan3A_1254 = arith.constant 8 : i32
      %scan3A_1255:4 = scf.for %scan3A_1454 = %scan3A_1251 to %scan3A_1253 step %scan3A_1254 iter_args(%scan3A_1455 = %get3A_1238, %scan3A_1456 = %get3A_1242, %scan3A_1457 = %get3A_1246, %scan3A_1458 = %get3A_1250) -> (vector<16xf32>, vector<16xf32>, vector<16xf32>, vector<16xf32>)  : i32 {
        %add3A_1459 = arith.addi %add3A_1234, %scan3A_1454 : i32
        %get3A_1460 = arith.index_cast %add3A_1459 : i32 to index
        %get3A_1461 = arith.constant 0 : index
        %get3A_1462 = tpu.vector_load %arg6[%get3A_1460, %get3A_1461] {strides = array<i32>} : memref<800x64xf32, #tpu.memory_space<vmem>>, vector<1x16xf32>,
        %get3A_1463 = vector.shape_cast %get3A_1462 : vector<1x16xf32> to vector<16xf32>
        %add3A_1464 = arith.addf %scan3A_1455, %get3A_1463 : vector<16xf32>
        %get3A_1465 = arith.index_cast %add3A_1459 : i32 to index
        %get3A_1466 = arith.constant 16 : index
        %get3A_1467 = tpu.vector_load %arg6[%get3A_1465, %get3A_1466] {strides = array<i32>} : memref<800x64xf32, #tpu.memory_space<vmem>>, vector<1x16xf32>,
        %get3A_1468 = vector.shape_cast %get3A_1467 : vector<1x16xf32> to vector<16xf32>
        %add3A_1469 = arith.addf %scan3A_1456, %get3A_1468 : vector<16xf32>
        %get3A_1470 = arith.index_cast %add3A_1459 : i32 to index
        %get3A_1471 = arith.constant 32 : index
        %get3A_1472 = tpu.vector_load %arg6[%get3A_1470, %get3A_1471] {strides = array<i32>} : memref<800x64xf32, #tpu.memory_space<vmem>>, vector<1x16xf32>,
        %get3A_1473 = vector.shape_cast %get3A_1472 : vector<1x16xf32> to vector<16xf32>
        %add3A_1474 = arith.addf %scan3A_1457, %get3A_1473 : vector<16xf32>
        %get3A_1475 = arith.index_cast %add3A_1459 : i32 to index
        %get3A_1476 = arith.constant 48 : index
        %get3A_1477 = tpu.vector_load %arg6[%get3A_1475, %get3A_1476] {strides = array<i32>} : memref<800x64xf32, #tpu.memory_space<vmem>>, vector<1x16xf32>,
        %get3A_1478 = vector.shape_cast %get3A_1477 : vector<1x16xf32> to vector<16xf32>
        %add3A_1479 = arith.addf %scan3A_1458, %get3A_1478 : vector<16xf32>
        %scan3A_1480 = arith.constant 1 : i32
        %scan3A_1481 = arith.addi %scan3A_1454, %scan3A_1480 : i32
        %add3A_1482 = arith.addi %add3A_1234, %scan3A_1481 : i32
        %get3A_1483 = arith.index_cast %add3A_1482 : i32 to index
        %get3A_1484 = arith.constant 0 : index
        %get3A_1485 = tpu.vector_load %arg6[%get3A_1483, %get3A_1484] {strides = array<i32>} : memref<800x64xf32, #tpu.memory_space<vmem>>, vector<1x16xf32>,
        %get3A_1486 = vector.shape_cast %get3A_1485 : vector<1x16xf32> to vector<16xf32>
        %add3A_1487 = arith.addf %add3A_1464, %get3A_1486 : vector<16xf32>
        %get3A_1488 = arith.index_cast %add3A_1482 : i32 to index
        %get3A_1489 = arith.constant 16 : index
        %get3A_1490 = tpu.vector_load %arg6[%get3A_1488, %get3A_1489] {strides = array<i32>} : memref<800x64xf32, #tpu.memory_space<vmem>>, vector<1x16xf32>,
        %get3A_1491 = vector.shape_cast %get3A_1490 : vector<1x16xf32> to vector<16xf32>
        %add3A_1492 = arith.addf %add3A_1469, %get3A_1491 : vector<16xf32>
        %get3A_1493 = arith.index_cast %add3A_1482 : i32 to index
        %get3A_1494 = arith.constant 32 : index
        %get3A_1495 = tpu.vector_load %arg6[%get3A_1493, %get3A_1494] {strides = array<i32>} : memref<800x64xf32, #tpu.memory_space<vmem>>, vector<1x16xf32>,
        %get3A_1496 = vector.shape_cast %get3A_1495 : vector<1x16xf32> to vector<16xf32>
        %add3A_1497 = arith.addf %add3A_1474, %get3A_1496 : vector<16xf32>
        %get3A_1498 = arith.index_cast %add3A_1482 : i32 to index
        %get3A_1499 = arith.constant 48 : index
        %get3A_1500 = tpu.vector_load %arg6[%get3A_1498, %get3A_1499] {strides = array<i32>} : memref<800x64xf32, #tpu.memory_space<vmem>>, vector<1x16xf32>,
        %get3A_1501 = vector.shape_cast %get3A_1500 : vector<1x16xf32> to vector<16xf32>
        %add3A_1502 = arith.addf %add3A_1479, %get3A_1501 : vector<16xf32>
        %scan3A_1503 = arith.constant 2 : i32
        %scan3A_1504 = arith.addi %scan3A_1454, %scan3A_1503 : i32
        %add3A_1505 = arith.addi %add3A_1234, %scan3A_1504 : i32
        %get3A_1506 = arith.index_cast %add3A_1505 : i32 to index
        %get3A_1507 = arith.constant 0 : index
        %get3A_1508 = tpu.vector_load %arg6[%get3A_1506, %get3A_1507] {strides = array<i32>} : memref<800x64xf32, #tpu.memory_space<vmem>>, vector<1x16xf32>,
        %get3A_1509 = vector.shape_cast %get3A_1508 : vector<1x16xf32> to vector<16xf32>
        %add3A_1510 = arith.addf %add3A_1487, %get3A_1509 : vector<16xf32>
        %get3A_1511 = arith.index_cast %add3A_1505 : i32 to index
        %get3A_1512 = arith.constant 16 : index
        %get3A_1513 = tpu.vector_load %arg6[%get3A_1511, %get3A_1512] {strides = array<i32>} : memref<800x64xf32, #tpu.memory_space<vmem>>, vector<1x16xf32>,
        %get3A_1514 = vector.shape_cast %get3A_1513 : vector<1x16xf32> to vector<16xf32>
        %add3A_1515 = arith.addf %add3A_1492, %get3A_1514 : vector<16xf32>
        %get3A_1516 = arith.index_cast %add3A_1505 : i32 to index
        %get3A_1517 = arith.constant 32 : index
        %get3A_1518 = tpu.vector_load %arg6[%get3A_1516, %get3A_1517] {strides = array<i32>} : memref<800x64xf32, #tpu.memory_space<vmem>>, vector<1x16xf32>,
        %get3A_1519 = vector.shape_cast %get3A_1518 : vector<1x16xf32> to vector<16xf32>
        %add3A_1520 = arith.addf %add3A_1497, %get3A_1519 : vector<16xf32>
        %get3A_1521 = arith.index_cast %add3A_1505 : i32 to index
        %get3A_1522 = arith.constant 48 : index
        %get3A_1523 = tpu.vector_load %arg6[%get3A_1521, %get3A_1522] {strides = array<i32>} : memref<800x64xf32, #tpu.memory_space<vmem>>, vector<1x16xf32>,
        %get3A_1524 = vector.shape_cast %get3A_1523 : vector<1x16xf32> to vector<16xf32>
        %add3A_1525 = arith.addf %add3A_1502, %get3A_1524 : vector<16xf32>
        %scan3A_1526 = arith.constant 3 : i32
        %scan3A_1527 = arith.addi %scan3A_1454, %scan3A_1526 : i32
        %add3A_1528 = arith.addi %add3A_1234, %scan3A_1527 : i32
        %get3A_1529 = arith.index_cast %add3A_1528 : i32 to index
        %get3A_1530 = arith.constant 0 : index
        %get3A_1531 = tpu.vector_load %arg6[%get3A_1529, %get3A_1530] {strides = array<i32>} : memref<800x64xf32, #tpu.memory_space<vmem>>, vector<1x16xf32>,
        %get3A_1532 = vector.shape_cast %get3A_1531 : vector<1x16xf32> to vector<16xf32>
        %add3A_1533 = arith.addf %add3A_1510, %get3A_1532 : vector<16xf32>
        %get3A_1534 = arith.index_cast %add3A_1528 : i32 to index
        %get3A_1535 = arith.constant 16 : index
        %get3A_1536 = tpu.vector_load %arg6[%get3A_1534, %get3A_1535] {strides = array<i32>} : memref<800x64xf32, #tpu.memory_space<vmem>>, vector<1x16xf32>,
        %get3A_1537 = vector.shape_cast %get3A_1536 : vector<1x16xf32> to vector<16xf32>
        %add3A_1538 = arith.addf %add3A_1515, %get3A_1537 : vector<16xf32>
        %get3A_1539 = arith.index_cast %add3A_1528 : i32 to index
        %get3A_1540 = arith.constant 32 : index
        %get3A_1541 = tpu.vector_load %arg6[%get3A_1539, %get3A_1540] {strides = array<i32>} : memref<800x64xf32, #tpu.memory_space<vmem>>, vector<1x16xf32>,
        %get3A_1542 = vector.shape_cast %get3A_1541 : vector<1x16xf32> to vector<16xf32>
        %add3A_1543 = arith.addf %add3A_1520, %get3A_1542 : vector<16xf32>
        %get3A_1544 = arith.index_cast %add3A_1528 : i32 to index
        %get3A_1545 = arith.constant 48 : index
        %get3A_1546 = tpu.vector_load %arg6[%get3A_1544, %get3A_1545] {strides = array<i32>} : memref<800x64xf32, #tpu.memory_space<vmem>>, vector<1x16xf32>,
        %get3A_1547 = vector.shape_cast %get3A_1546 : vector<1x16xf32> to vector<16xf32>
        %add3A_1548 = arith.addf %add3A_1525, %get3A_1547 : vector<16xf32>
        %scan3A_1549 = arith.constant 4 : i32
        %scan3A_1550 = arith.addi %scan3A_1454, %scan3A_1549 : i32
        %add3A_1551 = arith.addi %add3A_1234, %scan3A_1550 : i32
        %get3A_1552 = arith.index_cast %add3A_1551 : i32 to index
        %get3A_1553 = arith.constant 0 : index
        %get3A_1554 = tpu.vector_load %arg6[%get3A_1552, %get3A_1553] {strides = array<i32>} : memref<800x64xf32, #tpu.memory_space<vmem>>, vector<1x16xf32>,
        %get3A_1555 = vector.shape_cast %get3A_1554 : vector<1x16xf32> to vector<16xf32>
        %add3A_1556 = arith.addf %add3A_1533, %get3A_1555 : vector<16xf32>
        %get3A_1557 = arith.index_cast %add3A_1551 : i32 to index
        %get3A_1558 = arith.constant 16 : index
        %get3A_1559 = tpu.vector_load %arg6[%get3A_1557, %get3A_1558] {strides = array<i32>} : memref<800x64xf32, #tpu.memory_space<vmem>>, vector<1x16xf32>,
        %get3A_1560 = vector.shape_cast %get3A_1559 : vector<1x16xf32> to vector<16xf32>
        %add3A_1561 = arith.addf %add3A_1538, %get3A_1560 : vector<16xf32>
        %get3A_1562 = arith.index_cast %add3A_1551 : i32 to index
        %get3A_1563 = arith.constant 32 : index
        %get3A_1564 = tpu.vector_load %arg6[%get3A_1562, %get3A_1563] {strides = array<i32>} : memref<800x64xf32, #tpu.memory_space<vmem>>, vector<1x16xf32>,
        %get3A_1565 = vector.shape_cast %get3A_1564 : vector<1x16xf32> to vector<16xf32>
        %add3A_1566 = arith.addf %add3A_1543, %get3A_1565 : vector<16xf32>
        %get3A_1567 = arith.index_cast %add3A_1551 : i32 to index
        %get3A_1568 = arith.constant 48 : index
        %get3A_1569 = tpu.vector_load %arg6[%get3A_1567, %get3A_1568] {strides = array<i32>} : memref<800x64xf32, #tpu.memory_space<vmem>>, vector<1x16xf32>,
        %get3A_1570 = vector.shape_cast %get3A_1569 : vector<1x16xf32> to vector<16xf32>
        %add3A_1571 = arith.addf %add3A_1548, %get3A_1570 : vector<16xf32>
        %scan3A_1572 = arith.constant 5 : i32
        %scan3A_1573 = arith.addi %scan3A_1454, %scan3A_1572 : i32
        %add3A_1574 = arith.addi %add3A_1234, %scan3A_1573 : i32
        %get3A_1575 = arith.index_cast %add3A_1574 : i32 to index
        %get3A_1576 = arith.constant 0 : index
        %get3A_1577 = tpu.vector_load %arg6[%get3A_1575, %get3A_1576] {strides = array<i32>} : memref<800x64xf32, #tpu.memory_space<vmem>>, vector<1x16xf32>,
        %get3A_1578 = vector.shape_cast %get3A_1577 : vector<1x16xf32> to vector<16xf32>
        %add3A_1579 = arith.addf %add3A_1556, %get3A_1578 : vector<16xf32>
        %get3A_1580 = arith.index_cast %add3A_1574 : i32 to index
        %get3A_1581 = arith.constant 16 : index
        %get3A_1582 = tpu.vector_load %arg6[%get3A_1580, %get3A_1581] {strides = array<i32>} : memref<800x64xf32, #tpu.memory_space<vmem>>, vector<1x16xf32>,
        %get3A_1583 = vector.shape_cast %get3A_1582 : vector<1x16xf32> to vector<16xf32>
        %add3A_1584 = arith.addf %add3A_1561, %get3A_1583 : vector<16xf32>
        %get3A_1585 = arith.index_cast %add3A_1574 : i32 to index
        %get3A_1586 = arith.constant 32 : index
        %get3A_1587 = tpu.vector_load %arg6[%get3A_1585, %get3A_1586] {strides = array<i32>} : memref<800x64xf32, #tpu.memory_space<vmem>>, vector<1x16xf32>,
        %get3A_1588 = vector.shape_cast %get3A_1587 : vector<1x16xf32> to vector<16xf32>
        %add3A_1589 = arith.addf %add3A_1566, %get3A_1588 : vector<16xf32>
        %get3A_1590 = arith.index_cast %add3A_1574 : i32 to index
        %get3A_1591 = arith.constant 48 : index
        %get3A_1592 = tpu.vector_load %arg6[%get3A_1590, %get3A_1591] {strides = array<i32>} : memref<800x64xf32, #tpu.memory_space<vmem>>, vector<1x16xf32>,
        %get3A_1593 = vector.shape_cast %get3A_1592 : vector<1x16xf32> to vector<16xf32>
        %add3A_1594 = arith.addf %add3A_1571, %get3A_1593 : vector<16xf32>
        %scan3A_1595 = arith.constant 6 : i32
        %scan3A_1596 = arith.addi %scan3A_1454, %scan3A_1595 : i32
        %add3A_1597 = arith.addi %add3A_1234, %scan3A_1596 : i32
        %get3A_1598 = arith.index_cast %add3A_1597 : i32 to index
        %get3A_1599 = arith.constant 0 : index
        %get3A_1600 = tpu.vector_load %arg6[%get3A_1598, %get3A_1599] {strides = array<i32>} : memref<800x64xf32, #tpu.memory_space<vmem>>, vector<1x16xf32>,
        %get3A_1601 = vector.shape_cast %get3A_1600 : vector<1x16xf32> to vector<16xf32>
        %add3A_1602 = arith.addf %add3A_1579, %get3A_1601 : vector<16xf32>
        %get3A_1603 = arith.index_cast %add3A_1597 : i32 to index
        %get3A_1604 = arith.constant 16 : index
        %get3A_1605 = tpu.vector_load %arg6[%get3A_1603, %get3A_1604] {strides = array<i32>} : memref<800x64xf32, #tpu.memory_space<vmem>>, vector<1x16xf32>,
        %get3A_1606 = vector.shape_cast %get3A_1605 : vector<1x16xf32> to vector<16xf32>
        %add3A_1607 = arith.addf %add3A_1584, %get3A_1606 : vector<16xf32>
        %get3A_1608 = arith.index_cast %add3A_1597 : i32 to index
        %get3A_1609 = arith.constant 32 : index
        %get3A_1610 = tpu.vector_load %arg6[%get3A_1608, %get3A_1609] {strides = array<i32>} : memref<800x64xf32, #tpu.memory_space<vmem>>, vector<1x16xf32>,
        %get3A_1611 = vector.shape_cast %get3A_1610 : vector<1x16xf32> to vector<16xf32>
        %add3A_1612 = arith.addf %add3A_1589, %get3A_1611 : vector<16xf32>
        %get3A_1613 = arith.index_cast %add3A_1597 : i32 to index
        %get3A_1614 = arith.constant 48 : index
        %get3A_1615 = tpu.vector_load %arg6[%get3A_1613, %get3A_1614] {strides = array<i32>} : memref<800x64xf32, #tpu.memory_space<vmem>>, vector<1x16xf32>,
        %get3A_1616 = vector.shape_cast %get3A_1615 : vector<1x16xf32> to vector<16xf32>
        %add3A_1617 = arith.addf %add3A_1594, %get3A_1616 : vector<16xf32>
        %scan3A_1618 = arith.constant 7 : i32
        %scan3A_1619 = arith.addi %scan3A_1454, %scan3A_1618 : i32
        %add3A_1620 = arith.addi %add3A_1234, %scan3A_1619 : i32
        %get3A_1621 = arith.index_cast %add3A_1620 : i32 to index
        %get3A_1622 = arith.constant 0 : index
        %get3A_1623 = tpu.vector_load %arg6[%get3A_1621, %get3A_1622] {strides = array<i32>} : memref<800x64xf32, #tpu.memory_space<vmem>>, vector<1x16xf32>,
        %get3A_1624 = vector.shape_cast %get3A_1623 : vector<1x16xf32> to vector<16xf32>
        %add3A_1625 = arith.addf %add3A_1602, %get3A_1624 : vector<16xf32>
        %get3A_1626 = arith.index_cast %add3A_1620 : i32 to index
        %get3A_1627 = arith.constant 16 : index
        %get3A_1628 = tpu.vector_load %arg6[%get3A_1626, %get3A_1627] {strides = array<i32>} : memref<800x64xf32, #tpu.memory_space<vmem>>, vector<1x16xf32>,
        %get3A_1629 = vector.shape_cast %get3A_1628 : vector<1x16xf32> to vector<16xf32>
        %add3A_1630 = arith.addf %add3A_1607, %get3A_1629 : vector<16xf32>
        %get3A_1631 = arith.index_cast %add3A_1620 : i32 to index
        %get3A_1632 = arith.constant 32 : index
        %get3A_1633 = tpu.vector_load %arg6[%get3A_1631, %get3A_1632] {strides = array<i32>} : memref<800x64xf32, #tpu.memory_space<vmem>>, vector<1x16xf32>,
        %get3A_1634 = vector.shape_cast %get3A_1633 : vector<1x16xf32> to vector<16xf32>
        %add3A_1635 = arith.addf %add3A_1612, %get3A_1634 : vector<16xf32>
        %get3A_1636 = arith.index_cast %add3A_1620 : i32 to index
        %get3A_1637 = arith.constant 48 : index
        %get3A_1638 = tpu.vector_load %arg6[%get3A_1636, %get3A_1637] {strides = array<i32>} : memref<800x64xf32, #tpu.memory_space<vmem>>, vector<1x16xf32>,
        %get3A_1639 = vector.shape_cast %get3A_1638 : vector<1x16xf32> to vector<16xf32>
        %add3A_1640 = arith.addf %add3A_1617, %get3A_1639 : vector<16xf32>
        scf.yield %add3A_1625, %add3A_1630, %add3A_1635, %add3A_1640 : vector<16xf32>, vector<16xf32>, vector<16xf32>, vector<16xf32>
      }
      %scan3A_1256 = arith.constant 192 : i32
      %scan3A_1257 = arith.addi %scan3A_1251, %scan3A_1256 : i32
      %add3A_1258 = arith.addi %add3A_1234, %scan3A_1257 : i32
      %get3A_1259 = arith.index_cast %add3A_1258 : i32 to index
      %get3A_1260 = arith.constant 0 : index
      %get3A_1261 = tpu.vector_load %arg6[%get3A_1259, %get3A_1260] {strides = array<i32>} : memref<800x64xf32, #tpu.memory_space<vmem>>, vector<1x16xf32>,
      %get3A_1262 = vector.shape_cast %get3A_1261 : vector<1x16xf32> to vector<16xf32>
      %add3A_1263 = arith.addf %scan3A_1255#0, %get3A_1262 : vector<16xf32>
      %get3A_1264 = arith.index_cast %add3A_1258 : i32 to index
      %get3A_1265 = arith.constant 16 : index
      %get3A_1266 = tpu.vector_load %arg6[%get3A_1264, %get3A_1265] {strides = array<i32>} : memref<800x64xf32, #tpu.memory_space<vmem>>, vector<1x16xf32>,
      %get3A_1267 = vector.shape_cast %get3A_1266 : vector<1x16xf32> to vector<16xf32>
      %add3A_1268 = arith.addf %scan3A_1255#1, %get3A_1267 : vector<16xf32>
      %get3A_1269 = arith.index_cast %add3A_1258 : i32 to index
      %get3A_1270 = arith.constant 32 : index
      %get3A_1271 = tpu.vector_load %arg6[%get3A_1269, %get3A_1270] {strides = array<i32>} : memref<800x64xf32, #tpu.memory_space<vmem>>, vector<1x16xf32>,
      %get3A_1272 = vector.shape_cast %get3A_1271 : vector<1x16xf32> to vector<16xf32>
      %add3A_1273 = arith.addf %scan3A_1255#2, %get3A_1272 : vector<16xf32>
      %get3A_1274 = arith.index_cast %add3A_1258 : i32 to index
      %get3A_1275 = arith.constant 48 : index
      %get3A_1276 = tpu.vector_load %arg6[%get3A_1274, %get3A_1275] {strides = array<i32>} : memref<800x64xf32, #tpu.memory_space<vmem>>, vector<1x16xf32>,
      %get3A_1277 = vector.shape_cast %get3A_1276 : vector<1x16xf32> to vector<16xf32>
      %add3A_1278 = arith.addf %scan3A_1255#3, %get3A_1277 : vector<16xf32>
      %scan3A_1279 = arith.constant 193 : i32
      %scan3A_1280 = arith.addi %scan3A_1251, %scan3A_1279 : i32
      %add3A_1281 = arith.addi %add3A_1234, %scan3A_1280 : i32
      %get3A_1282 = arith.index_cast %add3A_1281 : i32 to index
      %get3A_1283 = arith.constant 0 : index
      %get3A_1284 = tpu.vector_load %arg6[%get3A_1282, %get3A_1283] {strides = array<i32>} : memref<800x64xf32, #tpu.memory_space<vmem>>, vector<1x16xf32>,
      %get3A_1285 = vector.shape_cast %get3A_1284 : vector<1x16xf32> to vector<16xf32>
      %add3A_1286 = arith.addf %add3A_1263, %get3A_1285 : vector<16xf32>
      %get3A_1287 = arith.index_cast %add3A_1281 : i32 to index
      %get3A_1288 = arith.constant 16 : index
      %get3A_1289 = tpu.vector_load %arg6[%get3A_1287, %get3A_1288] {strides = array<i32>} : memref<800x64xf32, #tpu.memory_space<vmem>>, vector<1x16xf32>,
      %get3A_1290 = vector.shape_cast %get3A_1289 : vector<1x16xf32> to vector<16xf32>
      %add3A_1291 = arith.addf %add3A_1268, %get3A_1290 : vector<16xf32>
      %get3A_1292 = arith.index_cast %add3A_1281 : i32 to index
      %get3A_1293 = arith.constant 32 : index
      %get3A_1294 = tpu.vector_load %arg6[%get3A_1292, %get3A_1293] {strides = array<i32>} : memref<800x64xf32, #tpu.memory_space<vmem>>, vector<1x16xf32>,
      %get3A_1295 = vector.shape_cast %get3A_1294 : vector<1x16xf32> to vector<16xf32>
      %add3A_1296 = arith.addf %add3A_1273, %get3A_1295 : vector<16xf32>
      %get3A_1297 = arith.index_cast %add3A_1281 : i32 to index
      %get3A_1298 = arith.constant 48 : index
      %get3A_1299 = tpu.vector_load %arg6[%get3A_1297, %get3A_1298] {strides = array<i32>} : memref<800x64xf32, #tpu.memory_space<vmem>>, vector<1x16xf32>,
      %get3A_1300 = vector.shape_cast %get3A_1299 : vector<1x16xf32> to vector<16xf32>
      %add3A_1301 = arith.addf %add3A_1278, %get3A_1300 : vector<16xf32>
      %scan3A_1302 = arith.constant 194 : i32
      %scan3A_1303 = arith.addi %scan3A_1251, %scan3A_1302 : i32
      %add3A_1304 = arith.addi %add3A_1234, %scan3A_1303 : i32
      %get3A_1305 = arith.index_cast %add3A_1304 : i32 to index
      %get3A_1306 = arith.constant 0 : index
      %get3A_1307 = tpu.vector_load %arg6[%get3A_1305, %get3A_1306] {strides = array<i32>} : memref<800x64xf32, #tpu.memory_space<vmem>>, vector<1x16xf32>,
      %get3A_1308 = vector.shape_cast %get3A_1307 : vector<1x16xf32> to vector<16xf32>
      %add3A_1309 = arith.addf %add3A_1286, %get3A_1308 : vector<16xf32>
      %get3A_1310 = arith.index_cast %add3A_1304 : i32 to index
      %get3A_1311 = arith.constant 16 : index
      %get3A_1312 = tpu.vector_load %arg6[%get3A_1310, %get3A_1311] {strides = array<i32>} : memref<800x64xf32, #tpu.memory_space<vmem>>, vector<1x16xf32>,
      %get3A_1313 = vector.shape_cast %get3A_1312 : vector<1x16xf32> to vector<16xf32>
      %add3A_1314 = arith.addf %add3A_1291, %get3A_1313 : vector<16xf32>
      %get3A_1315 = arith.index_cast %add3A_1304 : i32 to index
      %get3A_1316 = arith.constant 32 : index
      %get3A_1317 = tpu.vector_load %arg6[%get3A_1315, %get3A_1316] {strides = array<i32>} : memref<800x64xf32, #tpu.memory_space<vmem>>, vector<1x16xf32>,
      %get3A_1318 = vector.shape_cast %get3A_1317 : vector<1x16xf32> to vector<16xf32>
      %add3A_1319 = arith.addf %add3A_1296, %get3A_1318 : vector<16xf32>
      %get3A_1320 = arith.index_cast %add3A_1304 : i32 to index
      %get3A_1321 = arith.constant 48 : index
      %get3A_1322 = tpu.vector_load %arg6[%get3A_1320, %get3A_1321] {strides = array<i32>} : memref<800x64xf32, #tpu.memory_space<vmem>>, vector<1x16xf32>,
      %get3A_1323 = vector.shape_cast %get3A_1322 : vector<1x16xf32> to vector<16xf32>
      %add3A_1324 = arith.addf %add3A_1301, %get3A_1323 : vector<16xf32>
      %scan3A_1325 = arith.constant 195 : i32
      %scan3A_1326 = arith.addi %scan3A_1251, %scan3A_1325 : i32
      %add3A_1327 = arith.addi %add3A_1234, %scan3A_1326 : i32
      %get3A_1328 = arith.index_cast %add3A_1327 : i32 to index
      %get3A_1329 = arith.constant 0 : index
      %get3A_1330 = tpu.vector_load %arg6[%get3A_1328, %get3A_1329] {strides = array<i32>} : memref<800x64xf32, #tpu.memory_space<vmem>>, vector<1x16xf32>,
      %get3A_1331 = vector.shape_cast %get3A_1330 : vector<1x16xf32> to vector<16xf32>
      %add3A_1332 = arith.addf %add3A_1309, %get3A_1331 : vector<16xf32>
      %get3A_1333 = arith.index_cast %add3A_1327 : i32 to index
      %get3A_1334 = arith.constant 16 : index
      %get3A_1335 = tpu.vector_load %arg6[%get3A_1333, %get3A_1334] {strides = array<i32>} : memref<800x64xf32, #tpu.memory_space<vmem>>, vector<1x16xf32>,
      %get3A_1336 = vector.shape_cast %get3A_1335 : vector<1x16xf32> to vector<16xf32>
      %add3A_1337 = arith.addf %add3A_1314, %get3A_1336 : vector<16xf32>
      %get3A_1338 = arith.index_cast %add3A_1327 : i32 to index
      %get3A_1339 = arith.constant 32 : index
      %get3A_1340 = tpu.vector_load %arg6[%get3A_1338, %get3A_1339] {strides = array<i32>} : memref<800x64xf32, #tpu.memory_space<vmem>>, vector<1x16xf32>,
      %get3A_1341 = vector.shape_cast %get3A_1340 : vector<1x16xf32> to vector<16xf32>
      %add3A_1342 = arith.addf %add3A_1319, %get3A_1341 : vector<16xf32>
      %get3A_1343 = arith.index_cast %add3A_1327 : i32 to index
      %get3A_1344 = arith.constant 48 : index
      %get3A_1345 = tpu.vector_load %arg6[%get3A_1343, %get3A_1344] {strides = array<i32>} : memref<800x64xf32, #tpu.memory_space<vmem>>, vector<1x16xf32>,
      %get3A_1346 = vector.shape_cast %get3A_1345 : vector<1x16xf32> to vector<16xf32>
      %add3A_1347 = arith.addf %add3A_1324, %get3A_1346 : vector<16xf32>
      %scan3A_1348 = arith.constant 196 : i32
      %scan3A_1349 = arith.addi %scan3A_1251, %scan3A_1348 : i32
      %add3A_1350 = arith.addi %add3A_1234, %scan3A_1349 : i32
      %get3A_1351 = arith.index_cast %add3A_1350 : i32 to index
      %get3A_1352 = arith.constant 0 : index
      %get3A_1353 = tpu.vector_load %arg6[%get3A_1351, %get3A_1352] {strides = array<i32>} : memref<800x64xf32, #tpu.memory_space<vmem>>, vector<1x16xf32>,
      %get3A_1354 = vector.shape_cast %get3A_1353 : vector<1x16xf32> to vector<16xf32>
      %add3A_1355 = arith.addf %add3A_1332, %get3A_1354 : vector<16xf32>
      %get3A_1356 = arith.index_cast %add3A_1350 : i32 to index
      %get3A_1357 = arith.constant 16 : index
      %get3A_1358 = tpu.vector_load %arg6[%get3A_1356, %get3A_1357] {strides = array<i32>} : memref<800x64xf32, #tpu.memory_space<vmem>>, vector<1x16xf32>,
      %get3A_1359 = vector.shape_cast %get3A_1358 : vector<1x16xf32> to vector<16xf32>
      %add3A_1360 = arith.addf %add3A_1337, %get3A_1359 : vector<16xf32>
      %get3A_1361 = arith.index_cast %add3A_1350 : i32 to index
      %get3A_1362 = arith.constant 32 : index
      %get3A_1363 = tpu.vector_load %arg6[%get3A_1361, %get3A_1362] {strides = array<i32>} : memref<800x64xf32, #tpu.memory_space<vmem>>, vector<1x16xf32>,
      %get3A_1364 = vector.shape_cast %get3A_1363 : vector<1x16xf32> to vector<16xf32>
      %add3A_1365 = arith.addf %add3A_1342, %get3A_1364 : vector<16xf32>
      %get3A_1366 = arith.index_cast %add3A_1350 : i32 to index
      %get3A_1367 = arith.constant 48 : index
      %get3A_1368 = tpu.vector_load %arg6[%get3A_1366, %get3A_1367] {strides = array<i32>} : memref<800x64xf32, #tpu.memory_space<vmem>>, vector<1x16xf32>,
      %get3A_1369 = vector.shape_cast %get3A_1368 : vector<1x16xf32> to vector<16xf32>
      %add3A_1370 = arith.addf %add3A_1347, %get3A_1369 : vector<16xf32>
      %scan3A_1371 = arith.constant 197 : i32
      %scan3A_1372 = arith.addi %scan3A_1251, %scan3A_1371 : i32
      %add3A_1373 = arith.addi %add3A_1234, %scan3A_1372 : i32
      %get3A_1374 = arith.index_cast %add3A_1373 : i32 to index
      %get3A_1375 = arith.constant 0 : index
      %get3A_1376 = tpu.vector_load %arg6[%get3A_1374, %get3A_1375] {strides = array<i32>} : memref<800x64xf32, #tpu.memory_space<vmem>>, vector<1x16xf32>,
      %get3A_1377 = vector.shape_cast %get3A_1376 : vector<1x16xf32> to vector<16xf32>
      %add3A_1378 = arith.addf %add3A_1355, %get3A_1377 : vector<16xf32>
      %get3A_1379 = arith.index_cast %add3A_1373 : i32 to index
      %get3A_1380 = arith.constant 16 : index
      %get3A_1381 = tpu.vector_load %arg6[%get3A_1379, %get3A_1380] {strides = array<i32>} : memref<800x64xf32, #tpu.memory_space<vmem>>, vector<1x16xf32>,
      %get3A_1382 = vector.shape_cast %get3A_1381 : vector<1x16xf32> to vector<16xf32>
      %add3A_1383 = arith.addf %add3A_1360, %get3A_1382 : vector<16xf32>
      %get3A_1384 = arith.index_cast %add3A_1373 : i32 to index
      %get3A_1385 = arith.constant 32 : index
      %get3A_1386 = tpu.vector_load %arg6[%get3A_1384, %get3A_1385] {strides = array<i32>} : memref<800x64xf32, #tpu.memory_space<vmem>>, vector<1x16xf32>,
      %get3A_1387 = vector.shape_cast %get3A_1386 : vector<1x16xf32> to vector<16xf32>
      %add3A_1388 = arith.addf %add3A_1365, %get3A_1387 : vector<16xf32>
      %get3A_1389 = arith.index_cast %add3A_1373 : i32 to index
      %get3A_1390 = arith.constant 48 : index
      %get3A_1391 = tpu.vector_load %arg6[%get3A_1389, %get3A_1390] {strides = array<i32>} : memref<800x64xf32, #tpu.memory_space<vmem>>, vector<1x16xf32>,
      %get3A_1392 = vector.shape_cast %get3A_1391 : vector<1x16xf32> to vector<16xf32>
      %add3A_1393 = arith.addf %add3A_1370, %get3A_1392 : vector<16xf32>
      %scan3A_1394 = arith.constant 198 : i32
      %scan3A_1395 = arith.addi %scan3A_1251, %scan3A_1394 : i32
      %add3A_1396 = arith.addi %add3A_1234, %scan3A_1395 : i32
      %get3A_1397 = arith.index_cast %add3A_1396 : i32 to index
      %get3A_1398 = arith.constant 0 : index
      %get3A_1399 = tpu.vector_load %arg6[%get3A_1397, %get3A_1398] {strides = array<i32>} : memref<800x64xf32, #tpu.memory_space<vmem>>, vector<1x16xf32>,
      %get3A_1400 = vector.shape_cast %get3A_1399 : vector<1x16xf32> to vector<16xf32>
      %add3A_1401 = arith.addf %add3A_1378, %get3A_1400 : vector<16xf32>
      %get3A_1402 = arith.index_cast %add3A_1396 : i32 to index
      %get3A_1403 = arith.constant 16 : index
      %get3A_1404 = tpu.vector_load %arg6[%get3A_1402, %get3A_1403] {strides = array<i32>} : memref<800x64xf32, #tpu.memory_space<vmem>>, vector<1x16xf32>,
      %get3A_1405 = vector.shape_cast %get3A_1404 : vector<1x16xf32> to vector<16xf32>
      %add3A_1406 = arith.addf %add3A_1383, %get3A_1405 : vector<16xf32>
      %get3A_1407 = arith.index_cast %add3A_1396 : i32 to index
      %get3A_1408 = arith.constant 32 : index
      %get3A_1409 = tpu.vector_load %arg6[%get3A_1407, %get3A_1408] {strides = array<i32>} : memref<800x64xf32, #tpu.memory_space<vmem>>, vector<1x16xf32>,
      %get3A_1410 = vector.shape_cast %get3A_1409 : vector<1x16xf32> to vector<16xf32>
      %add3A_1411 = arith.addf %add3A_1388, %get3A_1410 : vector<16xf32>
      %get3A_1412 = arith.index_cast %add3A_1396 : i32 to index
      %get3A_1413 = arith.constant 48 : index
      %get3A_1414 = tpu.vector_load %arg6[%get3A_1412, %get3A_1413] {strides = array<i32>} : memref<800x64xf32, #tpu.memory_space<vmem>>, vector<1x16xf32>,
      %get3A_1415 = vector.shape_cast %get3A_1414 : vector<1x16xf32> to vector<16xf32>
      %add3A_1416 = arith.addf %add3A_1393, %get3A_1415 : vector<16xf32>
      %scan3A_1417 = arith.constant 199 : i32
      %mul3A_1418 = arith.constant 2 : i32
      %mul3A_1419 = arith.muli %scan3A_642, %mul3A_1418 : i32
      %add3A_1420 = arith.constant 1 : i32
      %add3A_1421 = arith.addi %mul3A_1419, %add3A_1420 : i32
      %swap3A_1422 = arith.index_cast %add3A_1421 : i32 to index
      %swap3A_1423 = arith.constant 0 : index
      %swap3A_1424 = tpu.vector_load %arg7[%swap3A_1422, %swap3A_1423] {strides = array<i32>} : memref<128x64xf32, #tpu.memory_space<vmem>>, vector<1x16xf32>,
      %swap3A_1425 = vector.shape_cast %swap3A_1424 : vector<1x16xf32> to vector<16xf32>
      %swap3A_1426 = vector.shape_cast %add3A_1401 : vector<16xf32> to vector<1x16xf32>
      tpu.vector_store %arg7[%swap3A_1422, %swap3A_1423], %swap3A_1426 {strides = array<i32>} : memref<128x64xf32, #tpu.memory_space<vmem>>, vector<1x16xf32>,
      %mul3A_1427 = arith.constant 2 : i32
      %mul3A_1428 = arith.muli %scan3A_642, %mul3A_1427 : i32
      %add3A_1429 = arith.constant 1 : i32
      %add3A_1430 = arith.addi %mul3A_1428, %add3A_1429 : i32
      %swap3A_1431 = arith.index_cast %add3A_1430 : i32 to index
      %swap3A_1432 = arith.constant 16 : index
      %swap3A_1433 = tpu.vector_load %arg7[%swap3A_1431, %swap3A_1432] {strides = array<i32>} : memref<128x64xf32, #tpu.memory_space<vmem>>, vector<1x16xf32>,
      %swap3A_1434 = vector.shape_cast %swap3A_1433 : vector<1x16xf32> to vector<16xf32>
      %swap3A_1435 = vector.shape_cast %add3A_1406 : vector<16xf32> to vector<1x16xf32>
      tpu.vector_store %arg7[%swap3A_1431, %swap3A_1432], %swap3A_1435 {strides = array<i32>} : memref<128x64xf32, #tpu.memory_space<vmem>>, vector<1x16xf32>,
      %mul3A_1436 = arith.constant 2 : i32
      %mul3A_1437 = arith.muli %scan3A_642, %mul3A_1436 : i32
      %add3A_1438 = arith.constant 1 : i32
      %add3A_1439 = arith.addi %mul3A_1437, %add3A_1438 : i32
      %swap3A_1440 = arith.index_cast %add3A_1439 : i32 to index
      %swap3A_1441 = arith.constant 32 : index
      %swap3A_1442 = tpu.vector_load %arg7[%swap3A_1440, %swap3A_1441] {strides = array<i32>} : memref<128x64xf32, #tpu.memory_space<vmem>>, vector<1x16xf32>,
      %swap3A_1443 = vector.shape_cast %swap3A_1442 : vector<1x16xf32> to vector<16xf32>
      %swap3A_1444 = vector.shape_cast %add3A_1411 : vector<16xf32> to vector<1x16xf32>
      tpu.vector_store %arg7[%swap3A_1440, %swap3A_1441], %swap3A_1444 {strides = array<i32>} : memref<128x64xf32, #tpu.memory_space<vmem>>, vector<1x16xf32>,
      %mul3A_1445 = arith.constant 2 : i32
      %mul3A_1446 = arith.muli %scan3A_642, %mul3A_1445 : i32
      %add3A_1447 = arith.constant 1 : i32
      %add3A_1448 = arith.addi %mul3A_1446, %add3A_1447 : i32
      %swap3A_1449 = arith.index_cast %add3A_1448 : i32 to index
      %swap3A_1450 = arith.constant 48 : index
      %swap3A_1451 = tpu.vector_load %arg7[%swap3A_1449, %swap3A_1450] {strides = array<i32>} : memref<128x64xf32, #tpu.memory_space<vmem>>, vector<1x16xf32>,
      %swap3A_1452 = vector.shape_cast %swap3A_1451 : vector<1x16xf32> to vector<16xf32>
      %swap3A_1453 = vector.shape_cast %add3A_1416 : vector<16xf32> to vector<1x16xf32>
      tpu.vector_store %arg7[%swap3A_1449, %swap3A_1450], %swap3A_1453 {strides = array<i32>} : memref<128x64xf32, #tpu.memory_space<vmem>>, vector<1x16xf32>,
    }
    %scan3A_106 = arith.constant 63 : i32
    %dma_wait3A = arith.constant 126 : i32
    %dma_wait3A_107 = arith.constant 400 : i32
    %dma_wait3A_108 = arith.constant 0 : i32
    %dma_wait3A_109 = tpu.memref_slice %arg6[%dma_wait3A_107, %dma_wait3A_108] : memref<800x64xf32, #tpu.memory_space<vmem>> -> memref<40x64xf32, #tpu.memory_space<vmem>>
    %dma_wait3A_110 = arith.constant 0 : i32
    %dma_wait3A_111 = tpu.memref_slice %arg5[%dma_wait3A, %dma_wait3A_110] : memref<128x200xi32, #tpu.memory_space<vmem>> -> memref<1x40xi32, #tpu.memory_space<vmem>>
    %dma_wait3A_112 = tpu.memref_squeeze %dma_wait3A_111 : memref<1x40xi32, #tpu.memory_space<vmem>> -> memref<40xi32, #tpu.memory_space<vmem>>
    %dma_wait3A_113 = arith.constant 0 : i32
    %dma_wait3A_114 = arith.constant 0 : i32
    %dma_wait3A_115 = tpu.memref_slice %arg3[%dma_wait3A_113, %dma_wait3A_114] : memref<1000000x64xf32, #tpu.memory_space<hbm>> -> memref<1000000x64xf32, #tpu.memory_space<hbm>>
    tpu.wait_indirect_dma semaphore(%arg8 : memref<!tpu.dma_semaphore, #tpu.memory_space<semaphore_mem>>) src(%dma_wait3A_115 : memref<1000000x64xf32, #tpu.memory_space<hbm>>) dst(%dma_wait3A_109 : memref<40x64xf32, #tpu.memory_space<vmem>>)
    %dma_wait3A_116 = arith.constant 126 : i32
    %dma_wait3A_117 = arith.constant 440 : i32
    %dma_wait3A_118 = arith.constant 0 : i32
    %dma_wait3A_119 = tpu.memref_slice %arg6[%dma_wait3A_117, %dma_wait3A_118] : memref<800x64xf32, #tpu.memory_space<vmem>> -> memref<40x64xf32, #tpu.memory_space<vmem>>
    %dma_wait3A_120 = arith.constant 40 : i32
    %dma_wait3A_121 = tpu.memref_slice %arg5[%dma_wait3A_116, %dma_wait3A_120] : memref<128x200xi32, #tpu.memory_space<vmem>> -> memref<1x40xi32, #tpu.memory_space<vmem>>
    %dma_wait3A_122 = tpu.memref_squeeze %dma_wait3A_121 : memref<1x40xi32, #tpu.memory_space<vmem>> -> memref<40xi32, #tpu.memory_space<vmem>>
    %dma_wait3A_123 = arith.constant 0 : i32
    %dma_wait3A_124 = arith.constant 0 : i32
    %dma_wait3A_125 = tpu.memref_slice %arg3[%dma_wait3A_123, %dma_wait3A_124] : memref<1000000x64xf32, #tpu.memory_space<hbm>> -> memref<1000000x64xf32, #tpu.memory_space<hbm>>
    tpu.wait_indirect_dma semaphore(%arg8 : memref<!tpu.dma_semaphore, #tpu.memory_space<semaphore_mem>>) src(%dma_wait3A_125 : memref<1000000x64xf32, #tpu.memory_space<hbm>>) dst(%dma_wait3A_119 : memref<40x64xf32, #tpu.memory_space<vmem>>)
    %dma_wait3A_126 = arith.constant 126 : i32
    %dma_wait3A_127 = arith.constant 480 : i32
    %dma_wait3A_128 = arith.constant 0 : i32
    %dma_wait3A_129 = tpu.memref_slice %arg6[%dma_wait3A_127, %dma_wait3A_128] : memref<800x64xf32, #tpu.memory_space<vmem>> -> memref<40x64xf32, #tpu.memory_space<vmem>>
    %dma_wait3A_130 = arith.constant 80 : i32
    %dma_wait3A_131 = tpu.memref_slice %arg5[%dma_wait3A_126, %dma_wait3A_130] : memref<128x200xi32, #tpu.memory_space<vmem>> -> memref<1x40xi32, #tpu.memory_space<vmem>>
    %dma_wait3A_132 = tpu.memref_squeeze %dma_wait3A_131 : memref<1x40xi32, #tpu.memory_space<vmem>> -> memref<40xi32, #tpu.memory_space<vmem>>
    %dma_wait3A_133 = arith.constant 0 : i32
    %dma_wait3A_134 = arith.constant 0 : i32
    %dma_wait3A_135 = tpu.memref_slice %arg3[%dma_wait3A_133, %dma_wait3A_134] : memref<1000000x64xf32, #tpu.memory_space<hbm>> -> memref<1000000x64xf32, #tpu.memory_space<hbm>>
    tpu.wait_indirect_dma semaphore(%arg8 : memref<!tpu.dma_semaphore, #tpu.memory_space<semaphore_mem>>) src(%dma_wait3A_135 : memref<1000000x64xf32, #tpu.memory_space<hbm>>) dst(%dma_wait3A_129 : memref<40x64xf32, #tpu.memory_space<vmem>>)
    %dma_wait3A_136 = arith.constant 126 : i32
    %dma_wait3A_137 = arith.constant 520 : i32
    %dma_wait3A_138 = arith.constant 0 : i32
    %dma_wait3A_139 = tpu.memref_slice %arg6[%dma_wait3A_137, %dma_wait3A_138] : memref<800x64xf32, #tpu.memory_space<vmem>> -> memref<40x64xf32, #tpu.memory_space<vmem>>
    %dma_wait3A_140 = arith.constant 120 : i32
    %dma_wait3A_141 = tpu.memref_slice %arg5[%dma_wait3A_136, %dma_wait3A_140] : memref<128x200xi32, #tpu.memory_space<vmem>> -> memref<1x40xi32, #tpu.memory_space<vmem>>
    %dma_wait3A_142 = tpu.memref_squeeze %dma_wait3A_141 : memref<1x40xi32, #tpu.memory_space<vmem>> -> memref<40xi32, #tpu.memory_space<vmem>>
    %dma_wait3A_143 = arith.constant 0 : i32
    %dma_wait3A_144 = arith.constant 0 : i32
    %dma_wait3A_145 = tpu.memref_slice %arg3[%dma_wait3A_143, %dma_wait3A_144] : memref<1000000x64xf32, #tpu.memory_space<hbm>> -> memref<1000000x64xf32, #tpu.memory_space<hbm>>
    tpu.wait_indirect_dma semaphore(%arg8 : memref<!tpu.dma_semaphore, #tpu.memory_space<semaphore_mem>>) src(%dma_wait3A_145 : memref<1000000x64xf32, #tpu.memory_space<hbm>>) dst(%dma_wait3A_139 : memref<40x64xf32, #tpu.memory_space<vmem>>)
    %dma_wait3A_146 = arith.constant 126 : i32
    %dma_wait3A_147 = arith.constant 560 : i32
    %dma_wait3A_148 = arith.constant 0 : i32
    %dma_wait3A_149 = tpu.memref_slice %arg6[%dma_wait3A_147, %dma_wait3A_148] : memref<800x64xf32, #tpu.memory_space<vmem>> -> memref<40x64xf32, #tpu.memory_space<vmem>>
    %dma_wait3A_150 = arith.constant 160 : i32
    %dma_wait3A_151 = tpu.memref_slice %arg5[%dma_wait3A_146, %dma_wait3A_150] : memref<128x200xi32, #tpu.memory_space<vmem>> -> memref<1x40xi32, #tpu.memory_space<vmem>>
    %dma_wait3A_152 = tpu.memref_squeeze %dma_wait3A_151 : memref<1x40xi32, #tpu.memory_space<vmem>> -> memref<40xi32, #tpu.memory_space<vmem>>
    %dma_wait3A_153 = arith.constant 0 : i32
    %dma_wait3A_154 = arith.constant 0 : i32
    %dma_wait3A_155 = tpu.memref_slice %arg3[%dma_wait3A_153, %dma_wait3A_154] : memref<1000000x64xf32, #tpu.memory_space<hbm>> -> memref<1000000x64xf32, #tpu.memory_space<hbm>>
    tpu.wait_indirect_dma semaphore(%arg8 : memref<!tpu.dma_semaphore, #tpu.memory_space<semaphore_mem>>) src(%dma_wait3A_155 : memref<1000000x64xf32, #tpu.memory_space<hbm>>) dst(%dma_wait3A_149 : memref<40x64xf32, #tpu.memory_space<vmem>>)
    %dma_wait3A_156 = arith.constant 127 : i32
    %dma_wait3A_157 = arith.constant 600 : i32
    %dma_wait3A_158 = arith.constant 0 : i32
    %dma_wait3A_159 = tpu.memref_slice %arg6[%dma_wait3A_157, %dma_wait3A_158] : memref<800x64xf32, #tpu.memory_space<vmem>> -> memref<40x64xf32, #tpu.memory_space<vmem>>
    %dma_wait3A_160 = arith.constant 0 : i32
    %dma_wait3A_161 = tpu.memref_slice %arg5[%dma_wait3A_156, %dma_wait3A_160] : memref<128x200xi32, #tpu.memory_space<vmem>> -> memref<1x40xi32, #tpu.memory_space<vmem>>
    %dma_wait3A_162 = tpu.memref_squeeze %dma_wait3A_161 : memref<1x40xi32, #tpu.memory_space<vmem>> -> memref<40xi32, #tpu.memory_space<vmem>>
    %dma_wait3A_163 = arith.constant 0 : i32
    %dma_wait3A_164 = arith.constant 0 : i32
    %dma_wait3A_165 = tpu.memref_slice %arg3[%dma_wait3A_163, %dma_wait3A_164] : memref<1000000x64xf32, #tpu.memory_space<hbm>> -> memref<1000000x64xf32, #tpu.memory_space<hbm>>
    tpu.wait_indirect_dma semaphore(%arg8 : memref<!tpu.dma_semaphore, #tpu.memory_space<semaphore_mem>>) src(%dma_wait3A_165 : memref<1000000x64xf32, #tpu.memory_space<hbm>>) dst(%dma_wait3A_159 : memref<40x64xf32, #tpu.memory_space<vmem>>)
    %dma_wait3A_166 = arith.constant 127 : i32
    %dma_wait3A_167 = arith.constant 640 : i32
    %dma_wait3A_168 = arith.constant 0 : i32
    %dma_wait3A_169 = tpu.memref_slice %arg6[%dma_wait3A_167, %dma_wait3A_168] : memref<800x64xf32, #tpu.memory_space<vmem>> -> memref<40x64xf32, #tpu.memory_space<vmem>>
    %dma_wait3A_170 = arith.constant 40 : i32
    %dma_wait3A_171 = tpu.memref_slice %arg5[%dma_wait3A_166, %dma_wait3A_170] : memref<128x200xi32, #tpu.memory_space<vmem>> -> memref<1x40xi32, #tpu.memory_space<vmem>>
    %dma_wait3A_172 = tpu.memref_squeeze %dma_wait3A_171 : memref<1x40xi32, #tpu.memory_space<vmem>> -> memref<40xi32, #tpu.memory_space<vmem>>
    %dma_wait3A_173 = arith.constant 0 : i32
    %dma_wait3A_174 = arith.constant 0 : i32
    %dma_wait3A_175 = tpu.memref_slice %arg3[%dma_wait3A_173, %dma_wait3A_174] : memref<1000000x64xf32, #tpu.memory_space<hbm>> -> memref<1000000x64xf32, #tpu.memory_space<hbm>>
    tpu.wait_indirect_dma semaphore(%arg8 : memref<!tpu.dma_semaphore, #tpu.memory_space<semaphore_mem>>) src(%dma_wait3A_175 : memref<1000000x64xf32, #tpu.memory_space<hbm>>) dst(%dma_wait3A_169 : memref<40x64xf32, #tpu.memory_space<vmem>>)
    %dma_wait3A_176 = arith.constant 127 : i32
    %dma_wait3A_177 = arith.constant 680 : i32
    %dma_wait3A_178 = arith.constant 0 : i32
    %dma_wait3A_179 = tpu.memref_slice %arg6[%dma_wait3A_177, %dma_wait3A_178] : memref<800x64xf32, #tpu.memory_space<vmem>> -> memref<40x64xf32, #tpu.memory_space<vmem>>
    %dma_wait3A_180 = arith.constant 80 : i32
    %dma_wait3A_181 = tpu.memref_slice %arg5[%dma_wait3A_176, %dma_wait3A_180] : memref<128x200xi32, #tpu.memory_space<vmem>> -> memref<1x40xi32, #tpu.memory_space<vmem>>
    %dma_wait3A_182 = tpu.memref_squeeze %dma_wait3A_181 : memref<1x40xi32, #tpu.memory_space<vmem>> -> memref<40xi32, #tpu.memory_space<vmem>>
    %dma_wait3A_183 = arith.constant 0 : i32
    %dma_wait3A_184 = arith.constant 0 : i32
    %dma_wait3A_185 = tpu.memref_slice %arg3[%dma_wait3A_183, %dma_wait3A_184] : memref<1000000x64xf32, #tpu.memory_space<hbm>> -> memref<1000000x64xf32, #tpu.memory_space<hbm>>
    tpu.wait_indirect_dma semaphore(%arg8 : memref<!tpu.dma_semaphore, #tpu.memory_space<semaphore_mem>>) src(%dma_wait3A_185 : memref<1000000x64xf32, #tpu.memory_space<hbm>>) dst(%dma_wait3A_179 : memref<40x64xf32, #tpu.memory_space<vmem>>)
    %dma_wait3A_186 = arith.constant 127 : i32
    %dma_wait3A_187 = arith.constant 720 : i32
    %dma_wait3A_188 = arith.constant 0 : i32
    %dma_wait3A_189 = tpu.memref_slice %arg6[%dma_wait3A_187, %dma_wait3A_188] : memref<800x64xf32, #tpu.memory_space<vmem>> -> memref<40x64xf32, #tpu.memory_space<vmem>>
    %dma_wait3A_190 = arith.constant 120 : i32
    %dma_wait3A_191 = tpu.memref_slice %arg5[%dma_wait3A_186, %dma_wait3A_190] : memref<128x200xi32, #tpu.memory_space<vmem>> -> memref<1x40xi32, #tpu.memory_space<vmem>>
    %dma_wait3A_192 = tpu.memref_squeeze %dma_wait3A_191 : memref<1x40xi32, #tpu.memory_space<vmem>> -> memref<40xi32, #tpu.memory_space<vmem>>
    %dma_wait3A_193 = arith.constant 0 : i32
    %dma_wait3A_194 = arith.constant 0 : i32
    %dma_wait3A_195 = tpu.memref_slice %arg3[%dma_wait3A_193, %dma_wait3A_194] : memref<1000000x64xf32, #tpu.memory_space<hbm>> -> memref<1000000x64xf32, #tpu.memory_space<hbm>>
    tpu.wait_indirect_dma semaphore(%arg8 : memref<!tpu.dma_semaphore, #tpu.memory_space<semaphore_mem>>) src(%dma_wait3A_195 : memref<1000000x64xf32, #tpu.memory_space<hbm>>) dst(%dma_wait3A_189 : memref<40x64xf32, #tpu.memory_space<vmem>>)
    %dma_wait3A_196 = arith.constant 127 : i32
    %dma_wait3A_197 = arith.constant 760 : i32
    %dma_wait3A_198 = arith.constant 0 : i32
    %dma_wait3A_199 = tpu.memref_slice %arg6[%dma_wait3A_197, %dma_wait3A_198] : memref<800x64xf32, #tpu.memory_space<vmem>> -> memref<40x64xf32, #tpu.memory_space<vmem>>
    %dma_wait3A_200 = arith.constant 160 : i32
    %dma_wait3A_201 = tpu.memref_slice %arg5[%dma_wait3A_196, %dma_wait3A_200] : memref<128x200xi32, #tpu.memory_space<vmem>> -> memref<1x40xi32, #tpu.memory_space<vmem>>
    %dma_wait3A_202 = tpu.memref_squeeze %dma_wait3A_201 : memref<1x40xi32, #tpu.memory_space<vmem>> -> memref<40xi32, #tpu.memory_space<vmem>>
    %dma_wait3A_203 = arith.constant 0 : i32
    %dma_wait3A_204 = arith.constant 0 : i32
    %dma_wait3A_205 = tpu.memref_slice %arg3[%dma_wait3A_203, %dma_wait3A_204] : memref<1000000x64xf32, #tpu.memory_space<hbm>> -> memref<1000000x64xf32, #tpu.memory_space<hbm>>
    tpu.wait_indirect_dma semaphore(%arg8 : memref<!tpu.dma_semaphore, #tpu.memory_space<semaphore_mem>>) src(%dma_wait3A_205 : memref<1000000x64xf32, #tpu.memory_space<hbm>>) dst(%dma_wait3A_199 : memref<40x64xf32, #tpu.memory_space<vmem>>)
    %get3A = arith.constant 400 : i32
    %get3A_206 = arith.index_cast %get3A : i32 to index
    %get3A_207 = arith.constant 0 : index
    %get3A_208 = tpu.vector_load %arg6[%get3A_206, %get3A_207] {strides = array<i32>} : memref<800x64xf32, #tpu.memory_space<vmem>>, vector<1x16xf32>,
    %get3A_209 = vector.shape_cast %get3A_208 : vector<1x16xf32> to vector<16xf32>
    %get3A_210 = arith.constant 400 : i32
    %get3A_211 = arith.index_cast %get3A_210 : i32 to index
    %get3A_212 = arith.constant 16 : index
    %get3A_213 = tpu.vector_load %arg6[%get3A_211, %get3A_212] {strides = array<i32>} : memref<800x64xf32, #tpu.memory_space<vmem>>, vector<1x16xf32>,
    %get3A_214 = vector.shape_cast %get3A_213 : vector<1x16xf32> to vector<16xf32>
    %get3A_215 = arith.constant 400 : i32
    %get3A_216 = arith.index_cast %get3A_215 : i32 to index
    %get3A_217 = arith.constant 32 : index
    %get3A_218 = tpu.vector_load %arg6[%get3A_216, %get3A_217] {strides = array<i32>} : memref<800x64xf32, #tpu.memory_space<vmem>>, vector<1x16xf32>,
    %get3A_219 = vector.shape_cast %get3A_218 : vector<1x16xf32> to vector<16xf32>
    %get3A_220 = arith.constant 400 : i32
    %get3A_221 = arith.index_cast %get3A_220 : i32 to index
    %get3A_222 = arith.constant 48 : index
    %get3A_223 = tpu.vector_load %arg6[%get3A_221, %get3A_222] {strides = array<i32>} : memref<800x64xf32, #tpu.memory_space<vmem>>, vector<1x16xf32>,
    %get3A_224 = vector.shape_cast %get3A_223 : vector<1x16xf32> to vector<16xf32>
    %scan3A_225 = arith.constant 1 : i32
    %scan3A_226 = arith.constant 192 : i32
    %scan3A_227 = arith.addi %scan3A_225, %scan3A_226 : i32
    %scan3A_228 = arith.constant 8 : i32
    %scan3A_229:4 = scf.for %scan3A_642 = %scan3A_225 to %scan3A_227 step %scan3A_228 iter_args(%scan3A_643 = %get3A_209, %scan3A_644 = %get3A_214, %scan3A_645 = %get3A_219, %scan3A_646 = %get3A_224) -> (vector<16xf32>, vector<16xf32>, vector<16xf32>, vector<16xf32>)  : i32 {
      %add3A_647 = arith.constant 400 : i32
      %add3A_648 = arith.addi %add3A_647, %scan3A_642 : i32
      %get3A_649 = arith.index_cast %add3A_648 : i32 to index
      %get3A_650 = arith.constant 0 : index
      %get3A_651 = tpu.vector_load %arg6[%get3A_649, %get3A_650] {strides = array<i32>} : memref<800x64xf32, #tpu.memory_space<vmem>>, vector<1x16xf32>,
      %get3A_652 = vector.shape_cast %get3A_651 : vector<1x16xf32> to vector<16xf32>
      %add3A_653 = arith.addf %scan3A_643, %get3A_652 : vector<16xf32>
      %get3A_654 = arith.index_cast %add3A_648 : i32 to index
      %get3A_655 = arith.constant 16 : index
      %get3A_656 = tpu.vector_load %arg6[%get3A_654, %get3A_655] {strides = array<i32>} : memref<800x64xf32, #tpu.memory_space<vmem>>, vector<1x16xf32>,
      %get3A_657 = vector.shape_cast %get3A_656 : vector<1x16xf32> to vector<16xf32>
      %add3A_658 = arith.addf %scan3A_644, %get3A_657 : vector<16xf32>
      %get3A_659 = arith.index_cast %add3A_648 : i32 to index
      %get3A_660 = arith.constant 32 : index
      %get3A_661 = tpu.vector_load %arg6[%get3A_659, %get3A_660] {strides = array<i32>} : memref<800x64xf32, #tpu.memory_space<vmem>>, vector<1x16xf32>,
      %get3A_662 = vector.shape_cast %get3A_661 : vector<1x16xf32> to vector<16xf32>
      %add3A_663 = arith.addf %scan3A_645, %get3A_662 : vector<16xf32>
      %get3A_664 = arith.index_cast %add3A_648 : i32 to index
      %get3A_665 = arith.constant 48 : index
      %get3A_666 = tpu.vector_load %arg6[%get3A_664, %get3A_665] {strides = array<i32>} : memref<800x64xf32, #tpu.memory_space<vmem>>, vector<1x16xf32>,
      %get3A_667 = vector.shape_cast %get3A_666 : vector<1x16xf32> to vector<16xf32>
      %add3A_668 = arith.addf %scan3A_646, %get3A_667 : vector<16xf32>
      %scan3A_669 = arith.constant 1 : i32
      %scan3A_670 = arith.addi %scan3A_642, %scan3A_669 : i32
      %add3A_671 = arith.constant 400 : i32
      %add3A_672 = arith.addi %add3A_671, %scan3A_670 : i32
      %get3A_673 = arith.index_cast %add3A_672 : i32 to index
      %get3A_674 = arith.constant 0 : index
      %get3A_675 = tpu.vector_load %arg6[%get3A_673, %get3A_674] {strides = array<i32>} : memref<800x64xf32, #tpu.memory_space<vmem>>, vector<1x16xf32>,
      %get3A_676 = vector.shape_cast %get3A_675 : vector<1x16xf32> to vector<16xf32>
      %add3A_677 = arith.addf %add3A_653, %get3A_676 : vector<16xf32>
      %get3A_678 = arith.index_cast %add3A_672 : i32 to index
      %get3A_679 = arith.constant 16 : index
      %get3A_680 = tpu.vector_load %arg6[%get3A_678, %get3A_679] {strides = array<i32>} : memref<800x64xf32, #tpu.memory_space<vmem>>, vector<1x16xf32>,
      %get3A_681 = vector.shape_cast %get3A_680 : vector<1x16xf32> to vector<16xf32>
      %add3A_682 = arith.addf %add3A_658, %get3A_681 : vector<16xf32>
      %get3A_683 = arith.index_cast %add3A_672 : i32 to index
      %get3A_684 = arith.constant 32 : index
      %get3A_685 = tpu.vector_load %arg6[%get3A_683, %get3A_684] {strides = array<i32>} : memref<800x64xf32, #tpu.memory_space<vmem>>, vector<1x16xf32>,
      %get3A_686 = vector.shape_cast %get3A_685 : vector<1x16xf32> to vector<16xf32>
      %add3A_687 = arith.addf %add3A_663, %get3A_686 : vector<16xf32>
      %get3A_688 = arith.index_cast %add3A_672 : i32 to index
      %get3A_689 = arith.constant 48 : index
      %get3A_690 = tpu.vector_load %arg6[%get3A_688, %get3A_689] {strides = array<i32>} : memref<800x64xf32, #tpu.memory_space<vmem>>, vector<1x16xf32>,
      %get3A_691 = vector.shape_cast %get3A_690 : vector<1x16xf32> to vector<16xf32>
      %add3A_692 = arith.addf %add3A_668, %get3A_691 : vector<16xf32>
      %scan3A_693 = arith.constant 2 : i32
      %scan3A_694 = arith.addi %scan3A_642, %scan3A_693 : i32
      %add3A_695 = arith.constant 400 : i32
      %add3A_696 = arith.addi %add3A_695, %scan3A_694 : i32
      %get3A_697 = arith.index_cast %add3A_696 : i32 to index
      %get3A_698 = arith.constant 0 : index
      %get3A_699 = tpu.vector_load %arg6[%get3A_697, %get3A_698] {strides = array<i32>} : memref<800x64xf32, #tpu.memory_space<vmem>>, vector<1x16xf32>,
      %get3A_700 = vector.shape_cast %get3A_699 : vector<1x16xf32> to vector<16xf32>
      %add3A_701 = arith.addf %add3A_677, %get3A_700 : vector<16xf32>
      %get3A_702 = arith.index_cast %add3A_696 : i32 to index
      %get3A_703 = arith.constant 16 : index
      %get3A_704 = tpu.vector_load %arg6[%get3A_702, %get3A_703] {strides = array<i32>} : memref<800x64xf32, #tpu.memory_space<vmem>>, vector<1x16xf32>,
      %get3A_705 = vector.shape_cast %get3A_704 : vector<1x16xf32> to vector<16xf32>
      %add3A_706 = arith.addf %add3A_682, %get3A_705 : vector<16xf32>
      %get3A_707 = arith.index_cast %add3A_696 : i32 to index
      %get3A_708 = arith.constant 32 : index
      %get3A_709 = tpu.vector_load %arg6[%get3A_707, %get3A_708] {strides = array<i32>} : memref<800x64xf32, #tpu.memory_space<vmem>>, vector<1x16xf32>,
      %get3A_710 = vector.shape_cast %get3A_709 : vector<1x16xf32> to vector<16xf32>
      %add3A_711 = arith.addf %add3A_687, %get3A_710 : vector<16xf32>
      %get3A_712 = arith.index_cast %add3A_696 : i32 to index
      %get3A_713 = arith.constant 48 : index
      %get3A_714 = tpu.vector_load %arg6[%get3A_712, %get3A_713] {strides = array<i32>} : memref<800x64xf32, #tpu.memory_space<vmem>>, vector<1x16xf32>,
      %get3A_715 = vector.shape_cast %get3A_714 : vector<1x16xf32> to vector<16xf32>
      %add3A_716 = arith.addf %add3A_692, %get3A_715 : vector<16xf32>
      %scan3A_717 = arith.constant 3 : i32
      %scan3A_718 = arith.addi %scan3A_642, %scan3A_717 : i32
      %add3A_719 = arith.constant 400 : i32
      %add3A_720 = arith.addi %add3A_719, %scan3A_718 : i32
      %get3A_721 = arith.index_cast %add3A_720 : i32 to index
      %get3A_722 = arith.constant 0 : index
      %get3A_723 = tpu.vector_load %arg6[%get3A_721, %get3A_722] {strides = array<i32>} : memref<800x64xf32, #tpu.memory_space<vmem>>, vector<1x16xf32>,
      %get3A_724 = vector.shape_cast %get3A_723 : vector<1x16xf32> to vector<16xf32>
      %add3A_725 = arith.addf %add3A_701, %get3A_724 : vector<16xf32>
      %get3A_726 = arith.index_cast %add3A_720 : i32 to index
      %get3A_727 = arith.constant 16 : index
      %get3A_728 = tpu.vector_load %arg6[%get3A_726, %get3A_727] {strides = array<i32>} : memref<800x64xf32, #tpu.memory_space<vmem>>, vector<1x16xf32>,
      %get3A_729 = vector.shape_cast %get3A_728 : vector<1x16xf32> to vector<16xf32>
      %add3A_730 = arith.addf %add3A_706, %get3A_729 : vector<16xf32>
      %get3A_731 = arith.index_cast %add3A_720 : i32 to index
      %get3A_732 = arith.constant 32 : index
      %get3A_733 = tpu.vector_load %arg6[%get3A_731, %get3A_732] {strides = array<i32>} : memref<800x64xf32, #tpu.memory_space<vmem>>, vector<1x16xf32>,
      %get3A_734 = vector.shape_cast %get3A_733 : vector<1x16xf32> to vector<16xf32>
      %add3A_735 = arith.addf %add3A_711, %get3A_734 : vector<16xf32>
      %get3A_736 = arith.index_cast %add3A_720 : i32 to index
      %get3A_737 = arith.constant 48 : index
      %get3A_738 = tpu.vector_load %arg6[%get3A_736, %get3A_737] {strides = array<i32>} : memref<800x64xf32, #tpu.memory_space<vmem>>, vector<1x16xf32>,
      %get3A_739 = vector.shape_cast %get3A_738 : vector<1x16xf32> to vector<16xf32>
      %add3A_740 = arith.addf %add3A_716, %get3A_739 : vector<16xf32>
      %scan3A_741 = arith.constant 4 : i32
      %scan3A_742 = arith.addi %scan3A_642, %scan3A_741 : i32
      %add3A_743 = arith.constant 400 : i32
      %add3A_744 = arith.addi %add3A_743, %scan3A_742 : i32
      %get3A_745 = arith.index_cast %add3A_744 : i32 to index
      %get3A_746 = arith.constant 0 : index
      %get3A_747 = tpu.vector_load %arg6[%get3A_745, %get3A_746] {strides = array<i32>} : memref<800x64xf32, #tpu.memory_space<vmem>>, vector<1x16xf32>,
      %get3A_748 = vector.shape_cast %get3A_747 : vector<1x16xf32> to vector<16xf32>
      %add3A_749 = arith.addf %add3A_725, %get3A_748 : vector<16xf32>
      %get3A_750 = arith.index_cast %add3A_744 : i32 to index
      %get3A_751 = arith.constant 16 : index
      %get3A_752 = tpu.vector_load %arg6[%get3A_750, %get3A_751] {strides = array<i32>} : memref<800x64xf32, #tpu.memory_space<vmem>>, vector<1x16xf32>,
      %get3A_753 = vector.shape_cast %get3A_752 : vector<1x16xf32> to vector<16xf32>
      %add3A_754 = arith.addf %add3A_730, %get3A_753 : vector<16xf32>
      %get3A_755 = arith.index_cast %add3A_744 : i32 to index
      %get3A_756 = arith.constant 32 : index
      %get3A_757 = tpu.vector_load %arg6[%get3A_755, %get3A_756] {strides = array<i32>} : memref<800x64xf32, #tpu.memory_space<vmem>>, vector<1x16xf32>,
      %get3A_758 = vector.shape_cast %get3A_757 : vector<1x16xf32> to vector<16xf32>
      %add3A_759 = arith.addf %add3A_735, %get3A_758 : vector<16xf32>
      %get3A_760 = arith.index_cast %add3A_744 : i32 to index
      %get3A_761 = arith.constant 48 : index
      %get3A_762 = tpu.vector_load %arg6[%get3A_760, %get3A_761] {strides = array<i32>} : memref<800x64xf32, #tpu.memory_space<vmem>>, vector<1x16xf32>,
      %get3A_763 = vector.shape_cast %get3A_762 : vector<1x16xf32> to vector<16xf32>
      %add3A_764 = arith.addf %add3A_740, %get3A_763 : vector<16xf32>
      %scan3A_765 = arith.constant 5 : i32
      %scan3A_766 = arith.addi %scan3A_642, %scan3A_765 : i32
      %add3A_767 = arith.constant 400 : i32
      %add3A_768 = arith.addi %add3A_767, %scan3A_766 : i32
      %get3A_769 = arith.index_cast %add3A_768 : i32 to index
      %get3A_770 = arith.constant 0 : index
      %get3A_771 = tpu.vector_load %arg6[%get3A_769, %get3A_770] {strides = array<i32>} : memref<800x64xf32, #tpu.memory_space<vmem>>, vector<1x16xf32>,
      %get3A_772 = vector.shape_cast %get3A_771 : vector<1x16xf32> to vector<16xf32>
      %add3A_773 = arith.addf %add3A_749, %get3A_772 : vector<16xf32>
      %get3A_774 = arith.index_cast %add3A_768 : i32 to index
      %get3A_775 = arith.constant 16 : index
      %get3A_776 = tpu.vector_load %arg6[%get3A_774, %get3A_775] {strides = array<i32>} : memref<800x64xf32, #tpu.memory_space<vmem>>, vector<1x16xf32>,
      %get3A_777 = vector.shape_cast %get3A_776 : vector<1x16xf32> to vector<16xf32>
      %add3A_778 = arith.addf %add3A_754, %get3A_777 : vector<16xf32>
      %get3A_779 = arith.index_cast %add3A_768 : i32 to index
      %get3A_780 = arith.constant 32 : index
      %get3A_781 = tpu.vector_load %arg6[%get3A_779, %get3A_780] {strides = array<i32>} : memref<800x64xf32, #tpu.memory_space<vmem>>, vector<1x16xf32>,
      %get3A_782 = vector.shape_cast %get3A_781 : vector<1x16xf32> to vector<16xf32>
      %add3A_783 = arith.addf %add3A_759, %get3A_782 : vector<16xf32>
      %get3A_784 = arith.index_cast %add3A_768 : i32 to index
      %get3A_785 = arith.constant 48 : index
      %get3A_786 = tpu.vector_load %arg6[%get3A_784, %get3A_785] {strides = array<i32>} : memref<800x64xf32, #tpu.memory_space<vmem>>, vector<1x16xf32>,
      %get3A_787 = vector.shape_cast %get3A_786 : vector<1x16xf32> to vector<16xf32>
      %add3A_788 = arith.addf %add3A_764, %get3A_787 : vector<16xf32>
      %scan3A_789 = arith.constant 6 : i32
      %scan3A_790 = arith.addi %scan3A_642, %scan3A_789 : i32
      %add3A_791 = arith.constant 400 : i32
      %add3A_792 = arith.addi %add3A_791, %scan3A_790 : i32
      %get3A_793 = arith.index_cast %add3A_792 : i32 to index
      %get3A_794 = arith.constant 0 : index
      %get3A_795 = tpu.vector_load %arg6[%get3A_793, %get3A_794] {strides = array<i32>} : memref<800x64xf32, #tpu.memory_space<vmem>>, vector<1x16xf32>,
      %get3A_796 = vector.shape_cast %get3A_795 : vector<1x16xf32> to vector<16xf32>
      %add3A_797 = arith.addf %add3A_773, %get3A_796 : vector<16xf32>
      %get3A_798 = arith.index_cast %add3A_792 : i32 to index
      %get3A_799 = arith.constant 16 : index
      %get3A_800 = tpu.vector_load %arg6[%get3A_798, %get3A_799] {strides = array<i32>} : memref<800x64xf32, #tpu.memory_space<vmem>>, vector<1x16xf32>,
      %get3A_801 = vector.shape_cast %get3A_800 : vector<1x16xf32> to vector<16xf32>
      %add3A_802 = arith.addf %add3A_778, %get3A_801 : vector<16xf32>
      %get3A_803 = arith.index_cast %add3A_792 : i32 to index
      %get3A_804 = arith.constant 32 : index
      %get3A_805 = tpu.vector_load %arg6[%get3A_803, %get3A_804] {strides = array<i32>} : memref<800x64xf32, #tpu.memory_space<vmem>>, vector<1x16xf32>,
      %get3A_806 = vector.shape_cast %get3A_805 : vector<1x16xf32> to vector<16xf32>
      %add3A_807 = arith.addf %add3A_783, %get3A_806 : vector<16xf32>
      %get3A_808 = arith.index_cast %add3A_792 : i32 to index
      %get3A_809 = arith.constant 48 : index
      %get3A_810 = tpu.vector_load %arg6[%get3A_808, %get3A_809] {strides = array<i32>} : memref<800x64xf32, #tpu.memory_space<vmem>>, vector<1x16xf32>,
      %get3A_811 = vector.shape_cast %get3A_810 : vector<1x16xf32> to vector<16xf32>
      %add3A_812 = arith.addf %add3A_788, %get3A_811 : vector<16xf32>
      %scan3A_813 = arith.constant 7 : i32
      %scan3A_814 = arith.addi %scan3A_642, %scan3A_813 : i32
      %add3A_815 = arith.constant 400 : i32
      %add3A_816 = arith.addi %add3A_815, %scan3A_814 : i32
      %get3A_817 = arith.index_cast %add3A_816 : i32 to index
      %get3A_818 = arith.constant 0 : index
      %get3A_819 = tpu.vector_load %arg6[%get3A_817, %get3A_818] {strides = array<i32>} : memref<800x64xf32, #tpu.memory_space<vmem>>, vector<1x16xf32>,
      %get3A_820 = vector.shape_cast %get3A_819 : vector<1x16xf32> to vector<16xf32>
      %add3A_821 = arith.addf %add3A_797, %get3A_820 : vector<16xf32>
      %get3A_822 = arith.index_cast %add3A_816 : i32 to index
      %get3A_823 = arith.constant 16 : index
      %get3A_824 = tpu.vector_load %arg6[%get3A_822, %get3A_823] {strides = array<i32>} : memref<800x64xf32, #tpu.memory_space<vmem>>, vector<1x16xf32>,
      %get3A_825 = vector.shape_cast %get3A_824 : vector<1x16xf32> to vector<16xf32>
      %add3A_826 = arith.addf %add3A_802, %get3A_825 : vector<16xf32>
      %get3A_827 = arith.index_cast %add3A_816 : i32 to index
      %get3A_828 = arith.constant 32 : index
      %get3A_829 = tpu.vector_load %arg6[%get3A_827, %get3A_828] {strides = array<i32>} : memref<800x64xf32, #tpu.memory_space<vmem>>, vector<1x16xf32>,
      %get3A_830 = vector.shape_cast %get3A_829 : vector<1x16xf32> to vector<16xf32>
      %add3A_831 = arith.addf %add3A_807, %get3A_830 : vector<16xf32>
      %get3A_832 = arith.index_cast %add3A_816 : i32 to index
      %get3A_833 = arith.constant 48 : index
      %get3A_834 = tpu.vector_load %arg6[%get3A_832, %get3A_833] {strides = array<i32>} : memref<800x64xf32, #tpu.memory_space<vmem>>, vector<1x16xf32>,
      %get3A_835 = vector.shape_cast %get3A_834 : vector<1x16xf32> to vector<16xf32>
      %add3A_836 = arith.addf %add3A_812, %get3A_835 : vector<16xf32>
      scf.yield %add3A_821, %add3A_826, %add3A_831, %add3A_836 : vector<16xf32>, vector<16xf32>, vector<16xf32>, vector<16xf32>
    }
    %scan3A_230 = arith.constant 192 : i32
    %scan3A_231 = arith.addi %scan3A_225, %scan3A_230 : i32
    %add3A_232 = arith.constant 400 : i32
    %add3A_233 = arith.addi %add3A_232, %scan3A_231 : i32
    %get3A_234 = arith.index_cast %add3A_233 : i32 to index
    %get3A_235 = arith.constant 0 : index
    %get3A_236 = tpu.vector_load %arg6[%get3A_234, %get3A_235] {strides = array<i32>} : memref<800x64xf32, #tpu.memory_space<vmem>>, vector<1x16xf32>,
    %get3A_237 = vector.shape_cast %get3A_236 : vector<1x16xf32> to vector<16xf32>
    %add3A_238 = arith.addf %scan3A_229#0, %get3A_237 : vector<16xf32>
    %get3A_239 = arith.index_cast %add3A_233 : i32 to index
    %get3A_240 = arith.constant 16 : index
    %get3A_241 = tpu.vector_load %arg6[%get3A_239, %get3A_240] {strides = array<i32>} : memref<800x64xf32, #tpu.memory_space<vmem>>, vector<1x16xf32>,
    %get3A_242 = vector.shape_cast %get3A_241 : vector<1x16xf32> to vector<16xf32>
    %add3A_243 = arith.addf %scan3A_229#1, %get3A_242 : vector<16xf32>
    %get3A_244 = arith.index_cast %add3A_233 : i32 to index
    %get3A_245 = arith.constant 32 : index
    %get3A_246 = tpu.vector_load %arg6[%get3A_244, %get3A_245] {strides = array<i32>} : memref<800x64xf32, #tpu.memory_space<vmem>>, vector<1x16xf32>,
    %get3A_247 = vector.shape_cast %get3A_246 : vector<1x16xf32> to vector<16xf32>
    %add3A_248 = arith.addf %scan3A_229#2, %get3A_247 : vector<16xf32>
    %get3A_249 = arith.index_cast %add3A_233 : i32 to index
    %get3A_250 = arith.constant 48 : index
    %get3A_251 = tpu.vector_load %arg6[%get3A_249, %get3A_250] {strides = array<i32>} : memref<800x64xf32, #tpu.memory_space<vmem>>, vector<1x16xf32>,
    %get3A_252 = vector.shape_cast %get3A_251 : vector<1x16xf32> to vector<16xf32>
    %add3A_253 = arith.addf %scan3A_229#3, %get3A_252 : vector<16xf32>
    %scan3A_254 = arith.constant 193 : i32
    %scan3A_255 = arith.addi %scan3A_225, %scan3A_254 : i32
    %add3A_256 = arith.constant 400 : i32
    %add3A_257 = arith.addi %add3A_256, %scan3A_255 : i32
    %get3A_258 = arith.index_cast %add3A_257 : i32 to index
    %get3A_259 = arith.constant 0 : index
    %get3A_260 = tpu.vector_load %arg6[%get3A_258, %get3A_259] {strides = array<i32>} : memref<800x64xf32, #tpu.memory_space<vmem>>, vector<1x16xf32>,
    %get3A_261 = vector.shape_cast %get3A_260 : vector<1x16xf32> to vector<16xf32>
    %add3A_262 = arith.addf %add3A_238, %get3A_261 : vector<16xf32>
    %get3A_263 = arith.index_cast %add3A_257 : i32 to index
    %get3A_264 = arith.constant 16 : index
    %get3A_265 = tpu.vector_load %arg6[%get3A_263, %get3A_264] {strides = array<i32>} : memref<800x64xf32, #tpu.memory_space<vmem>>, vector<1x16xf32>,
    %get3A_266 = vector.shape_cast %get3A_265 : vector<1x16xf32> to vector<16xf32>
    %add3A_267 = arith.addf %add3A_243, %get3A_266 : vector<16xf32>
    %get3A_268 = arith.index_cast %add3A_257 : i32 to index
    %get3A_269 = arith.constant 32 : index
    %get3A_270 = tpu.vector_load %arg6[%get3A_268, %get3A_269] {strides = array<i32>} : memref<800x64xf32, #tpu.memory_space<vmem>>, vector<1x16xf32>,
    %get3A_271 = vector.shape_cast %get3A_270 : vector<1x16xf32> to vector<16xf32>
    %add3A_272 = arith.addf %add3A_248, %get3A_271 : vector<16xf32>
    %get3A_273 = arith.index_cast %add3A_257 : i32 to index
    %get3A_274 = arith.constant 48 : index
    %get3A_275 = tpu.vector_load %arg6[%get3A_273, %get3A_274] {strides = array<i32>} : memref<800x64xf32, #tpu.memory_space<vmem>>, vector<1x16xf32>,
    %get3A_276 = vector.shape_cast %get3A_275 : vector<1x16xf32> to vector<16xf32>
    %add3A_277 = arith.addf %add3A_253, %get3A_276 : vector<16xf32>
    %scan3A_278 = arith.constant 194 : i32
    %scan3A_279 = arith.addi %scan3A_225, %scan3A_278 : i32
    %add3A_280 = arith.constant 400 : i32
    %add3A_281 = arith.addi %add3A_280, %scan3A_279 : i32
    %get3A_282 = arith.index_cast %add3A_281 : i32 to index
    %get3A_283 = arith.constant 0 : index
    %get3A_284 = tpu.vector_load %arg6[%get3A_282, %get3A_283] {strides = array<i32>} : memref<800x64xf32, #tpu.memory_space<vmem>>, vector<1x16xf32>,
    %get3A_285 = vector.shape_cast %get3A_284 : vector<1x16xf32> to vector<16xf32>
    %add3A_286 = arith.addf %add3A_262, %get3A_285 : vector<16xf32>
    %get3A_287 = arith.index_cast %add3A_281 : i32 to index
    %get3A_288 = arith.constant 16 : index
    %get3A_289 = tpu.vector_load %arg6[%get3A_287, %get3A_288] {strides = array<i32>} : memref<800x64xf32, #tpu.memory_space<vmem>>, vector<1x16xf32>,
    %get3A_290 = vector.shape_cast %get3A_289 : vector<1x16xf32> to vector<16xf32>
    %add3A_291 = arith.addf %add3A_267, %get3A_290 : vector<16xf32>
    %get3A_292 = arith.index_cast %add3A_281 : i32 to index
    %get3A_293 = arith.constant 32 : index
    %get3A_294 = tpu.vector_load %arg6[%get3A_292, %get3A_293] {strides = array<i32>} : memref<800x64xf32, #tpu.memory_space<vmem>>, vector<1x16xf32>,
    %get3A_295 = vector.shape_cast %get3A_294 : vector<1x16xf32> to vector<16xf32>
    %add3A_296 = arith.addf %add3A_272, %get3A_295 : vector<16xf32>
    %get3A_297 = arith.index_cast %add3A_281 : i32 to index
    %get3A_298 = arith.constant 48 : index
    %get3A_299 = tpu.vector_load %arg6[%get3A_297, %get3A_298] {strides = array<i32>} : memref<800x64xf32, #tpu.memory_space<vmem>>, vector<1x16xf32>,
    %get3A_300 = vector.shape_cast %get3A_299 : vector<1x16xf32> to vector<16xf32>
    %add3A_301 = arith.addf %add3A_277, %get3A_300 : vector<16xf32>
    %scan3A_302 = arith.constant 195 : i32
    %scan3A_303 = arith.addi %scan3A_225, %scan3A_302 : i32
    %add3A_304 = arith.constant 400 : i32
    %add3A_305 = arith.addi %add3A_304, %scan3A_303 : i32
    %get3A_306 = arith.index_cast %add3A_305 : i32 to index
    %get3A_307 = arith.constant 0 : index
    %get3A_308 = tpu.vector_load %arg6[%get3A_306, %get3A_307] {strides = array<i32>} : memref<800x64xf32, #tpu.memory_space<vmem>>, vector<1x16xf32>,
    %get3A_309 = vector.shape_cast %get3A_308 : vector<1x16xf32> to vector<16xf32>
    %add3A_310 = arith.addf %add3A_286, %get3A_309 : vector<16xf32>
    %get3A_311 = arith.index_cast %add3A_305 : i32 to index
    %get3A_312 = arith.constant 16 : index
    %get3A_313 = tpu.vector_load %arg6[%get3A_311, %get3A_312] {strides = array<i32>} : memref<800x64xf32, #tpu.memory_space<vmem>>, vector<1x16xf32>,
    %get3A_314 = vector.shape_cast %get3A_313 : vector<1x16xf32> to vector<16xf32>
    %add3A_315 = arith.addf %add3A_291, %get3A_314 : vector<16xf32>
    %get3A_316 = arith.index_cast %add3A_305 : i32 to index
    %get3A_317 = arith.constant 32 : index
    %get3A_318 = tpu.vector_load %arg6[%get3A_316, %get3A_317] {strides = array<i32>} : memref<800x64xf32, #tpu.memory_space<vmem>>, vector<1x16xf32>,
    %get3A_319 = vector.shape_cast %get3A_318 : vector<1x16xf32> to vector<16xf32>
    %add3A_320 = arith.addf %add3A_296, %get3A_319 : vector<16xf32>
    %get3A_321 = arith.index_cast %add3A_305 : i32 to index
    %get3A_322 = arith.constant 48 : index
    %get3A_323 = tpu.vector_load %arg6[%get3A_321, %get3A_322] {strides = array<i32>} : memref<800x64xf32, #tpu.memory_space<vmem>>, vector<1x16xf32>,
    %get3A_324 = vector.shape_cast %get3A_323 : vector<1x16xf32> to vector<16xf32>
    %add3A_325 = arith.addf %add3A_301, %get3A_324 : vector<16xf32>
    %scan3A_326 = arith.constant 196 : i32
    %scan3A_327 = arith.addi %scan3A_225, %scan3A_326 : i32
    %add3A_328 = arith.constant 400 : i32
    %add3A_329 = arith.addi %add3A_328, %scan3A_327 : i32
    %get3A_330 = arith.index_cast %add3A_329 : i32 to index
    %get3A_331 = arith.constant 0 : index
    %get3A_332 = tpu.vector_load %arg6[%get3A_330, %get3A_331] {strides = array<i32>} : memref<800x64xf32, #tpu.memory_space<vmem>>, vector<1x16xf32>,
    %get3A_333 = vector.shape_cast %get3A_332 : vector<1x16xf32> to vector<16xf32>
    %add3A_334 = arith.addf %add3A_310, %get3A_333 : vector<16xf32>
    %get3A_335 = arith.index_cast %add3A_329 : i32 to index
    %get3A_336 = arith.constant 16 : index
    %get3A_337 = tpu.vector_load %arg6[%get3A_335, %get3A_336] {strides = array<i32>} : memref<800x64xf32, #tpu.memory_space<vmem>>, vector<1x16xf32>,
    %get3A_338 = vector.shape_cast %get3A_337 : vector<1x16xf32> to vector<16xf32>
    %add3A_339 = arith.addf %add3A_315, %get3A_338 : vector<16xf32>
    %get3A_340 = arith.index_cast %add3A_329 : i32 to index
    %get3A_341 = arith.constant 32 : index
    %get3A_342 = tpu.vector_load %arg6[%get3A_340, %get3A_341] {strides = array<i32>} : memref<800x64xf32, #tpu.memory_space<vmem>>, vector<1x16xf32>,
    %get3A_343 = vector.shape_cast %get3A_342 : vector<1x16xf32> to vector<16xf32>
    %add3A_344 = arith.addf %add3A_320, %get3A_343 : vector<16xf32>
    %get3A_345 = arith.index_cast %add3A_329 : i32 to index
    %get3A_346 = arith.constant 48 : index
    %get3A_347 = tpu.vector_load %arg6[%get3A_345, %get3A_346] {strides = array<i32>} : memref<800x64xf32, #tpu.memory_space<vmem>>, vector<1x16xf32>,
    %get3A_348 = vector.shape_cast %get3A_347 : vector<1x16xf32> to vector<16xf32>
    %add3A_349 = arith.addf %add3A_325, %get3A_348 : vector<16xf32>
    %scan3A_350 = arith.constant 197 : i32
    %scan3A_351 = arith.addi %scan3A_225, %scan3A_350 : i32
    %add3A_352 = arith.constant 400 : i32
    %add3A_353 = arith.addi %add3A_352, %scan3A_351 : i32
    %get3A_354 = arith.index_cast %add3A_353 : i32 to index
    %get3A_355 = arith.constant 0 : index
    %get3A_356 = tpu.vector_load %arg6[%get3A_354, %get3A_355] {strides = array<i32>} : memref<800x64xf32, #tpu.memory_space<vmem>>, vector<1x16xf32>,
    %get3A_357 = vector.shape_cast %get3A_356 : vector<1x16xf32> to vector<16xf32>
    %add3A_358 = arith.addf %add3A_334, %get3A_357 : vector<16xf32>
    %get3A_359 = arith.index_cast %add3A_353 : i32 to index
    %get3A_360 = arith.constant 16 : index
    %get3A_361 = tpu.vector_load %arg6[%get3A_359, %get3A_360] {strides = array<i32>} : memref<800x64xf32, #tpu.memory_space<vmem>>, vector<1x16xf32>,
    %get3A_362 = vector.shape_cast %get3A_361 : vector<1x16xf32> to vector<16xf32>
    %add3A_363 = arith.addf %add3A_339, %get3A_362 : vector<16xf32>
    %get3A_364 = arith.index_cast %add3A_353 : i32 to index
    %get3A_365 = arith.constant 32 : index
    %get3A_366 = tpu.vector_load %arg6[%get3A_364, %get3A_365] {strides = array<i32>} : memref<800x64xf32, #tpu.memory_space<vmem>>, vector<1x16xf32>,
    %get3A_367 = vector.shape_cast %get3A_366 : vector<1x16xf32> to vector<16xf32>
    %add3A_368 = arith.addf %add3A_344, %get3A_367 : vector<16xf32>
    %get3A_369 = arith.index_cast %add3A_353 : i32 to index
    %get3A_370 = arith.constant 48 : index
    %get3A_371 = tpu.vector_load %arg6[%get3A_369, %get3A_370] {strides = array<i32>} : memref<800x64xf32, #tpu.memory_space<vmem>>, vector<1x16xf32>,
    %get3A_372 = vector.shape_cast %get3A_371 : vector<1x16xf32> to vector<16xf32>
    %add3A_373 = arith.addf %add3A_349, %get3A_372 : vector<16xf32>
    %scan3A_374 = arith.constant 198 : i32
    %scan3A_375 = arith.addi %scan3A_225, %scan3A_374 : i32
    %add3A_376 = arith.constant 400 : i32
    %add3A_377 = arith.addi %add3A_376, %scan3A_375 : i32
    %get3A_378 = arith.index_cast %add3A_377 : i32 to index
    %get3A_379 = arith.constant 0 : index
    %get3A_380 = tpu.vector_load %arg6[%get3A_378, %get3A_379] {strides = array<i32>} : memref<800x64xf32, #tpu.memory_space<vmem>>, vector<1x16xf32>,
    %get3A_381 = vector.shape_cast %get3A_380 : vector<1x16xf32> to vector<16xf32>
    %add3A_382 = arith.addf %add3A_358, %get3A_381 : vector<16xf32>
    %get3A_383 = arith.index_cast %add3A_377 : i32 to index
    %get3A_384 = arith.constant 16 : index
    %get3A_385 = tpu.vector_load %arg6[%get3A_383, %get3A_384] {strides = array<i32>} : memref<800x64xf32, #tpu.memory_space<vmem>>, vector<1x16xf32>,
    %get3A_386 = vector.shape_cast %get3A_385 : vector<1x16xf32> to vector<16xf32>
    %add3A_387 = arith.addf %add3A_363, %get3A_386 : vector<16xf32>
    %get3A_388 = arith.index_cast %add3A_377 : i32 to index
    %get3A_389 = arith.constant 32 : index
    %get3A_390 = tpu.vector_load %arg6[%get3A_388, %get3A_389] {strides = array<i32>} : memref<800x64xf32, #tpu.memory_space<vmem>>, vector<1x16xf32>,
    %get3A_391 = vector.shape_cast %get3A_390 : vector<1x16xf32> to vector<16xf32>
    %add3A_392 = arith.addf %add3A_368, %get3A_391 : vector<16xf32>
    %get3A_393 = arith.index_cast %add3A_377 : i32 to index
    %get3A_394 = arith.constant 48 : index
    %get3A_395 = tpu.vector_load %arg6[%get3A_393, %get3A_394] {strides = array<i32>} : memref<800x64xf32, #tpu.memory_space<vmem>>, vector<1x16xf32>,
    %get3A_396 = vector.shape_cast %get3A_395 : vector<1x16xf32> to vector<16xf32>
    %add3A_397 = arith.addf %add3A_373, %get3A_396 : vector<16xf32>
    %scan3A_398 = arith.constant 199 : i32
    %swap3A = arith.constant 126 : i32
    %swap3A_399 = arith.index_cast %swap3A : i32 to index
    %swap3A_400 = arith.constant 0 : index
    %swap3A_401 = tpu.vector_load %arg7[%swap3A_399, %swap3A_400] {strides = array<i32>} : memref<128x64xf32, #tpu.memory_space<vmem>>, vector<1x16xf32>,
    %swap3A_402 = vector.shape_cast %swap3A_401 : vector<1x16xf32> to vector<16xf32>
    %swap3A_403 = vector.shape_cast %add3A_382 : vector<16xf32> to vector<1x16xf32>
    tpu.vector_store %arg7[%swap3A_399, %swap3A_400], %swap3A_403 {strides = array<i32>} : memref<128x64xf32, #tpu.memory_space<vmem>>, vector<1x16xf32>,
    %swap3A_404 = arith.constant 126 : i32
    %swap3A_405 = arith.index_cast %swap3A_404 : i32 to index
    %swap3A_406 = arith.constant 16 : index
    %swap3A_407 = tpu.vector_load %arg7[%swap3A_405, %swap3A_406] {strides = array<i32>} : memref<128x64xf32, #tpu.memory_space<vmem>>, vector<1x16xf32>,
    %swap3A_408 = vector.shape_cast %swap3A_407 : vector<1x16xf32> to vector<16xf32>
    %swap3A_409 = vector.shape_cast %add3A_387 : vector<16xf32> to vector<1x16xf32>
    tpu.vector_store %arg7[%swap3A_405, %swap3A_406], %swap3A_409 {strides = array<i32>} : memref<128x64xf32, #tpu.memory_space<vmem>>, vector<1x16xf32>,
    %swap3A_410 = arith.constant 126 : i32
    %swap3A_411 = arith.index_cast %swap3A_410 : i32 to index
    %swap3A_412 = arith.constant 32 : index
    %swap3A_413 = tpu.vector_load %arg7[%swap3A_411, %swap3A_412] {strides = array<i32>} : memref<128x64xf32, #tpu.memory_space<vmem>>, vector<1x16xf32>,
    %swap3A_414 = vector.shape_cast %swap3A_413 : vector<1x16xf32> to vector<16xf32>
    %swap3A_415 = vector.shape_cast %add3A_392 : vector<16xf32> to vector<1x16xf32>
    tpu.vector_store %arg7[%swap3A_411, %swap3A_412], %swap3A_415 {strides = array<i32>} : memref<128x64xf32, #tpu.memory_space<vmem>>, vector<1x16xf32>,
    %swap3A_416 = arith.constant 126 : i32
    %swap3A_417 = arith.index_cast %swap3A_416 : i32 to index
    %swap3A_418 = arith.constant 48 : index
    %swap3A_419 = tpu.vector_load %arg7[%swap3A_417, %swap3A_418] {strides = array<i32>} : memref<128x64xf32, #tpu.memory_space<vmem>>, vector<1x16xf32>,
    %swap3A_420 = vector.shape_cast %swap3A_419 : vector<1x16xf32> to vector<16xf32>
    %swap3A_421 = vector.shape_cast %add3A_397 : vector<16xf32> to vector<1x16xf32>
    tpu.vector_store %arg7[%swap3A_417, %swap3A_418], %swap3A_421 {strides = array<i32>} : memref<128x64xf32, #tpu.memory_space<vmem>>, vector<1x16xf32>,
    %get3A_422 = arith.constant 600 : i32
    %get3A_423 = arith.index_cast %get3A_422 : i32 to index
    %get3A_424 = arith.constant 0 : index
    %get3A_425 = tpu.vector_load %arg6[%get3A_423, %get3A_424] {strides = array<i32>} : memref<800x64xf32, #tpu.memory_space<vmem>>, vector<1x16xf32>,
    %get3A_426 = vector.shape_cast %get3A_425 : vector<1x16xf32> to vector<16xf32>
    %get3A_427 = arith.constant 600 : i32
    %get3A_428 = arith.index_cast %get3A_427 : i32 to index
    %get3A_429 = arith.constant 16 : index
    %get3A_430 = tpu.vector_load %arg6[%get3A_428, %get3A_429] {strides = array<i32>} : memref<800x64xf32, #tpu.memory_space<vmem>>, vector<1x16xf32>,
    %get3A_431 = vector.shape_cast %get3A_430 : vector<1x16xf32> to vector<16xf32>
    %get3A_432 = arith.constant 600 : i32
    %get3A_433 = arith.index_cast %get3A_432 : i32 to index
    %get3A_434 = arith.constant 32 : index
    %get3A_435 = tpu.vector_load %arg6[%get3A_433, %get3A_434] {strides = array<i32>} : memref<800x64xf32, #tpu.memory_space<vmem>>, vector<1x16xf32>,
    %get3A_436 = vector.shape_cast %get3A_435 : vector<1x16xf32> to vector<16xf32>
    %get3A_437 = arith.constant 600 : i32
    %get3A_438 = arith.index_cast %get3A_437 : i32 to index
    %get3A_439 = arith.constant 48 : index
    %get3A_440 = tpu.vector_load %arg6[%get3A_438, %get3A_439] {strides = array<i32>} : memref<800x64xf32, #tpu.memory_space<vmem>>, vector<1x16xf32>,
    %get3A_441 = vector.shape_cast %get3A_440 : vector<1x16xf32> to vector<16xf32>
    %scan3A_442 = arith.constant 1 : i32
    %scan3A_443 = arith.constant 192 : i32
    %scan3A_444 = arith.addi %scan3A_442, %scan3A_443 : i32
    %scan3A_445 = arith.constant 8 : i32
    %scan3A_446:4 = scf.for %scan3A_642 = %scan3A_442 to %scan3A_444 step %scan3A_445 iter_args(%scan3A_643 = %get3A_426, %scan3A_644 = %get3A_431, %scan3A_645 = %get3A_436, %scan3A_646 = %get3A_441) -> (vector<16xf32>, vector<16xf32>, vector<16xf32>, vector<16xf32>)  : i32 {
      %add3A_647 = arith.constant 600 : i32
      %add3A_648 = arith.addi %add3A_647, %scan3A_642 : i32
      %get3A_649 = arith.index_cast %add3A_648 : i32 to index
      %get3A_650 = arith.constant 0 : index
      %get3A_651 = tpu.vector_load %arg6[%get3A_649, %get3A_650] {strides = array<i32>} : memref<800x64xf32, #tpu.memory_space<vmem>>, vector<1x16xf32>,
      %get3A_652 = vector.shape_cast %get3A_651 : vector<1x16xf32> to vector<16xf32>
      %add3A_653 = arith.addf %scan3A_643, %get3A_652 : vector<16xf32>
      %get3A_654 = arith.index_cast %add3A_648 : i32 to index
      %get3A_655 = arith.constant 16 : index
      %get3A_656 = tpu.vector_load %arg6[%get3A_654, %get3A_655] {strides = array<i32>} : memref<800x64xf32, #tpu.memory_space<vmem>>, vector<1x16xf32>,
      %get3A_657 = vector.shape_cast %get3A_656 : vector<1x16xf32> to vector<16xf32>
      %add3A_658 = arith.addf %scan3A_644, %get3A_657 : vector<16xf32>
      %get3A_659 = arith.index_cast %add3A_648 : i32 to index
      %get3A_660 = arith.constant 32 : index
      %get3A_661 = tpu.vector_load %arg6[%get3A_659, %get3A_660] {strides = array<i32>} : memref<800x64xf32, #tpu.memory_space<vmem>>, vector<1x16xf32>,
      %get3A_662 = vector.shape_cast %get3A_661 : vector<1x16xf32> to vector<16xf32>
      %add3A_663 = arith.addf %scan3A_645, %get3A_662 : vector<16xf32>
      %get3A_664 = arith.index_cast %add3A_648 : i32 to index
      %get3A_665 = arith.constant 48 : index
      %get3A_666 = tpu.vector_load %arg6[%get3A_664, %get3A_665] {strides = array<i32>} : memref<800x64xf32, #tpu.memory_space<vmem>>, vector<1x16xf32>,
      %get3A_667 = vector.shape_cast %get3A_666 : vector<1x16xf32> to vector<16xf32>
      %add3A_668 = arith.addf %scan3A_646, %get3A_667 : vector<16xf32>
      %scan3A_669 = arith.constant 1 : i32
      %scan3A_670 = arith.addi %scan3A_642, %scan3A_669 : i32
      %add3A_671 = arith.constant 600 : i32
      %add3A_672 = arith.addi %add3A_671, %scan3A_670 : i32
      %get3A_673 = arith.index_cast %add3A_672 : i32 to index
      %get3A_674 = arith.constant 0 : index
      %get3A_675 = tpu.vector_load %arg6[%get3A_673, %get3A_674] {strides = array<i32>} : memref<800x64xf32, #tpu.memory_space<vmem>>, vector<1x16xf32>,
      %get3A_676 = vector.shape_cast %get3A_675 : vector<1x16xf32> to vector<16xf32>
      %add3A_677 = arith.addf %add3A_653, %get3A_676 : vector<16xf32>
      %get3A_678 = arith.index_cast %add3A_672 : i32 to index
      %get3A_679 = arith.constant 16 : index
      %get3A_680 = tpu.vector_load %arg6[%get3A_678, %get3A_679] {strides = array<i32>} : memref<800x64xf32, #tpu.memory_space<vmem>>, vector<1x16xf32>,
      %get3A_681 = vector.shape_cast %get3A_680 : vector<1x16xf32> to vector<16xf32>
      %add3A_682 = arith.addf %add3A_658, %get3A_681 : vector<16xf32>
      %get3A_683 = arith.index_cast %add3A_672 : i32 to index
      %get3A_684 = arith.constant 32 : index
      %get3A_685 = tpu.vector_load %arg6[%get3A_683, %get3A_684] {strides = array<i32>} : memref<800x64xf32, #tpu.memory_space<vmem>>, vector<1x16xf32>,
      %get3A_686 = vector.shape_cast %get3A_685 : vector<1x16xf32> to vector<16xf32>
      %add3A_687 = arith.addf %add3A_663, %get3A_686 : vector<16xf32>
      %get3A_688 = arith.index_cast %add3A_672 : i32 to index
      %get3A_689 = arith.constant 48 : index
      %get3A_690 = tpu.vector_load %arg6[%get3A_688, %get3A_689] {strides = array<i32>} : memref<800x64xf32, #tpu.memory_space<vmem>>, vector<1x16xf32>,
      %get3A_691 = vector.shape_cast %get3A_690 : vector<1x16xf32> to vector<16xf32>
      %add3A_692 = arith.addf %add3A_668, %get3A_691 : vector<16xf32>
      %scan3A_693 = arith.constant 2 : i32
      %scan3A_694 = arith.addi %scan3A_642, %scan3A_693 : i32
      %add3A_695 = arith.constant 600 : i32
      %add3A_696 = arith.addi %add3A_695, %scan3A_694 : i32
      %get3A_697 = arith.index_cast %add3A_696 : i32 to index
      %get3A_698 = arith.constant 0 : index
      %get3A_699 = tpu.vector_load %arg6[%get3A_697, %get3A_698] {strides = array<i32>} : memref<800x64xf32, #tpu.memory_space<vmem>>, vector<1x16xf32>,
      %get3A_700 = vector.shape_cast %get3A_699 : vector<1x16xf32> to vector<16xf32>
      %add3A_701 = arith.addf %add3A_677, %get3A_700 : vector<16xf32>
      %get3A_702 = arith.index_cast %add3A_696 : i32 to index
      %get3A_703 = arith.constant 16 : index
      %get3A_704 = tpu.vector_load %arg6[%get3A_702, %get3A_703] {strides = array<i32>} : memref<800x64xf32, #tpu.memory_space<vmem>>, vector<1x16xf32>,
      %get3A_705 = vector.shape_cast %get3A_704 : vector<1x16xf32> to vector<16xf32>
      %add3A_706 = arith.addf %add3A_682, %get3A_705 : vector<16xf32>
      %get3A_707 = arith.index_cast %add3A_696 : i32 to index
      %get3A_708 = arith.constant 32 : index
      %get3A_709 = tpu.vector_load %arg6[%get3A_707, %get3A_708] {strides = array<i32>} : memref<800x64xf32, #tpu.memory_space<vmem>>, vector<1x16xf32>,
      %get3A_710 = vector.shape_cast %get3A_709 : vector<1x16xf32> to vector<16xf32>
      %add3A_711 = arith.addf %add3A_687, %get3A_710 : vector<16xf32>
      %get3A_712 = arith.index_cast %add3A_696 : i32 to index
      %get3A_713 = arith.constant 48 : index
      %get3A_714 = tpu.vector_load %arg6[%get3A_712, %get3A_713] {strides = array<i32>} : memref<800x64xf32, #tpu.memory_space<vmem>>, vector<1x16xf32>,
      %get3A_715 = vector.shape_cast %get3A_714 : vector<1x16xf32> to vector<16xf32>
      %add3A_716 = arith.addf %add3A_692, %get3A_715 : vector<16xf32>
      %scan3A_717 = arith.constant 3 : i32
      %scan3A_718 = arith.addi %scan3A_642, %scan3A_717 : i32
      %add3A_719 = arith.constant 600 : i32
      %add3A_720 = arith.addi %add3A_719, %scan3A_718 : i32
      %get3A_721 = arith.index_cast %add3A_720 : i32 to index
      %get3A_722 = arith.constant 0 : index
      %get3A_723 = tpu.vector_load %arg6[%get3A_721, %get3A_722] {strides = array<i32>} : memref<800x64xf32, #tpu.memory_space<vmem>>, vector<1x16xf32>,
      %get3A_724 = vector.shape_cast %get3A_723 : vector<1x16xf32> to vector<16xf32>
      %add3A_725 = arith.addf %add3A_701, %get3A_724 : vector<16xf32>
      %get3A_726 = arith.index_cast %add3A_720 : i32 to index
      %get3A_727 = arith.constant 16 : index
      %get3A_728 = tpu.vector_load %arg6[%get3A_726, %get3A_727] {strides = array<i32>} : memref<800x64xf32, #tpu.memory_space<vmem>>, vector<1x16xf32>,
      %get3A_729 = vector.shape_cast %get3A_728 : vector<1x16xf32> to vector<16xf32>
      %add3A_730 = arith.addf %add3A_706, %get3A_729 : vector<16xf32>
      %get3A_731 = arith.index_cast %add3A_720 : i32 to index
      %get3A_732 = arith.constant 32 : index
      %get3A_733 = tpu.vector_load %arg6[%get3A_731, %get3A_732] {strides = array<i32>} : memref<800x64xf32, #tpu.memory_space<vmem>>, vector<1x16xf32>,
      %get3A_734 = vector.shape_cast %get3A_733 : vector<1x16xf32> to vector<16xf32>
      %add3A_735 = arith.addf %add3A_711, %get3A_734 : vector<16xf32>
      %get3A_736 = arith.index_cast %add3A_720 : i32 to index
      %get3A_737 = arith.constant 48 : index
      %get3A_738 = tpu.vector_load %arg6[%get3A_736, %get3A_737] {strides = array<i32>} : memref<800x64xf32, #tpu.memory_space<vmem>>, vector<1x16xf32>,
      %get3A_739 = vector.shape_cast %get3A_738 : vector<1x16xf32> to vector<16xf32>
      %add3A_740 = arith.addf %add3A_716, %get3A_739 : vector<16xf32>
      %scan3A_741 = arith.constant 4 : i32
      %scan3A_742 = arith.addi %scan3A_642, %scan3A_741 : i32
      %add3A_743 = arith.constant 600 : i32
      %add3A_744 = arith.addi %add3A_743, %scan3A_742 : i32
      %get3A_745 = arith.index_cast %add3A_744 : i32 to index
      %get3A_746 = arith.constant 0 : index
      %get3A_747 = tpu.vector_load %arg6[%get3A_745, %get3A_746] {strides = array<i32>} : memref<800x64xf32, #tpu.memory_space<vmem>>, vector<1x16xf32>,
      %get3A_748 = vector.shape_cast %get3A_747 : vector<1x16xf32> to vector<16xf32>
      %add3A_749 = arith.addf %add3A_725, %get3A_748 : vector<16xf32>
      %get3A_750 = arith.index_cast %add3A_744 : i32 to index
      %get3A_751 = arith.constant 16 : index
      %get3A_752 = tpu.vector_load %arg6[%get3A_750, %get3A_751] {strides = array<i32>} : memref<800x64xf32, #tpu.memory_space<vmem>>, vector<1x16xf32>,
      %get3A_753 = vector.shape_cast %get3A_752 : vector<1x16xf32> to vector<16xf32>
      %add3A_754 = arith.addf %add3A_730, %get3A_753 : vector<16xf32>
      %get3A_755 = arith.index_cast %add3A_744 : i32 to index
      %get3A_756 = arith.constant 32 : index
      %get3A_757 = tpu.vector_load %arg6[%get3A_755, %get3A_756] {strides = array<i32>} : memref<800x64xf32, #tpu.memory_space<vmem>>, vector<1x16xf32>,
      %get3A_758 = vector.shape_cast %get3A_757 : vector<1x16xf32> to vector<16xf32>
      %add3A_759 = arith.addf %add3A_735, %get3A_758 : vector<16xf32>
      %get3A_760 = arith.index_cast %add3A_744 : i32 to index
      %get3A_761 = arith.constant 48 : index
      %get3A_762 = tpu.vector_load %arg6[%get3A_760, %get3A_761] {strides = array<i32>} : memref<800x64xf32, #tpu.memory_space<vmem>>, vector<1x16xf32>,
      %get3A_763 = vector.shape_cast %get3A_762 : vector<1x16xf32> to vector<16xf32>
      %add3A_764 = arith.addf %add3A_740, %get3A_763 : vector<16xf32>
      %scan3A_765 = arith.constant 5 : i32
      %scan3A_766 = arith.addi %scan3A_642, %scan3A_765 : i32
      %add3A_767 = arith.constant 600 : i32
      %add3A_768 = arith.addi %add3A_767, %scan3A_766 : i32
      %get3A_769 = arith.index_cast %add3A_768 : i32 to index
      %get3A_770 = arith.constant 0 : index
      %get3A_771 = tpu.vector_load %arg6[%get3A_769, %get3A_770] {strides = array<i32>} : memref<800x64xf32, #tpu.memory_space<vmem>>, vector<1x16xf32>,
      %get3A_772 = vector.shape_cast %get3A_771 : vector<1x16xf32> to vector<16xf32>
      %add3A_773 = arith.addf %add3A_749, %get3A_772 : vector<16xf32>
      %get3A_774 = arith.index_cast %add3A_768 : i32 to index
      %get3A_775 = arith.constant 16 : index
      %get3A_776 = tpu.vector_load %arg6[%get3A_774, %get3A_775] {strides = array<i32>} : memref<800x64xf32, #tpu.memory_space<vmem>>, vector<1x16xf32>,
      %get3A_777 = vector.shape_cast %get3A_776 : vector<1x16xf32> to vector<16xf32>
      %add3A_778 = arith.addf %add3A_754, %get3A_777 : vector<16xf32>
      %get3A_779 = arith.index_cast %add3A_768 : i32 to index
      %get3A_780 = arith.constant 32 : index
      %get3A_781 = tpu.vector_load %arg6[%get3A_779, %get3A_780] {strides = array<i32>} : memref<800x64xf32, #tpu.memory_space<vmem>>, vector<1x16xf32>,
      %get3A_782 = vector.shape_cast %get3A_781 : vector<1x16xf32> to vector<16xf32>
      %add3A_783 = arith.addf %add3A_759, %get3A_782 : vector<16xf32>
      %get3A_784 = arith.index_cast %add3A_768 : i32 to index
      %get3A_785 = arith.constant 48 : index
      %get3A_786 = tpu.vector_load %arg6[%get3A_784, %get3A_785] {strides = array<i32>} : memref<800x64xf32, #tpu.memory_space<vmem>>, vector<1x16xf32>,
      %get3A_787 = vector.shape_cast %get3A_786 : vector<1x16xf32> to vector<16xf32>
      %add3A_788 = arith.addf %add3A_764, %get3A_787 : vector<16xf32>
      %scan3A_789 = arith.constant 6 : i32
      %scan3A_790 = arith.addi %scan3A_642, %scan3A_789 : i32
      %add3A_791 = arith.constant 600 : i32
      %add3A_792 = arith.addi %add3A_791, %scan3A_790 : i32
      %get3A_793 = arith.index_cast %add3A_792 : i32 to index
      %get3A_794 = arith.constant 0 : index
      %get3A_795 = tpu.vector_load %arg6[%get3A_793, %get3A_794] {strides = array<i32>} : memref<800x64xf32, #tpu.memory_space<vmem>>, vector<1x16xf32>,
      %get3A_796 = vector.shape_cast %get3A_795 : vector<1x16xf32> to vector<16xf32>
      %add3A_797 = arith.addf %add3A_773, %get3A_796 : vector<16xf32>
      %get3A_798 = arith.index_cast %add3A_792 : i32 to index
      %get3A_799 = arith.constant 16 : index
      %get3A_800 = tpu.vector_load %arg6[%get3A_798, %get3A_799] {strides = array<i32>} : memref<800x64xf32, #tpu.memory_space<vmem>>, vector<1x16xf32>,
      %get3A_801 = vector.shape_cast %get3A_800 : vector<1x16xf32> to vector<16xf32>
      %add3A_802 = arith.addf %add3A_778, %get3A_801 : vector<16xf32>
      %get3A_803 = arith.index_cast %add3A_792 : i32 to index
      %get3A_804 = arith.constant 32 : index
      %get3A_805 = tpu.vector_load %arg6[%get3A_803, %get3A_804] {strides = array<i32>} : memref<800x64xf32, #tpu.memory_space<vmem>>, vector<1x16xf32>,
      %get3A_806 = vector.shape_cast %get3A_805 : vector<1x16xf32> to vector<16xf32>
      %add3A_807 = arith.addf %add3A_783, %get3A_806 : vector<16xf32>
      %get3A_808 = arith.index_cast %add3A_792 : i32 to index
      %get3A_809 = arith.constant 48 : index
      %get3A_810 = tpu.vector_load %arg6[%get3A_808, %get3A_809] {strides = array<i32>} : memref<800x64xf32, #tpu.memory_space<vmem>>, vector<1x16xf32>,
      %get3A_811 = vector.shape_cast %get3A_810 : vector<1x16xf32> to vector<16xf32>
      %add3A_812 = arith.addf %add3A_788, %get3A_811 : vector<16xf32>
      %scan3A_813 = arith.constant 7 : i32
      %scan3A_814 = arith.addi %scan3A_642, %scan3A_813 : i32
      %add3A_815 = arith.constant 600 : i32
      %add3A_816 = arith.addi %add3A_815, %scan3A_814 : i32
      %get3A_817 = arith.index_cast %add3A_816 : i32 to index
      %get3A_818 = arith.constant 0 : index
      %get3A_819 = tpu.vector_load %arg6[%get3A_817, %get3A_818] {strides = array<i32>} : memref<800x64xf32, #tpu.memory_space<vmem>>, vector<1x16xf32>,
      %get3A_820 = vector.shape_cast %get3A_819 : vector<1x16xf32> to vector<16xf32>
      %add3A_821 = arith.addf %add3A_797, %get3A_820 : vector<16xf32>
      %get3A_822 = arith.index_cast %add3A_816 : i32 to index
      %get3A_823 = arith.constant 16 : index
      %get3A_824 = tpu.vector_load %arg6[%get3A_822, %get3A_823] {strides = array<i32>} : memref<800x64xf32, #tpu.memory_space<vmem>>, vector<1x16xf32>,
      %get3A_825 = vector.shape_cast %get3A_824 : vector<1x16xf32> to vector<16xf32>
      %add3A_826 = arith.addf %add3A_802, %get3A_825 : vector<16xf32>
      %get3A_827 = arith.index_cast %add3A_816 : i32 to index
      %get3A_828 = arith.constant 32 : index
      %get3A_829 = tpu.vector_load %arg6[%get3A_827, %get3A_828] {strides = array<i32>} : memref<800x64xf32, #tpu.memory_space<vmem>>, vector<1x16xf32>,
      %get3A_830 = vector.shape_cast %get3A_829 : vector<1x16xf32> to vector<16xf32>
      %add3A_831 = arith.addf %add3A_807, %get3A_830 : vector<16xf32>
      %get3A_832 = arith.index_cast %add3A_816 : i32 to index
      %get3A_833 = arith.constant 48 : index
      %get3A_834 = tpu.vector_load %arg6[%get3A_832, %get3A_833] {strides = array<i32>} : memref<800x64xf32, #tpu.memory_space<vmem>>, vector<1x16xf32>,
      %get3A_835 = vector.shape_cast %get3A_834 : vector<1x16xf32> to vector<16xf32>
      %add3A_836 = arith.addf %add3A_812, %get3A_835 : vector<16xf32>
      scf.yield %add3A_821, %add3A_826, %add3A_831, %add3A_836 : vector<16xf32>, vector<16xf32>, vector<16xf32>, vector<16xf32>
    }
    %scan3A_447 = arith.constant 192 : i32
    %scan3A_448 = arith.addi %scan3A_442, %scan3A_447 : i32
    %add3A_449 = arith.constant 600 : i32
    %add3A_450 = arith.addi %add3A_449, %scan3A_448 : i32
    %get3A_451 = arith.index_cast %add3A_450 : i32 to index
    %get3A_452 = arith.constant 0 : index
    %get3A_453 = tpu.vector_load %arg6[%get3A_451, %get3A_452] {strides = array<i32>} : memref<800x64xf32, #tpu.memory_space<vmem>>, vector<1x16xf32>,
    %get3A_454 = vector.shape_cast %get3A_453 : vector<1x16xf32> to vector<16xf32>
    %add3A_455 = arith.addf %scan3A_446#0, %get3A_454 : vector<16xf32>
    %get3A_456 = arith.index_cast %add3A_450 : i32 to index
    %get3A_457 = arith.constant 16 : index
    %get3A_458 = tpu.vector_load %arg6[%get3A_456, %get3A_457] {strides = array<i32>} : memref<800x64xf32, #tpu.memory_space<vmem>>, vector<1x16xf32>,
    %get3A_459 = vector.shape_cast %get3A_458 : vector<1x16xf32> to vector<16xf32>
    %add3A_460 = arith.addf %scan3A_446#1, %get3A_459 : vector<16xf32>
    %get3A_461 = arith.index_cast %add3A_450 : i32 to index
    %get3A_462 = arith.constant 32 : index
    %get3A_463 = tpu.vector_load %arg6[%get3A_461, %get3A_462] {strides = array<i32>} : memref<800x64xf32, #tpu.memory_space<vmem>>, vector<1x16xf32>,
    %get3A_464 = vector.shape_cast %get3A_463 : vector<1x16xf32> to vector<16xf32>
    %add3A_465 = arith.addf %scan3A_446#2, %get3A_464 : vector<16xf32>
    %get3A_466 = arith.index_cast %add3A_450 : i32 to index
    %get3A_467 = arith.constant 48 : index
    %get3A_468 = tpu.vector_load %arg6[%get3A_466, %get3A_467] {strides = array<i32>} : memref<800x64xf32, #tpu.memory_space<vmem>>, vector<1x16xf32>,
    %get3A_469 = vector.shape_cast %get3A_468 : vector<1x16xf32> to vector<16xf32>
    %add3A_470 = arith.addf %scan3A_446#3, %get3A_469 : vector<16xf32>
    %scan3A_471 = arith.constant 193 : i32
    %scan3A_472 = arith.addi %scan3A_442, %scan3A_471 : i32
    %add3A_473 = arith.constant 600 : i32
    %add3A_474 = arith.addi %add3A_473, %scan3A_472 : i32
    %get3A_475 = arith.index_cast %add3A_474 : i32 to index
    %get3A_476 = arith.constant 0 : index
    %get3A_477 = tpu.vector_load %arg6[%get3A_475, %get3A_476] {strides = array<i32>} : memref<800x64xf32, #tpu.memory_space<vmem>>, vector<1x16xf32>,
    %get3A_478 = vector.shape_cast %get3A_477 : vector<1x16xf32> to vector<16xf32>
    %add3A_479 = arith.addf %add3A_455, %get3A_478 : vector<16xf32>
    %get3A_480 = arith.index_cast %add3A_474 : i32 to index
    %get3A_481 = arith.constant 16 : index
    %get3A_482 = tpu.vector_load %arg6[%get3A_480, %get3A_481] {strides = array<i32>} : memref<800x64xf32, #tpu.memory_space<vmem>>, vector<1x16xf32>,
    %get3A_483 = vector.shape_cast %get3A_482 : vector<1x16xf32> to vector<16xf32>
    %add3A_484 = arith.addf %add3A_460, %get3A_483 : vector<16xf32>
    %get3A_485 = arith.index_cast %add3A_474 : i32 to index
    %get3A_486 = arith.constant 32 : index
    %get3A_487 = tpu.vector_load %arg6[%get3A_485, %get3A_486] {strides = array<i32>} : memref<800x64xf32, #tpu.memory_space<vmem>>, vector<1x16xf32>,
    %get3A_488 = vector.shape_cast %get3A_487 : vector<1x16xf32> to vector<16xf32>
    %add3A_489 = arith.addf %add3A_465, %get3A_488 : vector<16xf32>
    %get3A_490 = arith.index_cast %add3A_474 : i32 to index
    %get3A_491 = arith.constant 48 : index
    %get3A_492 = tpu.vector_load %arg6[%get3A_490, %get3A_491] {strides = array<i32>} : memref<800x64xf32, #tpu.memory_space<vmem>>, vector<1x16xf32>,
    %get3A_493 = vector.shape_cast %get3A_492 : vector<1x16xf32> to vector<16xf32>
    %add3A_494 = arith.addf %add3A_470, %get3A_493 : vector<16xf32>
    %scan3A_495 = arith.constant 194 : i32
    %scan3A_496 = arith.addi %scan3A_442, %scan3A_495 : i32
    %add3A_497 = arith.constant 600 : i32
    %add3A_498 = arith.addi %add3A_497, %scan3A_496 : i32
    %get3A_499 = arith.index_cast %add3A_498 : i32 to index
    %get3A_500 = arith.constant 0 : index
    %get3A_501 = tpu.vector_load %arg6[%get3A_499, %get3A_500] {strides = array<i32>} : memref<800x64xf32, #tpu.memory_space<vmem>>, vector<1x16xf32>,
    %get3A_502 = vector.shape_cast %get3A_501 : vector<1x16xf32> to vector<16xf32>
    %add3A_503 = arith.addf %add3A_479, %get3A_502 : vector<16xf32>
    %get3A_504 = arith.index_cast %add3A_498 : i32 to index
    %get3A_505 = arith.constant 16 : index
    %get3A_506 = tpu.vector_load %arg6[%get3A_504, %get3A_505] {strides = array<i32>} : memref<800x64xf32, #tpu.memory_space<vmem>>, vector<1x16xf32>,
    %get3A_507 = vector.shape_cast %get3A_506 : vector<1x16xf32> to vector<16xf32>
    %add3A_508 = arith.addf %add3A_484, %get3A_507 : vector<16xf32>
    %get3A_509 = arith.index_cast %add3A_498 : i32 to index
    %get3A_510 = arith.constant 32 : index
    %get3A_511 = tpu.vector_load %arg6[%get3A_509, %get3A_510] {strides = array<i32>} : memref<800x64xf32, #tpu.memory_space<vmem>>, vector<1x16xf32>,
    %get3A_512 = vector.shape_cast %get3A_511 : vector<1x16xf32> to vector<16xf32>
    %add3A_513 = arith.addf %add3A_489, %get3A_512 : vector<16xf32>
    %get3A_514 = arith.index_cast %add3A_498 : i32 to index
    %get3A_515 = arith.constant 48 : index
    %get3A_516 = tpu.vector_load %arg6[%get3A_514, %get3A_515] {strides = array<i32>} : memref<800x64xf32, #tpu.memory_space<vmem>>, vector<1x16xf32>,
    %get3A_517 = vector.shape_cast %get3A_516 : vector<1x16xf32> to vector<16xf32>
    %add3A_518 = arith.addf %add3A_494, %get3A_517 : vector<16xf32>
    %scan3A_519 = arith.constant 195 : i32
    %scan3A_520 = arith.addi %scan3A_442, %scan3A_519 : i32
    %add3A_521 = arith.constant 600 : i32
    %add3A_522 = arith.addi %add3A_521, %scan3A_520 : i32
    %get3A_523 = arith.index_cast %add3A_522 : i32 to index
    %get3A_524 = arith.constant 0 : index
    %get3A_525 = tpu.vector_load %arg6[%get3A_523, %get3A_524] {strides = array<i32>} : memref<800x64xf32, #tpu.memory_space<vmem>>, vector<1x16xf32>,
    %get3A_526 = vector.shape_cast %get3A_525 : vector<1x16xf32> to vector<16xf32>
    %add3A_527 = arith.addf %add3A_503, %get3A_526 : vector<16xf32>
    %get3A_528 = arith.index_cast %add3A_522 : i32 to index
    %get3A_529 = arith.constant 16 : index
    %get3A_530 = tpu.vector_load %arg6[%get3A_528, %get3A_529] {strides = array<i32>} : memref<800x64xf32, #tpu.memory_space<vmem>>, vector<1x16xf32>,
    %get3A_531 = vector.shape_cast %get3A_530 : vector<1x16xf32> to vector<16xf32>
    %add3A_532 = arith.addf %add3A_508, %get3A_531 : vector<16xf32>
    %get3A_533 = arith.index_cast %add3A_522 : i32 to index
    %get3A_534 = arith.constant 32 : index
    %get3A_535 = tpu.vector_load %arg6[%get3A_533, %get3A_534] {strides = array<i32>} : memref<800x64xf32, #tpu.memory_space<vmem>>, vector<1x16xf32>,
    %get3A_536 = vector.shape_cast %get3A_535 : vector<1x16xf32> to vector<16xf32>
    %add3A_537 = arith.addf %add3A_513, %get3A_536 : vector<16xf32>
    %get3A_538 = arith.index_cast %add3A_522 : i32 to index
    %get3A_539 = arith.constant 48 : index
    %get3A_540 = tpu.vector_load %arg6[%get3A_538, %get3A_539] {strides = array<i32>} : memref<800x64xf32, #tpu.memory_space<vmem>>, vector<1x16xf32>,
    %get3A_541 = vector.shape_cast %get3A_540 : vector<1x16xf32> to vector<16xf32>
    %add3A_542 = arith.addf %add3A_518, %get3A_541 : vector<16xf32>
    %scan3A_543 = arith.constant 196 : i32
    %scan3A_544 = arith.addi %scan3A_442, %scan3A_543 : i32
    %add3A_545 = arith.constant 600 : i32
    %add3A_546 = arith.addi %add3A_545, %scan3A_544 : i32
    %get3A_547 = arith.index_cast %add3A_546 : i32 to index
    %get3A_548 = arith.constant 0 : index
    %get3A_549 = tpu.vector_load %arg6[%get3A_547, %get3A_548] {strides = array<i32>} : memref<800x64xf32, #tpu.memory_space<vmem>>, vector<1x16xf32>,
    %get3A_550 = vector.shape_cast %get3A_549 : vector<1x16xf32> to vector<16xf32>
    %add3A_551 = arith.addf %add3A_527, %get3A_550 : vector<16xf32>
    %get3A_552 = arith.index_cast %add3A_546 : i32 to index
    %get3A_553 = arith.constant 16 : index
    %get3A_554 = tpu.vector_load %arg6[%get3A_552, %get3A_553] {strides = array<i32>} : memref<800x64xf32, #tpu.memory_space<vmem>>, vector<1x16xf32>,
    %get3A_555 = vector.shape_cast %get3A_554 : vector<1x16xf32> to vector<16xf32>
    %add3A_556 = arith.addf %add3A_532, %get3A_555 : vector<16xf32>
    %get3A_557 = arith.index_cast %add3A_546 : i32 to index
    %get3A_558 = arith.constant 32 : index
    %get3A_559 = tpu.vector_load %arg6[%get3A_557, %get3A_558] {strides = array<i32>} : memref<800x64xf32, #tpu.memory_space<vmem>>, vector<1x16xf32>,
    %get3A_560 = vector.shape_cast %get3A_559 : vector<1x16xf32> to vector<16xf32>
    %add3A_561 = arith.addf %add3A_537, %get3A_560 : vector<16xf32>
    %get3A_562 = arith.index_cast %add3A_546 : i32 to index
    %get3A_563 = arith.constant 48 : index
    %get3A_564 = tpu.vector_load %arg6[%get3A_562, %get3A_563] {strides = array<i32>} : memref<800x64xf32, #tpu.memory_space<vmem>>, vector<1x16xf32>,
    %get3A_565 = vector.shape_cast %get3A_564 : vector<1x16xf32> to vector<16xf32>
    %add3A_566 = arith.addf %add3A_542, %get3A_565 : vector<16xf32>
    %scan3A_567 = arith.constant 197 : i32
    %scan3A_568 = arith.addi %scan3A_442, %scan3A_567 : i32
    %add3A_569 = arith.constant 600 : i32
    %add3A_570 = arith.addi %add3A_569, %scan3A_568 : i32
    %get3A_571 = arith.index_cast %add3A_570 : i32 to index
    %get3A_572 = arith.constant 0 : index
    %get3A_573 = tpu.vector_load %arg6[%get3A_571, %get3A_572] {strides = array<i32>} : memref<800x64xf32, #tpu.memory_space<vmem>>, vector<1x16xf32>,
    %get3A_574 = vector.shape_cast %get3A_573 : vector<1x16xf32> to vector<16xf32>
    %add3A_575 = arith.addf %add3A_551, %get3A_574 : vector<16xf32>
    %get3A_576 = arith.index_cast %add3A_570 : i32 to index
    %get3A_577 = arith.constant 16 : index
    %get3A_578 = tpu.vector_load %arg6[%get3A_576, %get3A_577] {strides = array<i32>} : memref<800x64xf32, #tpu.memory_space<vmem>>, vector<1x16xf32>,
    %get3A_579 = vector.shape_cast %get3A_578 : vector<1x16xf32> to vector<16xf32>
    %add3A_580 = arith.addf %add3A_556, %get3A_579 : vector<16xf32>
    %get3A_581 = arith.index_cast %add3A_570 : i32 to index
    %get3A_582 = arith.constant 32 : index
    %get3A_583 = tpu.vector_load %arg6[%get3A_581, %get3A_582] {strides = array<i32>} : memref<800x64xf32, #tpu.memory_space<vmem>>, vector<1x16xf32>,
    %get3A_584 = vector.shape_cast %get3A_583 : vector<1x16xf32> to vector<16xf32>
    %add3A_585 = arith.addf %add3A_561, %get3A_584 : vector<16xf32>
    %get3A_586 = arith.index_cast %add3A_570 : i32 to index
    %get3A_587 = arith.constant 48 : index
    %get3A_588 = tpu.vector_load %arg6[%get3A_586, %get3A_587] {strides = array<i32>} : memref<800x64xf32, #tpu.memory_space<vmem>>, vector<1x16xf32>,
    %get3A_589 = vector.shape_cast %get3A_588 : vector<1x16xf32> to vector<16xf32>
    %add3A_590 = arith.addf %add3A_566, %get3A_589 : vector<16xf32>
    %scan3A_591 = arith.constant 198 : i32
    %scan3A_592 = arith.addi %scan3A_442, %scan3A_591 : i32
    %add3A_593 = arith.constant 600 : i32
    %add3A_594 = arith.addi %add3A_593, %scan3A_592 : i32
    %get3A_595 = arith.index_cast %add3A_594 : i32 to index
    %get3A_596 = arith.constant 0 : index
    %get3A_597 = tpu.vector_load %arg6[%get3A_595, %get3A_596] {strides = array<i32>} : memref<800x64xf32, #tpu.memory_space<vmem>>, vector<1x16xf32>,
    %get3A_598 = vector.shape_cast %get3A_597 : vector<1x16xf32> to vector<16xf32>
    %add3A_599 = arith.addf %add3A_575, %get3A_598 : vector<16xf32>
    %get3A_600 = arith.index_cast %add3A_594 : i32 to index
    %get3A_601 = arith.constant 16 : index
    %get3A_602 = tpu.vector_load %arg6[%get3A_600, %get3A_601] {strides = array<i32>} : memref<800x64xf32, #tpu.memory_space<vmem>>, vector<1x16xf32>,
    %get3A_603 = vector.shape_cast %get3A_602 : vector<1x16xf32> to vector<16xf32>
    %add3A_604 = arith.addf %add3A_580, %get3A_603 : vector<16xf32>
    %get3A_605 = arith.index_cast %add3A_594 : i32 to index
    %get3A_606 = arith.constant 32 : index
    %get3A_607 = tpu.vector_load %arg6[%get3A_605, %get3A_606] {strides = array<i32>} : memref<800x64xf32, #tpu.memory_space<vmem>>, vector<1x16xf32>,
    %get3A_608 = vector.shape_cast %get3A_607 : vector<1x16xf32> to vector<16xf32>
    %add3A_609 = arith.addf %add3A_585, %get3A_608 : vector<16xf32>
    %get3A_610 = arith.index_cast %add3A_594 : i32 to index
    %get3A_611 = arith.constant 48 : index
    %get3A_612 = tpu.vector_load %arg6[%get3A_610, %get3A_611] {strides = array<i32>} : memref<800x64xf32, #tpu.memory_space<vmem>>, vector<1x16xf32>,
    %get3A_613 = vector.shape_cast %get3A_612 : vector<1x16xf32> to vector<16xf32>
    %add3A_614 = arith.addf %add3A_590, %get3A_613 : vector<16xf32>
    %scan3A_615 = arith.constant 199 : i32
    %swap3A_616 = arith.constant 127 : i32
    %swap3A_617 = arith.index_cast %swap3A_616 : i32 to index
    %swap3A_618 = arith.constant 0 : index
    %swap3A_619 = tpu.vector_load %arg7[%swap3A_617, %swap3A_618] {strides = array<i32>} : memref<128x64xf32, #tpu.memory_space<vmem>>, vector<1x16xf32>,
    %swap3A_620 = vector.shape_cast %swap3A_619 : vector<1x16xf32> to vector<16xf32>
    %swap3A_621 = vector.shape_cast %add3A_599 : vector<16xf32> to vector<1x16xf32>
    tpu.vector_store %arg7[%swap3A_617, %swap3A_618], %swap3A_621 {strides = array<i32>} : memref<128x64xf32, #tpu.memory_space<vmem>>, vector<1x16xf32>,
    %swap3A_622 = arith.constant 127 : i32
    %swap3A_623 = arith.index_cast %swap3A_622 : i32 to index
    %swap3A_624 = arith.constant 16 : index
    %swap3A_625 = tpu.vector_load %arg7[%swap3A_623, %swap3A_624] {strides = array<i32>} : memref<128x64xf32, #tpu.memory_space<vmem>>, vector<1x16xf32>,
    %swap3A_626 = vector.shape_cast %swap3A_625 : vector<1x16xf32> to vector<16xf32>
    %swap3A_627 = vector.shape_cast %add3A_604 : vector<16xf32> to vector<1x16xf32>
    tpu.vector_store %arg7[%swap3A_623, %swap3A_624], %swap3A_627 {strides = array<i32>} : memref<128x64xf32, #tpu.memory_space<vmem>>, vector<1x16xf32>,
    %swap3A_628 = arith.constant 127 : i32
    %swap3A_629 = arith.index_cast %swap3A_628 : i32 to index
    %swap3A_630 = arith.constant 32 : index
    %swap3A_631 = tpu.vector_load %arg7[%swap3A_629, %swap3A_630] {strides = array<i32>} : memref<128x64xf32, #tpu.memory_space<vmem>>, vector<1x16xf32>,
    %swap3A_632 = vector.shape_cast %swap3A_631 : vector<1x16xf32> to vector<16xf32>
    %swap3A_633 = vector.shape_cast %add3A_609 : vector<16xf32> to vector<1x16xf32>
    tpu.vector_store %arg7[%swap3A_629, %swap3A_630], %swap3A_633 {strides = array<i32>} : memref<128x64xf32, #tpu.memory_space<vmem>>, vector<1x16xf32>,
    %swap3A_634 = arith.constant 127 : i32
    %swap3A_635 = arith.index_cast %swap3A_634 : i32 to index
    %swap3A_636 = arith.constant 48 : index
    %swap3A_637 = tpu.vector_load %arg7[%swap3A_635, %swap3A_636] {strides = array<i32>} : memref<128x64xf32, #tpu.memory_space<vmem>>, vector<1x16xf32>,
    %swap3A_638 = vector.shape_cast %swap3A_637 : vector<1x16xf32> to vector<16xf32>
    %swap3A_639 = vector.shape_cast %add3A_614 : vector<16xf32> to vector<1x16xf32>
    tpu.vector_store %arg7[%swap3A_635, %swap3A_636], %swap3A_639 {strides = array<i32>} : memref<128x64xf32, #tpu.memory_space<vmem>>, vector<1x16xf32>,
    %mul3A_640 = arith.constant 128 : i32
    %mul3A_641 = arith.muli %add3A, %mul3A_640 : i32
    "tpu.region"() ({
      %run_scoped3A = tpu.sem_alloc : memref<!tpu.dma_semaphore, #tpu.memory_space<semaphore_mem>>
      %dma_start3A_642 = arith.constant 0 : i32
      %dma_start3A_643 = tpu.memref_slice %arg4[%mul3A_641, %dma_start3A_642] : memref<4096x64xf32, #tpu.memory_space<hbm>> -> memref<128x64xf32, #tpu.memory_space<hbm>>
      %dma_start3A_644 = arith.constant 0 : i32
      %dma_start3A_645 = tpu.memref_slice %arg4[%mul3A_641, %dma_start3A_644] : memref<4096x64xf32, #tpu.memory_space<hbm>> -> memref<128x64xf32, #tpu.memory_space<hbm>>
      tpu.enqueue_dma source(%arg7 : memref<128x64xf32, #tpu.memory_space<vmem>>) target(%dma_start3A_645 : memref<128x64xf32, #tpu.memory_space<hbm>>) target_semaphore(%run_scoped3A : memref<!tpu.dma_semaphore, #tpu.memory_space<semaphore_mem>>)
      %dma_wait3A_646 = arith.constant 0 : i32
      %dma_wait3A_647 = tpu.memref_slice %arg4[%mul3A_641, %dma_wait3A_646] : memref<4096x64xf32, #tpu.memory_space<hbm>> -> memref<128x64xf32, #tpu.memory_space<hbm>>
      %dma_wait3A_648 = arith.constant 0 : i32
      %dma_wait3A_649 = tpu.memref_slice %arg4[%mul3A_641, %dma_wait3A_648] : memref<4096x64xf32, #tpu.memory_space<hbm>> -> memref<128x64xf32, #tpu.memory_space<hbm>>
      tpu.wait_dma2 semaphore(%run_scoped3A : memref<!tpu.dma_semaphore, #tpu.memory_space<semaphore_mem>>) src(%arg7 : memref<128x64xf32, #tpu.memory_space<vmem>>) dst(%dma_wait3A_649 : memref<128x64xf32, #tpu.memory_space<hbm>>)
      tpu.yield
    }) : () -> ()
    return
  }
}

module attributes {stable_mosaic.version = 14 : i64} {
  func.func @_mlp_body(%arg0: memref<4096x64xf32, #tpu.memory_space<vmem>>, %arg1: memref<64x128xf32, #tpu.memory_space<vmem>>, %arg2: memref<1x128xf32, #tpu.memory_space<vmem>>, %arg3: memref<128x32xf32, #tpu.memory_space<vmem>>, %arg4: memref<1x32xf32, #tpu.memory_space<vmem>>, %arg5: memref<4096x32xf32, #tpu.memory_space<vmem>>) attributes {dimension_semantics = [], scalar_prefetch = 0 : i64, scratch_operands = 0 : i64, tpu.core_type = #tpu.core_type<tc>} {
    %get3A = arith.constant 0 : index
    %get3A_0 = arith.constant 0 : index
    %get3A_1 = vector.load %arg0[%get3A, %get3A_0] : memref<4096x64xf32, #tpu.memory_space<vmem>>, vector<4096x64xf32>
    %mul3A = arith.constant 5.000000e-03 : f32
    %mul3A_2 = vector.broadcast %mul3A : f32 to vector<4096x64xf32>
    %mul3A_3 = arith.mulf %get3A_1, %mul3A_2 : vector<4096x64xf32>
    %get3A_4 = arith.constant 0 : index
    %get3A_5 = arith.constant 0 : index
    %get3A_6 = vector.load %arg1[%get3A_4, %get3A_5] : memref<64x128xf32, #tpu.memory_space<vmem>>, vector<64x128xf32>
    %dot_general3A = arith.constant dense<0.000000e+00> : vector<4096x128xf32>
    %dot_general3A_7 = tpu.matmul %mul3A_3, %get3A_6, %dot_general3A {dimension_numbers = #tpu.dot_dimension_numbers<[1], [0], [0], [1], [0, 0, 1, 1], [], []>, transpose_lhs_hint = false} : vector<4096x64xf32>, vector<64x128xf32>, vector<4096x128xf32> -> vector<4096x128xf32>
    %get3A_8 = arith.constant 0 : index
    %get3A_9 = arith.constant 0 : index
    %get3A_10 = vector.load %arg2[%get3A_8, %get3A_9] : memref<1x128xf32, #tpu.memory_space<vmem>>, vector<1x128xf32>
    %add3A = vector.broadcast %get3A_10 : vector<1x128xf32> to vector<4096x128xf32>
    %add3A_11 = arith.addf %dot_general3A_7, %add3A : vector<4096x128xf32>
    %get3A_12 = arith.constant 0 : index
    %get3A_13 = arith.constant 0 : index
    %get3A_14 = vector.load %arg3[%get3A_12, %get3A_13] : memref<128x32xf32, #tpu.memory_space<vmem>>, vector<128x32xf32>
    %dot_general3A_15 = arith.constant dense<0.000000e+00> : vector<4096x32xf32>
    %dot_general3A_16 = tpu.matmul %add3A_11, %get3A_14, %dot_general3A_15 {dimension_numbers = #tpu.dot_dimension_numbers<[1], [0], [0], [1], [0, 0, 1, 1], [], []>, transpose_lhs_hint = false} : vector<4096x128xf32>, vector<128x32xf32>, vector<4096x32xf32> -> vector<4096x32xf32>
    %get3A_17 = arith.constant 0 : index
    %get3A_18 = arith.constant 0 : index
    %get3A_19 = vector.load %arg4[%get3A_17, %get3A_18] : memref<1x32xf32, #tpu.memory_space<vmem>>, vector<1x32xf32>
    %add3A_20 = vector.broadcast %get3A_19 : vector<1x32xf32> to vector<4096x32xf32>
    %add3A_21 = arith.addf %dot_general3A_16, %add3A_20 : vector<4096x32xf32>
    %swap3A = arith.constant 0 : index
    %swap3A_22 = arith.constant 0 : index
    %swap3A_23 = vector.load %arg5[%swap3A, %swap3A_22] : memref<4096x32xf32, #tpu.memory_space<vmem>>, vector<4096x32xf32>
    tpu.vector_store %arg5[%swap3A, %swap3A_22], %add3A_21 {strides = array<i32>} : memref<4096x32xf32, #tpu.memory_space<vmem>>, vector<4096x32xf32>,
    return
  }
}

</mosaic_0001>

<sc_bundles>
// kernel: kernel.4.cloned.1.call-start
scs
__scs_entry_jumppad:
0x0: {  	(pc) =	sbr.rel $0x88, $3  }
0x1: {  	(tag) =	ssettag $0x0;
	lr =	simm.s32 $0x1  }
0x2: {  	[smem:$0x3F9B] =	sst lr;
	_ =	strace $0xD0000000  }
0x3: {  	_ = 	snop  }
0x4: {  	_ = 	snop  }
0x5: {  	_ = 	snop  }
0x6: {  	_ = 	snop  }
0x7: {  	_ = 	snop  }
__scs_overlays_trampoline_lowered:
0x8: {  	[smem:$0x3FAA] =	sst s0  }
0x9: {  	[smem:$0x3FAB] =	sst s1  }
0xa: {  	[smem:$0x3FAC] =	sst s2  }
0xb: {  	[smem:$0x3FAD] =	sst s3  }
0xc: {  	[smem:$0x3FAE] =	sst s4  }
0xd: {  	[smem:$0x3FAF] =	sst s5  }
0xe: {  	[smem:$0x3FB0] =	sst s6  }
0xf: {  	[smem:$0x3FB1] =	sst s7  }
0x10: {  	[smem:$0x3FB2] =	sst s8  }
0x11: {  	[smem:$0x3FB3] =	sst s9;
	s0 =	simm.s32 @!p0 $0x0  }
0x12: {  	s1 =	sld [smem:$0x3F99];
	s0 =	simm.s32 @p0 $0x1  }
0x13: {  	[smem:$0x3FB4] =	sst s0;
	s0 =	simm.s32 @!p1 $0x0  }
0x14: {  	s2 =	sld [smem:$0x3F98];
	s0 =	simm.s32 @p1 $0x1  }
0x15: {  	[smem:$0x3FB5] =	sst s0;
	s0 =	simm.s32 @!p2 $0x0  }
0x16: {  	s3 =	sld [smem:$0x3FDB];
	s0 =	simm.s32 @p2 $0x1  }
0x17: {  	s4 =	simm.s32 $0x1BF5;
	[smem:$0x3FB7] =	sst s0  }
0x18: {  	s0 =	sld [smem:$0x3F9A];
	_ =	swait.ge [sflag:s4], $0x0  }
0x19: {  	s7 =	sld [smem:$0x3F9B]  }
0x1a: {  	s8 =	sadd.s32 $0xFFFFE003, lr  }
0x1b: {  	s9 =	sadd.s32 $0xFFFFFEF7, lr;
	s5 =	simm.s32 $0xFFFFFFFF;
	p2 =	slt.u32 s8, $0xFFFFF086  }
0x1c: {  	p1 =	slt.u32 s9, $0xF7A;
	s5 =	simm.s32 @!p2 $0x0  }
0x1d: {  	s5 =	simm.s32 @p1 $0x1;
	p0 =	seq.s32 s7, s2  }
0x1e: {  	s7 =	smul.u32 @!p0 $0xF7A, s2;
	p2 =	seq.s32 @!p0 s5, $0x0  }
0x1f: {  	s9 =	smul.u32 $0xF7A, s1;
	s8 =	simm.s32 @!p0 $0x1BF5;
	p2 =	por !p2, p0  }
0x20: {  	[sflag:s8] =	ssyncset.s32 @!p0 $0xFFFFF086;
	s6 =	sadd.s32 @!p0 s3, s7;
	s7 =	simm.s32 @!p0 $0x108  }
0x21: {  	s3 =	sadd.s32 s3, s9;
	s6 =	sadd.s32 @!p0 $0x88, s6;
	s7 =	simm.s32 @p2 $0x1082  }
0x22: {  	[simem:s7], [sflag:s8] =	dma.local @!p0 [hbm:s6], $0xF7A  }
0x23: {  	s9 =	sor.u32 $0xD0000000, s2;
	s6 =	simm.s32 $0x108;
	_ =	swait.ge @!p0 [sflag:s8], $0x0  }
0x24: {  	s3 =	sadd.s32 $0x88, s3;
	s6 =	simm.s32 @!p1 $0x1082;
	[sflag:s4] =	ssyncset.s32 $0xFFFFF086  }
0x25: {  	[simem:s6], [sflag:s4] =	dma.local [hbm:s3], $0xF7A  }
0x26: {  	[smem:$0x3F9B] =	sst s1;
	(tag) =	ssettag s2;
	_ =	strace s9  }
0x27: {  	s1 =	sld [smem:$0x3FAB]  }
0x28: {  	s2 =	sld [smem:$0x3FAC]  }
0x29: {  	s4 =	sld [smem:$0x3FAE]  }
0x2a: {  	p0 =	seq.s32 s5, $0x0;
	s5 =	sld [smem:$0x3FAF]  }
0x2b: {  	s6 =	sld [smem:$0x3FB0]  }
0x2c: {  	s7 =	sld [smem:$0x3FB1]  }
0x2d: {  	s3 =	simm.s32 $0x108;
	s8 =	sld [smem:$0x3FB2]  }
0x2e: {  	s3 =	simm.s32 @!p0 $0x1082;
	s9 =	sld [smem:$0x3FB3]  }
0x2f: {  	lr =	sadd.s32 s0, s3;
	s0 =	sld [smem:$0x3FAA]  }
0x30: {  	s3 =	sld [smem:$0x3FAD]  }
0x31: {  	[smem:$0x3FB6] =	sst s10  }
0x32: {  	s10 =	sld [smem:$0x3FB4];
	_ =	sdelay $0x3  }
0x33: {  	p0 =	seq.s32 s10, $0x1;
	s10 =	sld [smem:$0x3FB6];
	_ =	sdelay $0x3  }
0x34: {  	[smem:$0x3FB6] =	sst s10  }
0x35: {  	s10 =	sld [smem:$0x3FB5];
	_ =	sdelay $0x3  }
0x36: {  	p1 =	seq.s32 s10, $0x1;
	s10 =	sld [smem:$0x3FB6];
	_ =	sdelay $0x3  }
0x37: {  	[smem:$0x3FB6] =	sst s10  }
0x38: {  	s10 =	sld [smem:$0x3FB7]  }
0x39: {  	_ = 	snop;
	(pc) =	sbr.ind lr, $3  }
0x3a: {  	_ = 	snop  }
0x3b: {  	_ = 	snop  }
0x3c: {  	p2 =	seq.s32 s10, $0x1;
	s10 =	sld [smem:$0x3FB6]  }
0x3d: {  	_ =	shalt  }
0x3e: {  	_ =	shalt  }
0x3f: {  	_ =	shalt  }
0x40: {  	_ =	shalt  }
0x41: {  	_ =	shalt  }
0x42: {  	_ =	shalt  }
0x43: {  	_ =	shalt  }
0x44: {  	_ =	shalt  }
0x45: {  	_ =	shalt  }
0x46: {  	_ =	shalt  }
0x47: {  	_ =	shalt  }
0x48: {  	_ =	shalt  }
0x49: {  	_ =	shalt  }
0x4a: {  	_ =	shalt  }
0x4b: {  	_ =	shalt  }
0x4c: {  	_ =	shalt  }
0x4d: {  	_ =	shalt  }
0x4e: {  	_ =	shalt  }
0x4f: {  	_ =	shalt  }
0x50: {  	_ =	shalt  }
0x51: {  	_ =	shalt  }
0x52: {  	_ =	shalt  }
0x53: {  	_ =	shalt  }
0x54: {  	_ =	shalt  }
0x55: {  	_ =	shalt  }
0x56: {  	_ =	shalt  }
0x57: {  	_ =	shalt  }
0x58: {  	_ =	shalt  }
0x59: {  	_ =	shalt  }
0x5a: {  	_ =	shalt  }
0x5b: {  	_ =	shalt  }
0x5c: {  	_ =	shalt  }
0x5d: {  	_ =	shalt  }
0x5e: {  	_ =	shalt  }
0x5f: {  	_ =	shalt  }
0x60: {  	_ =	shalt  }
0x61: {  	_ =	shalt  }
0x62: {  	_ =	shalt  }
0x63: {  	_ =	shalt  }
0x64: {  	_ =	shalt  }
0x65: {  	_ =	shalt  }
0x66: {  	_ =	shalt  }
0x67: {  	_ =	shalt  }
0x68: {  	_ =	shalt  }
0x69: {  	_ =	shalt  }
0x6a: {  	_ =	shalt  }
0x6b: {  	_ =	shalt  }
0x6c: {  	_ =	shalt  }
0x6d: {  	_ =	shalt  }
0x6e: {  	_ =	shalt  }
0x6f: {  	_ =	shalt  }
0x70: {  	_ =	shalt  }
0x71: {  	_ =	shalt  }
0x72: {  	_ =	shalt  }
0x73: {  	_ =	shalt  }
0x74: {  	_ =	shalt  }
0x75: {  	_ =	shalt  }
0x76: {  	_ =	shalt  }
0x77: {  	_ =	shalt  }
0x78: {  	_ =	shalt  }
0x79: {  	_ =	shalt  }
0x7a: {  	_ =	shalt  }
0x7b: {  	_ =	shalt  }
0x7c: {  	_ =	shalt  }
0x7d: {  	_ =	shalt  }
0x7e: {  	_ =	shalt  }
0x7f: {  	_ =	shalt  }
0x80: {  	_ =	shalt  }
0x81: {  	_ =	shalt  }
0x82: {  	_ =	shalt  }
0x83: {  	_ =	shalt  }
0x84: {  	_ =	shalt  }
0x85: {  	_ =	shalt  }
0x86: {  	_ =	shalt  }
0x87: {  	_ =	shalt  }
.Lfunc_end0:
.L_simem_size_0:
called_computation_lowered:
.L_overlay_start_0:
0x88: {  	s2 =	sld [smem:$0x3FD9]  }
0x89: {  	s3 =	sld [smem:$0x3FFE];
	_ =	sdelay $0x1  }
0x8a: {  	s1 =	srdreg.scid  }
0x8b: {  	s0 =	sand.u32 $0x1, s1  }
0x8c: {  	s16 =	sshll.u32 s0, $0xA;
	s2 =	sadd.s32 s3, s2  }
0x8d: {  	s2 =	sadd.s32 s2, s16  }
0x8e: {  	[smem:$0x3FC2] =	sst s2  }
0x8f: {  	_ = 	snop  }
0x90: {  	(tm) =	ssettm $0x1  }
0x91: {  	s17 =	sld [smem:$0x3FFB];
	_ =	sdelay $0x3  }
0x92: {  	_ =	strace s17  }
0x93: {  	s2 =	sld [smem:$0x3FFC];
	_ =	sdelay $0x3  }
0x94: {  	_ =	strace s2  }
0x95: {  	s2 =	sld [smem:$0x3FFD];
	_ =	sdelay $0x3  }
0x96: {  	_ =	strace s2  }
0x97: {  	_ =	strace $0x8FFFFFFF  }
0x98: {  	s18 =	sld [smem:$0x3FDB];
	_ =	sdelay $0x1  }
0x99: {  	s19 =	simm.s32 $_scs_section_size  }
0x9a: {  	s4 =	simm.s32 $_size__tile_overlayer_lowered;
	s5 =	simm.s32 $_tile_overlayer_lowered  }
0x9b: {  	s22 =	simm.s32 $0x1BFF;
	s21 =	sshll.u32 s5, $0x1;
	s2 =	sadd.s32 s19, s18  }
0x9c: {  	s6 =	simm.s32 $0x0;
	s20 =	sshll.u32 s4, $0x1;
	s4 =	sadd.s32 s21, s2  }
0x9d: {  	[timem:s6], [sflag:s22] =	dma.local [hbm:s4], s20  }
0x9e: {  	_ =	swait.ge [sflag:s22], s20  }
0x9f: {  	s3 =	ssub.s32 $0x0, s20;
	[sflag:s22] =	ssyncset.done $0x0  }
0xa0: {  	[sflag:s22] =	ssyncadd.s32 s3;
	_ =	sdelay $0x1  }
0xa1: {  	s23 =	simm.s32 $0x1B8B  }
0xa2: {  	_ =	swait.ge [sflag:s23], $0x1  }
0xa3: {  	[sflag:s23] =	ssyncset.done $0x0  }
0xa4: {  	s25 =	simm.s32 $0x1B8E;
	s24 =	sld [smem:$0x3FFE];
	[sflag:s23] =	ssyncadd.s32 $0xFFFFFFFF  }
0xa5: {  	s26 =	simm.s32 $execute0_lowered;
	[smem:$0x3FD2] =	sst s25  }
0xa6: {  	s4 =	sshll.u32 s26, $0x1;
	_ =	strace $0x80000046;
	[dreg:$0x1] =	wrdreg $0xFFFFFFFF  }
0xa7: {  	s28 =	simm.s32 $_size_execute0_lowered;
	s2 =	sadd.s32 s2, s4;
	[dreg:$0x0] =	wrdreg $0x0  }
0xa8: {  	s4 =	sshll.u32 s28, $0x1;
	[dreg:$0x2] =	wrdreg s2  }
0xa9: {  	[dreg:$0x3] =	wrdreg s4  }
0xaa: {  	[dreg:$0x4] =	wrdreg $0xC0  }
0xab: {  	_ =	task [dreg:s6], $0x5FFFF  }
0xac: {  	[dreg:$0x1] =	wrdreg $0xFFFFFFFF  }
0xad: {  	[dreg:$0x0] =	wrdreg $0x60  }
0xae: {  	[dreg:$0x2] =	wrdreg s24  }
0xaf: {  	[dreg:$0x3] =	wrdreg $0x9  }
0xb0: {  	_ =	task.clear_ibuf [dreg:s6], $0x4FFFF;
	_ =	strace $0x90000046  }
0xb1: {  	s29 =	simm.s32 $0x9;
	_ =	strace $0x80000048  }
0xb2: {  	_ =	swait.ge [sflag:s29], $0x1  }
0xb3: {  	[sflag:s29] =	ssyncadd.s32 $0xFFFFFFFF  }
0xb4: {  	_ =	strace $0x90000048  }
0xb5: {  	_ =	sfence  }
0xb6: {  	s30 =	sld [smem:$0x0];
	_ =	sdelay $0x2  }
0xb7: {  	s31 =	sshll.u32 s1, $0xD;
	s1 =	sshrl.u32 s1, $0x2  }
0xb8: {  	s3 =	sand.u32 $0x4000, s31;
	s1 =	sadd.s32 s1, s30  }
0xb9: {  	s0 =	sor.u32 s3, s0;
	s1 =	sshll.u32 s1, $0x11  }
0xba: {  	s0 =	sor.u32 s1, s0  }
0xbb: {  	s0 =	sadd.s32 $0x8F2B, s0  }
0xbc: {  	[sflag:s0] =	ssyncadd.remote.s32 $0x1  }
0xbd: {  	_ =	sfence.sel $0xFFFF  }
0xbe: {  	[dreg:$0x0] =	wrdreg $0xFFFFFFFF;
	(pc) =	sbr.abs _section_cstart, $3  }
0xbf: {  	[dreg:$0x1] =	wrdreg $0xFFFFFFFF  }
0xc0: {  	_ =	task.clear_ibuf [dreg:s6], $0x2FFFF;
	_ =	strace $0x9FFFFFFF  }
0xc1: {  	(tm) =	ssettm $0x7FFFFFFF  }
tec
execute0_lowered:
.L_overlay_start_1:
0x0: {  	(tag) =	ssettag $0x1  }
0x1: {  	s0 =	srdreg.scid;
	s2 =	stileid.u32  }
0x2: {  	s1 =	rddreg [dreg:$0x0];
	s7 =	simm.s32 $0x2;
	s8 =	simm.s32 $0x28  }
0x3: {  	s12 =	simm.s32 $0x7800;
	s13 =	simm.s32 $0x78;
	s14 =	simm.s32 $0x8200  }
0x4: {  	s15 =	simm.s32 $0xA0;
	s16 =	simm.s32 $0x8C00;
	s17 =	simm.s32 $0xC8  }
0x5: {  	s18 =	simm.s32 $0x9600;
	s19 =	simm.s32 $0xF0;
	s20 =	simm.s32 $0xA000  }
0x6: {  	s21 =	simm.s32 $0x118;
	s22 =	simm.s32 $0xAA00;
	s23 =	simm.s32 $0x140  }
0x7: {  	s24 =	simm.s32 $0xB400;
	s25 =	simm.s32 $0x168;
	s26 =	simm.s32 $0xBE00  }
0x8: {  	s28 =	simm.s32 $0x1;
	s29 =	simm.s32 $0x12C00;
	s0 =	sand.u32 $0x1, s0  }
0x9: {  	s3 =	sshll.u32 s2, $0x8;
	s2 =	simm.s32 $0x0;
	s4 =	sshll.u32 s0, $0x7  }
0xa: {  	s30 =	simm.s32 $0x0;
	[smem:$0x7FF] =	sst s2;
	s3 =	sor.u32 s4, s3  }
0xb: {  	s0 =	ssub.s32 $0x2, s0;
	_ =	strace $0x80000047;
	s4 =	smul.u32 $0x19, s3  }
0xc: {  	s31 =	sshrl.u32 s0, $0x1;
	s5 =	sshll.u32 s3, $0x3;
	s3 =	sadd.s32 $0xF43200, s1  }
0xd: {  	s0 =	ssub.s32 s0, s31;
	s4 =	sadd.s32 s4, s1;
	s1 =	sadd.s32 s5, s1  }
0xe: {  	s6 =	smax.u32 s0, $0x1;
	s4 =	sadd.s32 $0xE00, s4;
	s5 =	sadd.s32 $0x19E00, s1  }
.LBB2_1:
0xf: {  	[tilespmem:s2], [sflag:$0x2] =	stream.linear.gather [hbm4b:s4+s2], $0x6400, $0x38;
	[tilespmem:$0x14C00] =	vst v63  }
0x10: {  	_ =	swait.ge [sflag:s7], $0x6400  }
0x11: {  	[sflag:s7] =	ssyncset.done $0x0  }
0x12: {  	s0 =	simm.s32 $0x6400;
	[sflag:s7] =	ssyncadd.s32 $0xFFFF9C00  }
0x13: {  	[tilespmem:s0], [sflag:$0x1] =	stream.indirect.gather [hbm4b:s3+s8], $0x40, s2, s8, $0xb8;
	[tilespmem:$0x14C00] =	vst v63  }
0x14: {  	s10 =	simm.s32 $0x6E00  }
0x15: {  	[tilespmem:s10], [sflag:$0x1] =	stream.indirect.gather [hbm4b:s3+s8], $0x40, s8, s8, $0xb8;
	[tilespmem:$0x14C00] =	vst v63  }
0x16: {  	s11 =	simm.s32 $0x50  }
0x17: {  	[tilespmem:s12], [sflag:$0x1] =	stream.indirect.gather [hbm4b:s3+s8], $0x40, s11, s8, $0xb8;
	[tilespmem:$0x14C00] =	vst v63  }
0x18: {  	_ = 	snop  }
0x19: {  	[tilespmem:s14], [sflag:$0x1] =	stream.indirect.gather [hbm4b:s3+s8], $0x40, s13, s8, $0xb8;
	[tilespmem:$0x14C00] =	vst v63  }
0x1a: {  	_ = 	snop  }
0x1b: {  	[tilespmem:s16], [sflag:$0x1] =	stream.indirect.gather [hbm4b:s3+s8], $0x40, s15, s8, $0xb8;
	[tilespmem:$0x14C00] =	vst v63  }
0x1c: {  	_ = 	snop  }
0x1d: {  	[tilespmem:s18], [sflag:$0x1] =	stream.indirect.gather [hbm4b:s3+s8], $0x40, s17, s8, $0xb8;
	[tilespmem:$0x14C00] =	vst v63  }
0x1e: {  	_ = 	snop  }
0x1f: {  	[tilespmem:s20], [sflag:$0x1] =	stream.indirect.gather [hbm4b:s3+s8], $0x40, s19, s8, $0xb8;
	[tilespmem:$0x14C00] =	vst v63  }
0x20: {  	_ = 	snop  }
0x21: {  	[tilespmem:s22], [sflag:$0x1] =	stream.indirect.gather [hbm4b:s3+s8], $0x40, s21, s8, $0xb8;
	[tilespmem:$0x14C00] =	vst v63  }
0x22: {  	_ = 	snop  }
0x23: {  	[tilespmem:s24], [sflag:$0x1] =	stream.indirect.gather [hbm4b:s3+s8], $0x40, s23, s8, $0xb8;
	[tilespmem:$0x14C00] =	vst v63  }
0x24: {  	s31 =	simm.s32 $0x0  }
0x25: {  	[tilespmem:s26], [sflag:$0x1] =	stream.indirect.gather [hbm4b:s3+s8], $0x40, s25, s8, $0xb8;
	[tilespmem:$0x14C00] =	vst v63  }
.LBB2_2:
0x26: {  	s0 =	sadd.s32 $0x1, s31  }
0x27: {  	s1 =	sand.u32 $0x1, s0  }
0x28: {  	s9 =	smul.u32 $0x640, s0;
	p0 =	seq.s32 s1, $0x1;
	s1 =	simm.s32 $0x6400  }
0x29: {  	s1 =	simm.s32 @!p0 $0x0  }
0x2a: {  	s9 =	sshra.s32 s9, $0x2;
	s10 =	sadd.s32 $0x6400, s1  }
0x2b: {  	[tilespmem:s10], [sflag:$0x1] =	stream.indirect.gather [hbm4b:s3+s8], $0x40, s9, s8, $0xb8;
	[tilespmem:$0x14C00] =	vst v63  }
0x2c: {  	s11 =	sadd.s32 $0x28, s9;
	s10 =	sadd.s32 $0x6E00, s1  }
0x2d: {  	[tilespmem:s10], [sflag:$0x1] =	stream.indirect.gather [hbm4b:s3+s8], $0x40, s11, s8, $0xb8;
	[tilespmem:$0x14C00] =	vst v63  }
0x2e: {  	s10 =	sadd.s32 $0x7800, s1;
	s11 =	sadd.s32 $0x50, s9  }
0x2f: {  	[tilespmem:s10], [sflag:$0x1] =	stream.indirect.gather [hbm4b:s3+s8], $0x40, s11, s8, $0xb8;
	[tilespmem:$0x14C00] =	vst v63  }
0x30: {  	s10 =	sor.u32 $0x8200, s1;
	s11 =	sadd.s32 $0x78, s9  }
0x31: {  	[tilespmem:s10], [sflag:$0x1] =	stream.indirect.gather [hbm4b:s3+s8], $0x40, s11, s8, $0xb8;
	[tilespmem:$0x14C00] =	vst v63  }
0x32: {  	s10 =	sadd.s32 $0x8C00, s1;
	s11 =	sadd.s32 $0xA0, s9  }
0x33: {  	[tilespmem:s10], [sflag:$0x1] =	stream.indirect.gather [hbm4b:s3+s8], $0x40, s11, s8, $0xb8;
	[tilespmem:$0x14C00] =	vst v63  }
0x34: {  	s10 =	sadd.s32 $0x9600, s1;
	s11 =	sadd.s32 $0xC8, s9  }
0x35: {  	[tilespmem:s10], [sflag:$0x1] =	stream.indirect.gather [hbm4b:s3+s8], $0x40, s11, s8, $0xb8;
	[tilespmem:$0x14C00] =	vst v63  }
0x36: {  	s10 =	sadd.s32 $0xA000, s1;
	s11 =	sadd.s32 $0xF0, s9  }
0x37: {  	[tilespmem:s10], [sflag:$0x1] =	stream.indirect.gather [hbm4b:s3+s8], $0x40, s11, s8, $0xb8;
	[tilespmem:$0x14C00] =	vst v63  }
0x38: {  	s10 =	sadd.s32 $0xAA00, s1;
	s11 =	sadd.s32 $0x118, s9  }
0x39: {  	[tilespmem:s10], [sflag:$0x1] =	stream.indirect.gather [hbm4b:s3+s8], $0x40, s11, s8, $0xb8;
	[tilespmem:$0x14C00] =	vst v63  }
0x3a: {  	s10 =	sadd.s32 $0xB400, s1;
	s11 =	sadd.s32 $0x140, s9  }
0x3b: {  	[tilespmem:s10], [sflag:$0x1] =	stream.indirect.gather [hbm4b:s3+s8], $0x40, s11, s8, $0xb8;
	[tilespmem:$0x14C00] =	vst v63  }
0x3c: {  	s1 =	sadd.s32 $0xBE00, s1;
	s9 =	sadd.s32 $0x168, s9  }
0x3d: {  	[tilespmem:s1], [sflag:$0x1] =	stream.indirect.gather [hbm4b:s3+s8], $0x40, s9, s8, $0xb8;
	[tilespmem:$0x14C00] =	vst v63  }
0x3e: {  	_ =	swait.ge [sflag:s28], $0xA00  }
0x3f: {  	[sflag:s28] =	ssyncset.done $0x0  }
0x40: {  	[sflag:s28] =	ssyncadd.s32 $0xFFFFF600  }
0x41: {  	_ =	swait.ge [sflag:s28], $0xA00  }
0x42: {  	[sflag:s28] =	ssyncset.done $0x0  }
0x43: {  	[sflag:s28] =	ssyncadd.s32 $0xFFFFF600  }
0x44: {  	_ =	swait.ge [sflag:s28], $0xA00  }
0x45: {  	[sflag:s28] =	ssyncset.done $0x0  }
0x46: {  	[sflag:s28] =	ssyncadd.s32 $0xFFFFF600  }
0x47: {  	_ =	swait.ge [sflag:s28], $0xA00  }
0x48: {  	[sflag:s28] =	ssyncset.done $0x0  }
0x49: {  	[sflag:s28] =	ssyncadd.s32 $0xFFFFF600  }
0x4a: {  	_ =	swait.ge [sflag:s28], $0xA00  }
0x4b: {  	[sflag:s28] =	ssyncset.done $0x0  }
0x4c: {  	[sflag:s28] =	ssyncadd.s32 $0xFFFFF600  }
0x4d: {  	_ =	swait.ge [sflag:s28], $0xA00  }
0x4e: {  	[sflag:s28] =	ssyncset.done $0x0  }
0x4f: {  	[sflag:s28] =	ssyncadd.s32 $0xFFFFF600  }
0x50: {  	_ =	swait.ge [sflag:s28], $0xA00  }
0x51: {  	[sflag:s28] =	ssyncset.done $0x0  }
0x52: {  	[sflag:s28] =	ssyncadd.s32 $0xFFFFF600  }
0x53: {  	_ =	swait.ge [sflag:s28], $0xA00  }
0x54: {  	[sflag:s28] =	ssyncset.done $0x0  }
0x55: {  	[sflag:s28] =	ssyncadd.s32 $0xFFFFF600  }
0x56: {  	_ =	swait.ge [sflag:s28], $0xA00  }
0x57: {  	s10 =	sand.u32 $0x1, s31;
	[sflag:s28] =	ssyncset.done $0x0  }
0x58: {  	p0 =	seq.s32 s10, $0x1;
	s9 =	simm.s32 $0x190;
	[sflag:s28] =	ssyncadd.s32 $0xFFFFF600  }
0x59: {  	s9 =	simm.s32 @!p0 $0x0;
	_ =	swait.ge [sflag:s28], $0xA00  }
0x5a: {  	s11 =	sshll.u32 s9, $0x8;
	[sflag:s28] =	ssyncset.done $0x0  }
0x5b: {  	s1 =	sshrl.u32 s11, $0x2;
	[sflag:s28] =	ssyncadd.s32 $0xFFFFF600  }
0x5c: {  	v4 =	vld [tilespmem:s1+$0x6400]  }
0x5d: {  	v5 =	vld [tilespmem:s1+$0x6410]  }
0x5e: {  	v6 =	vld [tilespmem:s1+$0x6420]  }
0x5f: {  	s11 =	sadd.s32 $0x6520, s1;
	v7 =	vld [tilespmem:s1+$0x6430]  }
0x60: {  	v0 =	vld [tilespmem:s11+$0xE0]  }
0x61: {  	v1 =	vld [tilespmem:s11+$0xF0]  }
0x62: {  	v2 =	vld [tilespmem:s11+$0xA0]  }
0x63: {  	v3 =	vld [tilespmem:s11+$0xB0]  }
0x64: {  	v9 =	vld [tilespmem:s11+$0x60]  }
0x65: {  	v12 =	vld [tilespmem:s11+$0x70]  }
0x66: {  	v8 =	vld [tilespmem:s11+$0x20]  }
0x67: {  	v10 =	vld [tilespmem:s11+$0x30]  }
0x68: {  	v11 =	vld [tilespmem:s11+$0xFFFFFFE0]  }
0x69: {  	v13 =	vld [tilespmem:s11+$0xFFFFFFF0]  }
0x6a: {  	v14 =	vld [tilespmem:s11+$0xFFFFFFA0]  }
0x6b: {  	v15 =	vld [tilespmem:s11+$0xFFFFFFB0]  }
0x6c: {  	v16 =	vld [tilespmem:s11+$0xFFFFFF60]  }
0x6d: {  	v17 =	vld [tilespmem:s11+$0xFFFFFF70]  }
0x6e: {  	v18 =	vld [tilespmem:s11+$0xFFFFFF20]  }
0x6f: {  	v19 =	vld [tilespmem:s11+$0xFFFFFF30]  }
0x70: {  	v20 =	vld [tilespmem:s11+$0xFFFFFF40]  }
0x71: {  	v21 =	vld [tilespmem:s11+$0xFFFFFF50]  }
0x72: {  	v22 =	vld [tilespmem:s11+$0xFFFFFF80]  }
0x73: {  	v23 =	vld [tilespmem:s11+$0xFFFFFF90]  }
0x74: {  	v24 =	vld [tilespmem:s11+$0xFFFFFFC0]  }
0x75: {  	v58 =	vld [tilespmem:s11+$0xFFFFFFD0];
	v4 =	vadd.f32 v18, v4;
	v5 =	vadd.f32 v19, v5  }
0x76: {  	v59 =	vld [tilespmem:s11+$0x0];
	v6 =	vadd.f32 v20, v6;
	v7 =	vadd.f32 v21, v7  }
0x77: {  	v60 =	vld [tilespmem:s11+$0x10];
	v4 =	vadd.f32 v16, v4;
	v5 =	vadd.f32 v17, v5  }
0x78: {  	v61 =	vld [tilespmem:s11+$0x40];
	v6 =	vadd.f32 v22, v6;
	v7 =	vadd.f32 v23, v7  }
0x79: {  	v14 =	vadd.f32 v14, v4;
	v5 =	vadd.f32 v15, v5;
	v15 =	vld [tilespmem:s11+$0x50]  }
0x7a: {  	v6 =	vadd.f32 v24, v6;
	v18 =	vadd.f32 v58, v7;
	v4 =	vld [tilespmem:s11+$0x80]  }
0x7b: {  	v7 =	vld [tilespmem:s11+$0x90];
	v11 =	vadd.f32 v11, v14;
	v13 =	vadd.f32 v13, v5  }
0x7c: {  	v6 =	vadd.f32 v59, v6;
	v14 =	vadd.f32 v60, v18;
	v5 =	vld [tilespmem:s11+$0xC0]  }
0x7d: {  	v62 =	vadd.f32 v8, v11;
	v63 =	vadd.f32 v10, v13;
	v8 =	vld [tilespmem:s11+$0xD0]  }
0x7e: {  	v11 =	vadd.f32 v61, v6;
	v6 =	vld [tilespmem:s11+$0x100];
	v10 =	vadd.f32 v15, v14  }
0x7f: {  	s10 =	simm.s32 $0x1;
	v13 =	vadd.f32 v9, v62;
	v12 =	vadd.f32 v12, v63;
	v9 =	vld [tilespmem:s11+$0x110];
	s11 =	sadd.s32 $0x200, s11  }
.LBB2_3:
0x80: {  	v14 =	vld [tilespmem:s11+$0xE0];
	v4 =	vadd.f32 v4, v11;
	v7 =	vadd.f32 v7, v10  }
0x81: {  	v10 =	vld [tilespmem:s11+$0xF0];
	v11 =	vadd.f32 v2, v13;
	v12 =	vadd.f32 v3, v12  }
0x82: {  	v2 =	vld [tilespmem:s11+$0xA0];
	v4 =	vadd.f32 v5, v4;
	v5 =	vadd.f32 v8, v7  }
0x83: {  	v3 =	vld [tilespmem:s11+$0xB0];
	v7 =	vadd.f32 v0, v11;
	v8 =	vadd.f32 v1, v12  }
0x84: {  	v12 =	vld [tilespmem:s11+$0x60];
	v4 =	vadd.f32 v6, v4;
	v5 =	vadd.f32 v9, v5  }
0x85: {  	v9 =	vld [tilespmem:s11+$0x70];
	v0 =	vmov v14  }
0x86: {  	v6 =	vld [tilespmem:s11+$0x20];
	v1 =	vmov v10  }
0x87: {  	v10 =	vld [tilespmem:s11+$0x30]  }
0x88: {  	v11 =	vld [tilespmem:s11+$0xFFFFFFE0]  }
0x89: {  	v13 =	vld [tilespmem:s11+$0xFFFFFFF0]  }
0x8a: {  	v14 =	vld [tilespmem:s11+$0xFFFFFFA0]  }
0x8b: {  	v15 =	vld [tilespmem:s11+$0xFFFFFFB0]  }
0x8c: {  	v16 =	vld [tilespmem:s11+$0xFFFFFF60]  }
0x8d: {  	v17 =	vld [tilespmem:s11+$0xFFFFFF70]  }
0x8e: {  	v18 =	vld [tilespmem:s11+$0xFFFFFF20]  }
0x8f: {  	v19 =	vld [tilespmem:s11+$0xFFFFFF30]  }
0x90: {  	v20 =	vld [tilespmem:s11+$0xFFFFFF40]  }
0x91: {  	s10 =	sadd.s32 $0x8, s10;
	v21 =	vld [tilespmem:s11+$0xFFFFFF50]  }
0x92: {  	p0 =	slt.u32 s10, $0xB9;
	v22 =	vld [tilespmem:s11+$0xFFFFFF80]  }
0x93: {  	v23 =	vld [tilespmem:s11+$0xFFFFFF90]  }
0x94: {  	v24 =	vld [tilespmem:s11+$0xFFFFFFC0]  }
0x95: {  	v7 =	vadd.f32 v18, v7;
	v8 =	vadd.f32 v19, v8;
	v18 =	vld [tilespmem:s11+$0xFFFFFFD0]  }
0x96: {  	v4 =	vadd.f32 v20, v4;
	v5 =	vadd.f32 v21, v5;
	v19 =	vld [tilespmem:s11+$0x0]  }
0x97: {  	v7 =	vadd.f32 v16, v7;
	v8 =	vadd.f32 v17, v8;
	v16 =	vld [tilespmem:s11+$0x10]  }
0x98: {  	v4 =	vadd.f32 v22, v4;
	v5 =	vadd.f32 v23, v5;
	v17 =	vld [tilespmem:s11+$0x40]  }
0x99: {  	v7 =	vadd.f32 v14, v7;
	v8 =	vadd.f32 v15, v8;
	v14 =	vld [tilespmem:s11+$0x50]  }
0x9a: {  	v15 =	vadd.f32 v24, v4;
	v5 =	vadd.f32 v18, v5;
	v4 =	vld [tilespmem:s11+$0x80]  }
.Ltmp0:
0x9b: {  	v11 =	vadd.f32 v11, v7;
	v8 =	vadd.f32 v13, v8;
	v7 =	vld [tilespmem:s11+$0x90];
	(pc) =	sbr.rel @p0 .LBB2_3-.Ltmp0, $4  }
0x9c: {  	v13 =	vadd.f32 v19, v15;
	v15 =	vadd.f32 v16, v5;
	v5 =	vld [tilespmem:s11+$0xC0]  }
0x9d: {  	v16 =	vadd.f32 v6, v11;
	v18 =	vadd.f32 v10, v8;
	v8 =	vld [tilespmem:s11+$0xD0]  }
0x9e: {  	v11 =	vadd.f32 v17, v13;
	v10 =	vadd.f32 v14, v15;
	v6 =	vld [tilespmem:s11+$0x100]  }
0x9f: {  	v13 =	vadd.f32 v12, v16;
	v12 =	vadd.f32 v9, v18;
	v9 =	vld [tilespmem:s11+$0x110];
	s11 =	sadd.s32 $0x200, s11  }
0xa0: {  	v14 =	vld [tilespmem:s1+$0x9440]  }
0xa1: {  	v15 =	vld [tilespmem:s1+$0x9450]  }
0xa2: {  	v16 =	vld [tilespmem:s1+$0x9460]  }
0xa3: {  	v17 =	vld [tilespmem:s1+$0x9470]  }
0xa4: {  	v18 =	vld [tilespmem:s1+$0x9480]  }
0xa5: {  	v19 =	vld [tilespmem:s1+$0x9490]  }
0xa6: {  	v20 =	vld [tilespmem:s1+$0x94A0]  }
0xa7: {  	v21 =	vld [tilespmem:s1+$0x94B0]  }
0xa8: {  	v22 =	vld [tilespmem:s1+$0x94C0]  }
0xa9: {  	v23 =	vld [tilespmem:s1+$0x94D0]  }
0xaa: {  	v24 =	vld [tilespmem:s1+$0x94E0]  }
0xab: {  	v25 =	vld [tilespmem:s1+$0x94F0]  }
0xac: {  	v26 =	vld [tilespmem:s1+$0x9500]  }
0xad: {  	v4 =	vadd.f32 v4, v11;
	v11 =	vld [tilespmem:s1+$0x9510];
	v2 =	vadd.f32 v2, v13  }
0xae: {  	v7 =	vadd.f32 v7, v10;
	v10 =	vld [tilespmem:s1+$0x9520];
	v3 =	vadd.f32 v3, v12  }
0xaf: {  	v12 =	vld [tilespmem:s1+$0x9590];
	v4 =	vadd.f32 v5, v4;
	v0 =	vadd.f32 v0, v2  }
0xb0: {  	v13 =	vld [tilespmem:s1+$0x95A0];
	v5 =	vadd.f32 v8, v7;
	v1 =	vadd.f32 v1, v3  }
0xb1: {  	v7 =	vld [tilespmem:s1+$0x9560];
	v4 =	vadd.f32 v6, v4;
	v0 =	vadd.f32 v14, v0  }
0xb2: {  	v8 =	vld [tilespmem:s1+$0x9570];
	v5 =	vadd.f32 v9, v5;
	v1 =	vadd.f32 v15, v1  }
0xb3: {  	v2 =	vld [tilespmem:s1+$0x9530];
	v4 =	vadd.f32 v16, v4;
	v0 =	vadd.f32 v18, v0  }
0xb4: {  	v3 =	vld [tilespmem:s1+$0x9540];
	v5 =	vadd.f32 v17, v5;
	v1 =	vadd.f32 v19, v1  }
0xb5: {  	v6 =	vld [tilespmem:s1+$0x9550];
	v4 =	vadd.f32 v20, v4;
	v0 =	vadd.f32 v22, v0  }
0xb6: {  	v9 =	vld [tilespmem:s1+$0x9580];
	v5 =	vadd.f32 v21, v5;
	v1 =	vadd.f32 v23, v1  }
0xb7: {  	v14 =	vld [tilespmem:s1+$0x95B0];
	v4 =	vadd.f32 v24, v4;
	v0 =	vadd.f32 v26, v0  }
0xb8: {  	v5 =	vadd.f32 v25, v5;
	v1 =	vadd.f32 v11, v1;
	v11 =	vld [tilespmem:s1+$0x95C0]  }
0xb9: {  	v4 =	vadd.f32 v10, v4;
	v0 =	vadd.f32 v3, v0;
	v3 =	vld [tilespmem:s1+$0x95D0]  }
0xba: {  	v2 =	vadd.f32 v2, v5;
	v5 =	vld [tilespmem:s1+$0x95E0];
	v1 =	vadd.f32 v6, v1  }
0xbb: {  	v6 =	vld [tilespmem:s1+$0x95F0];
	v4 =	vadd.f32 v7, v4;
	v0 =	vadd.f32 v9, v0  }
0xbc: {  	v2 =	vadd.f32 v8, v2;
	v1 =	vadd.f32 v12, v1  }
0xbd: {  	s10 =	sshll.u32 s31, $0x7;
	v4 =	vadd.f32 v13, v4;
	v0 =	vadd.f32 v11, v0  }
0xbe: {  	s31 =	sand.u32 $0x3FFFFF80, s10;
	v2 =	vadd.f32 v14, v2;
	v1 =	vadd.f32 v3, v1  }
0xbf: {  	v3 =	vadd.f32 v5, v4;
	[tilespmem:s31+$0x12C00] =	vst v0  }
0xc0: {  	v0 =	vadd.f32 v6, v2;
	[tilespmem:s31+$0x12C10] =	vst v1  }
0xc1: {  	[tilespmem:s31+$0x12C20] =	vst v3  }
0xc2: {  	s9 =	sshll.u32 s9, $0x6;
	[tilespmem:s31+$0x12C30] =	vst v0  }
0xc3: {  	v4 =	vld [tilespmem:s9+$0x9600]  }
0xc4: {  	v5 =	vld [tilespmem:s9+$0x9610]  }
0xc5: {  	v6 =	vld [tilespmem:s9+$0x9620]  }
0xc6: {  	s11 =	sadd.s32 $0x9830, s1;
	v7 =	vld [tilespmem:s9+$0x9630]  }
0xc7: {  	v0 =	vld [tilespmem:s11+$0xFFFFFFD0]  }
0xc8: {  	v1 =	vld [tilespmem:s11+$0xFFFFFFE0]  }
0xc9: {  	v2 =	vld [tilespmem:s11+$0xFFFFFF90]  }
0xca: {  	v3 =	vld [tilespmem:s11+$0xFFFFFFA0]  }
0xcb: {  	v9 =	vld [tilespmem:s11+$0xFFFFFF50]  }
0xcc: {  	v12 =	vld [tilespmem:s11+$0xFFFFFF60]  }
0xcd: {  	v8 =	vld [tilespmem:s11+$0xFFFFFF10]  }
0xce: {  	v10 =	vld [tilespmem:s11+$0xFFFFFF20]  }
0xcf: {  	v11 =	vld [tilespmem:s11+$0xFFFFFED0]  }
0xd0: {  	v13 =	vld [tilespmem:s11+$0xFFFFFEE0]  }
0xd1: {  	v14 =	vld [tilespmem:s11+$0xFFFFFE90]  }
0xd2: {  	v15 =	vld [tilespmem:s11+$0xFFFFFEA0]  }
0xd3: {  	v49 =	vld [tilespmem:s11+$0xFFFFFE50]  }
0xd4: {  	v50 =	vld [tilespmem:s11+$0xFFFFFE60]  }
0xd5: {  	v51 =	vld [tilespmem:s11+$0xFFFFFE10]  }
0xd6: {  	v52 =	vld [tilespmem:s11+$0xFFFFFE20]  }
0xd7: {  	v53 =	vld [tilespmem:s11+$0xFFFFFE30]  }
0xd8: {  	v54 =	vld [tilespmem:s11+$0xFFFFFE40]  }
0xd9: {  	v55 =	vld [tilespmem:s11+$0xFFFFFE70]  }
0xda: {  	v56 =	vld [tilespmem:s11+$0xFFFFFE80]  }
0xdb: {  	v57 =	vld [tilespmem:s11+$0xFFFFFEB0]  }
0xdc: {  	v58 =	vld [tilespmem:s11+$0xFFFFFEC0];
	v4 =	vadd.f32 v51, v4;
	v5 =	vadd.f32 v52, v5  }
0xdd: {  	v59 =	vld [tilespmem:s11+$0xFFFFFEF0];
	v6 =	vadd.f32 v53, v6;
	v7 =	vadd.f32 v54, v7  }
0xde: {  	v60 =	vld [tilespmem:s11+$0xFFFFFF00];
	v4 =	vadd.f32 v49, v4;
	v5 =	vadd.f32 v50, v5  }
0xdf: {  	v61 =	vld [tilespmem:s11+$0xFFFFFF30];
	v6 =	vadd.f32 v55, v6;
	v7 =	vadd.f32 v56, v7  }
0xe0: {  	v14 =	vadd.f32 v14, v4;
	v5 =	vadd.f32 v15, v5;
	v15 =	vld [tilespmem:s11+$0xFFFFFF40]  }
0xe1: {  	v6 =	vadd.f32 v57, v6;
	v18 =	vadd.f32 v58, v7;
	v4 =	vld [tilespmem:s11+$0xFFFFFF70]  }
0xe2: {  	v7 =	vld [tilespmem:s11+$0xFFFFFF80];
	v11 =	vadd.f32 v11, v14;
	v13 =	vadd.f32 v13, v5  }
0xe3: {  	v6 =	vadd.f32 v59, v6;
	v14 =	vadd.f32 v60, v18;
	v5 =	vld [tilespmem:s11+$0xFFFFFFB0]  }
0xe4: {  	v62 =	vadd.f32 v8, v11;
	v63 =	vadd.f32 v10, v13;
	v8 =	vld [tilespmem:s11+$0xFFFFFFC0]  }
0xe5: {  	v11 =	vadd.f32 v61, v6;
	v6 =	vld [tilespmem:s11+$0xFFFFFFF0];
	v10 =	vadd.f32 v15, v14  }
0xe6: {  	s10 =	sadd.s32 $0x200, s11;
	s9 =	simm.s32 $0x1;
	v13 =	vadd.f32 v9, v62;
	v12 =	vadd.f32 v12, v63;
	v9 =	vld [tilespmem:s11+$0x0]  }
.LBB2_5:
0xe7: {  	v14 =	vld [tilespmem:s10+$0xFFFFFFD0];
	v4 =	vadd.f32 v4, v11;
	v7 =	vadd.f32 v7, v10  }
0xe8: {  	v10 =	vld [tilespmem:s10+$0xFFFFFFE0];
	v11 =	vadd.f32 v2, v13;
	v12 =	vadd.f32 v3, v12  }
0xe9: {  	v2 =	vld [tilespmem:s10+$0xFFFFFF90];
	v4 =	vadd.f32 v5, v4;
	v5 =	vadd.f32 v8, v7  }
0xea: {  	v3 =	vld [tilespmem:s10+$0xFFFFFFA0];
	v7 =	vadd.f32 v0, v11;
	v8 =	vadd.f32 v1, v12  }
0xeb: {  	v12 =	vld [tilespmem:s10+$0xFFFFFF50];
	v4 =	vadd.f32 v6, v4;
	v5 =	vadd.f32 v9, v5  }
0xec: {  	v9 =	vld [tilespmem:s10+$0xFFFFFF60];
	v0 =	vmov v14  }
0xed: {  	v6 =	vld [tilespmem:s10+$0xFFFFFF10];
	v1 =	vmov v10  }
0xee: {  	v10 =	vld [tilespmem:s10+$0xFFFFFF20]  }
0xef: {  	v11 =	vld [tilespmem:s10+$0xFFFFFED0]  }
0xf0: {  	v13 =	vld [tilespmem:s10+$0xFFFFFEE0]  }
0xf1: {  	v14 =	vld [tilespmem:s10+$0xFFFFFE90]  }
0xf2: {  	v15 =	vld [tilespmem:s10+$0xFFFFFEA0]  }
0xf3: {  	v16 =	vld [tilespmem:s10+$0xFFFFFE50]  }
0xf4: {  	v17 =	vld [tilespmem:s10+$0xFFFFFE60]  }
0xf5: {  	v18 =	vld [tilespmem:s10+$0xFFFFFE10]  }
0xf6: {  	v19 =	vld [tilespmem:s10+$0xFFFFFE20]  }
0xf7: {  	v20 =	vld [tilespmem:s10+$0xFFFFFE30]  }
0xf8: {  	s9 =	sadd.s32 $0x8, s9;
	v21 =	vld [tilespmem:s10+$0xFFFFFE40]  }
0xf9: {  	p0 =	slt.u32 s9, $0xB9;
	v22 =	vld [tilespmem:s10+$0xFFFFFE70]  }
0xfa: {  	v23 =	vld [tilespmem:s10+$0xFFFFFE80]  }
0xfb: {  	v24 =	vld [tilespmem:s10+$0xFFFFFEB0]  }
0xfc: {  	v7 =	vadd.f32 v18, v7;
	v8 =	vadd.f32 v19, v8;
	v18 =	vld [tilespmem:s10+$0xFFFFFEC0]  }
0xfd: {  	v4 =	vadd.f32 v20, v4;
	v5 =	vadd.f32 v21, v5;
	v19 =	vld [tilespmem:s10+$0xFFFFFEF0]  }
0xfe: {  	v7 =	vadd.f32 v16, v7;
	v8 =	vadd.f32 v17, v8;
	v16 =	vld [tilespmem:s10+$0xFFFFFF00]  }
0xff: {  	v4 =	vadd.f32 v22, v4;
	v5 =	vadd.f32 v23, v5;
	v17 =	vld [tilespmem:s10+$0xFFFFFF30]  }
0x100: {  	v7 =	vadd.f32 v14, v7;
	v8 =	vadd.f32 v15, v8;
	v14 =	vld [tilespmem:s10+$0xFFFFFF40]  }
0x101: {  	v15 =	vadd.f32 v24, v4;
	v5 =	vadd.f32 v18, v5;
	v4 =	vld [tilespmem:s10+$0xFFFFFF70]  }
.Ltmp1:
0x102: {  	v11 =	vadd.f32 v11, v7;
	v8 =	vadd.f32 v13, v8;
	v7 =	vld [tilespmem:s10+$0xFFFFFF80];
	(pc) =	sbr.rel @p0 .LBB2_5-.Ltmp1, $4  }
0x103: {  	v13 =	vadd.f32 v19, v15;
	v15 =	vadd.f32 v16, v5;
	v5 =	vld [tilespmem:s10+$0xFFFFFFB0]  }
0x104: {  	v16 =	vadd.f32 v6, v11;
	v18 =	vadd.f32 v10, v8;
	v8 =	vld [tilespmem:s10+$0xFFFFFFC0]  }
0x105: {  	v11 =	vadd.f32 v17, v13;
	v10 =	vadd.f32 v14, v15;
	v6 =	vld [tilespmem:s10+$0xFFFFFFF0]  }
0x106: {  	v13 =	vadd.f32 v12, v16;
	v12 =	vadd.f32 v9, v18;
	v9 =	vld [tilespmem:s10+$0x0];
	s10 =	sadd.s32 $0x200, s10  }
0x107: {  	v14 =	vld [tilespmem:s1+$0xC640]  }
0x108: {  	v15 =	vld [tilespmem:s1+$0xC650]  }
0x109: {  	v16 =	vld [tilespmem:s1+$0xC660]  }
0x10a: {  	v17 =	vld [tilespmem:s1+$0xC670]  }
0x10b: {  	v18 =	vld [tilespmem:s1+$0xC680]  }
0x10c: {  	v19 =	vld [tilespmem:s1+$0xC690]  }
0x10d: {  	v20 =	vld [tilespmem:s1+$0xC6A0]  }
0x10e: {  	v21 =	vld [tilespmem:s1+$0xC6B0]  }
0x10f: {  	v22 =	vld [tilespmem:s1+$0xC6C0]  }
0x110: {  	v23 =	vld [tilespmem:s1+$0xC6D0]  }
0x111: {  	v24 =	vld [tilespmem:s1+$0xC6E0]  }
0x112: {  	v25 =	vld [tilespmem:s1+$0xC6F0]  }
0x113: {  	v26 =	vld [tilespmem:s1+$0xC700]  }
0x114: {  	v4 =	vadd.f32 v4, v11;
	v46 =	vld [tilespmem:s1+$0xC710];
	v2 =	vadd.f32 v2, v13  }
0x115: {  	v7 =	vadd.f32 v7, v10;
	v47 =	vld [tilespmem:s1+$0xC720];
	v3 =	vadd.f32 v3, v12  }
0x116: {  	v48 =	vld [tilespmem:s1+$0xC730];
	v4 =	vadd.f32 v5, v4;
	v0 =	vadd.f32 v0, v2  }
0x117: {  	v50 =	vld [tilespmem:s1+$0xC740];
	v49 =	vadd.f32 v8, v7;
	v1 =	vadd.f32 v1, v3  }
0x118: {  	v51 =	vld [tilespmem:s1+$0xC750];
	v4 =	vadd.f32 v6, v4;
	v0 =	vadd.f32 v14, v0  }
0x119: {  	v52 =	vld [tilespmem:s1+$0xC760];
	v5 =	vadd.f32 v9, v49;
	v1 =	vadd.f32 v15, v1  }
0x11a: {  	v53 =	vld [tilespmem:s1+$0xC770];
	v4 =	vadd.f32 v16, v4;
	v0 =	vadd.f32 v18, v0  }
0x11b: {  	v54 =	vld [tilespmem:s1+$0xC780];
	v5 =	vadd.f32 v17, v5;
	v1 =	vadd.f32 v19, v1  }
0x11c: {  	v55 =	vld [tilespmem:s1+$0xC790];
	v4 =	vadd.f32 v20, v4;
	v0 =	vadd.f32 v22, v0  }
0x11d: {  	v56 =	vld [tilespmem:s1+$0xC7A0];
	v5 =	vadd.f32 v21, v5;
	v1 =	vadd.f32 v23, v1  }
0x11e: {  	v57 =	vld [tilespmem:s1+$0xC7B0];
	v4 =	vadd.f32 v24, v4;
	v0 =	vadd.f32 v26, v0  }
0x11f: {  	v58 =	vld [tilespmem:s1+$0xC7C0];
	v5 =	vadd.f32 v25, v5;
	v1 =	vadd.f32 v46, v1  }
0x120: {  	v59 =	vld [tilespmem:s1+$0xC7D0];
	v4 =	vadd.f32 v47, v4;
	v0 =	vadd.f32 v50, v0  }
0x121: {  	v60 =	vld [tilespmem:s1+$0xC7E0];
	v2 =	vadd.f32 v48, v5;
	v1 =	vadd.f32 v51, v1  }
0x122: {  	v61 =	vld [tilespmem:s1+$0xC7F0];
	v4 =	vadd.f32 v52, v4;
	v0 =	vadd.f32 v54, v0  }
0x123: {  	v2 =	vadd.f32 v53, v2;
	v1 =	vadd.f32 v55, v1  }
0x124: {  	p0 =	sne.s32 s0, $0x3F;
	v4 =	vadd.f32 v56, v4;
	v0 =	vadd.f32 v58, v0  }
.Ltmp2:
0x125: {  	v2 =	vadd.f32 v57, v2;
	v1 =	vadd.f32 v59, v1;
	(pc) =	sbr.rel @p0 .LBB2_2-.Ltmp2, $4  }
0x126: {  	v62 =	vadd.f32 v60, v4;
	[tilespmem:s31+$0x12C40] =	vst v0  }
0x127: {  	v63 =	vadd.f32 v61, v2;
	[tilespmem:s31+$0x12C50] =	vst v1  }
0x128: {  	[tilespmem:s31+$0x12C60] =	vst v62  }
0x129: {  	[tilespmem:s31+$0x12C70] =	vst v63;
	s31 =	smov.u32 s0  }
0x12a: {  	_ =	swait.ge [sflag:s28], $0xA00  }
0x12b: {  	[sflag:s28] =	ssyncset.done $0x0  }
0x12c: {  	[sflag:s28] =	ssyncadd.s32 $0xFFFFF600  }
0x12d: {  	_ =	swait.ge [sflag:s28], $0xA00  }
0x12e: {  	[sflag:s28] =	ssyncset.done $0x0  }
0x12f: {  	[sflag:s28] =	ssyncadd.s32 $0xFFFFF600  }
0x130: {  	_ =	swait.ge [sflag:s28], $0xA00  }
0x131: {  	[sflag:s28] =	ssyncset.done $0x0  }
0x132: {  	[sflag:s28] =	ssyncadd.s32 $0xFFFFF600  }
0x133: {  	_ =	swait.ge [sflag:s28], $0xA00  }
0x134: {  	[sflag:s28] =	ssyncset.done $0x0  }
0x135: {  	[sflag:s28] =	ssyncadd.s32 $0xFFFFF600  }
0x136: {  	_ =	swait.ge [sflag:s28], $0xA00  }
0x137: {  	[sflag:s28] =	ssyncset.done $0x0  }
0x138: {  	[sflag:s28] =	ssyncadd.s32 $0xFFFFF600  }
0x139: {  	_ =	swait.ge [sflag:s28], $0xA00  }
0x13a: {  	[sflag:s28] =	ssyncset.done $0x0  }
0x13b: {  	[sflag:s28] =	ssyncadd.s32 $0xFFFFF600  }
0x13c: {  	_ =	swait.ge [sflag:s28], $0xA00  }
0x13d: {  	[sflag:s28] =	ssyncset.done $0x0  }
0x13e: {  	[sflag:s28] =	ssyncadd.s32 $0xFFFFF600  }
0x13f: {  	_ =	swait.ge [sflag:s28], $0xA00  }
0x140: {  	[sflag:s28] =	ssyncset.done $0x0  }
0x141: {  	[sflag:s28] =	ssyncadd.s32 $0xFFFFF600  }
0x142: {  	_ =	swait.ge [sflag:s28], $0xA00  }
0x143: {  	[sflag:s28] =	ssyncset.done $0x0  }
0x144: {  	[sflag:s28] =	ssyncadd.s32 $0xFFFFF600  }
0x145: {  	_ =	swait.ge [sflag:s28], $0xA00  }
0x146: {  	[sflag:s28] =	ssyncset.done $0x0  }
0x147: {  	[sflag:s28] =	ssyncadd.s32 $0xFFFFF600  }
0x148: {  	v4 =	vld [tilespmem:$0xC800]  }
0x149: {  	v5 =	vld [tilespmem:$0xC810]  }
0x14a: {  	v6 =	vld [tilespmem:$0xC820]  }
0x14b: {  	s1 =	simm.s32 $0xC840;
	v7 =	vld [tilespmem:$0xC830]  }
0x14c: {  	v0 =	vld [tilespmem:s1+$0x1C0]  }
0x14d: {  	v1 =	vld [tilespmem:s1+$0x1D0]  }
0x14e: {  	v2 =	vld [tilespmem:s1+$0x180]  }
0x14f: {  	v3 =	vld [tilespmem:s1+$0x190]  }
0x150: {  	v9 =	vld [tilespmem:s1+$0x140]  }
0x151: {  	v12 =	vld [tilespmem:s1+$0x150]  }
0x152: {  	v8 =	vld [tilespmem:s1+$0x100]  }
0x153: {  	v10 =	vld [tilespmem:s1+$0x110]  }
0x154: {  	v11 =	vld [tilespmem:s1+$0xC0]  }
0x155: {  	v13 =	vld [tilespmem:s1+$0xD0]  }
0x156: {  	v14 =	vld [tilespmem:s1+$0x80]  }
0x157: {  	v15 =	vld [tilespmem:s1+$0x90]  }
0x158: {  	v16 =	vld [tilespmem:s1+$0x40]  }
0x159: {  	v17 =	vld [tilespmem:s1+$0x50]  }
0x15a: {  	v18 =	vld [tilespmem:s1+$0x0]  }
0x15b: {  	v19 =	vld [tilespmem:s1+$0x10]  }
0x15c: {  	v20 =	vld [tilespmem:s1+$0x20]  }
0x15d: {  	v21 =	vld [tilespmem:s1+$0x30]  }
0x15e: {  	v22 =	vld [tilespmem:s1+$0x60]  }
0x15f: {  	v23 =	vld [tilespmem:s1+$0x70]  }
0x160: {  	v24 =	vld [tilespmem:s1+$0xA0]  }
0x161: {  	v58 =	vld [tilespmem:s1+$0xB0];
	v4 =	vadd.f32 v18, v4;
	v5 =	vadd.f32 v19, v5  }
0x162: {  	v59 =	vld [tilespmem:s1+$0xE0];
	v6 =	vadd.f32 v20, v6;
	v7 =	vadd.f32 v21, v7  }
0x163: {  	v60 =	vld [tilespmem:s1+$0xF0];
	v4 =	vadd.f32 v16, v4;
	v5 =	vadd.f32 v17, v5  }
0x164: {  	v61 =	vld [tilespmem:s1+$0x120];
	v6 =	vadd.f32 v22, v6;
	v7 =	vadd.f32 v23, v7  }
0x165: {  	v14 =	vadd.f32 v14, v4;
	v5 =	vadd.f32 v15, v5;
	v15 =	vld [tilespmem:s1+$0x130]  }
0x166: {  	v6 =	vadd.f32 v24, v6;
	v18 =	vadd.f32 v58, v7;
	v4 =	vld [tilespmem:s1+$0x160]  }
0x167: {  	v7 =	vld [tilespmem:s1+$0x170];
	v11 =	vadd.f32 v11, v14;
	v13 =	vadd.f32 v13, v5  }
0x168: {  	v6 =	vadd.f32 v59, v6;
	v14 =	vadd.f32 v60, v18;
	v5 =	vld [tilespmem:s1+$0x1A0]  }
0x169: {  	v62 =	vadd.f32 v8, v11;
	v63 =	vadd.f32 v10, v13;
	v8 =	vld [tilespmem:s1+$0x1B0]  }
0x16a: {  	v11 =	vadd.f32 v61, v6;
	v6 =	vld [tilespmem:s1+$0x1E0];
	v10 =	vadd.f32 v15, v14  }
0x16b: {  	s0 =	simm.s32 $0x1;
	v13 =	vadd.f32 v9, v62;
	v12 =	vadd.f32 v12, v63;
	v9 =	vld [tilespmem:s1+$0x1F0];
	s1 =	simm.s32 $0xCA40  }
.LBB2_8:
0x16c: {  	v14 =	vld [tilespmem:s1+$0x1C0];
	v4 =	vadd.f32 v4, v11;
	v7 =	vadd.f32 v7, v10  }
0x16d: {  	v10 =	vld [tilespmem:s1+$0x1D0];
	v11 =	vadd.f32 v2, v13;
	v12 =	vadd.f32 v3, v12  }
0x16e: {  	v2 =	vld [tilespmem:s1+$0x180];
	v4 =	vadd.f32 v5, v4;
	v5 =	vadd.f32 v8, v7  }
0x16f: {  	v3 =	vld [tilespmem:s1+$0x190];
	v7 =	vadd.f32 v0, v11;
	v8 =	vadd.f32 v1, v12  }
0x170: {  	v12 =	vld [tilespmem:s1+$0x140];
	v4 =	vadd.f32 v6, v4;
	v5 =	vadd.f32 v9, v5  }
0x171: {  	v9 =	vld [tilespmem:s1+$0x150];
	v0 =	vmov v14  }
0x172: {  	v6 =	vld [tilespmem:s1+$0x100];
	v1 =	vmov v10  }
0x173: {  	v10 =	vld [tilespmem:s1+$0x110]  }
0x174: {  	v11 =	vld [tilespmem:s1+$0xC0]  }
0x175: {  	v13 =	vld [tilespmem:s1+$0xD0]  }
0x176: {  	v14 =	vld [tilespmem:s1+$0x80]  }
0x177: {  	v15 =	vld [tilespmem:s1+$0x90]  }
0x178: {  	v16 =	vld [tilespmem:s1+$0x40]  }
0x179: {  	v17 =	vld [tilespmem:s1+$0x50]  }
0x17a: {  	v18 =	vld [tilespmem:s1+$0x0]  }
0x17b: {  	v19 =	vld [tilespmem:s1+$0x10]  }
0x17c: {  	v20 =	vld [tilespmem:s1+$0x20]  }
0x17d: {  	s0 =	sadd.s32 $0x8, s0;
	v21 =	vld [tilespmem:s1+$0x30]  }
0x17e: {  	p0 =	slt.u32 s0, $0xB9;
	v22 =	vld [tilespmem:s1+$0x60]  }
0x17f: {  	v23 =	vld [tilespmem:s1+$0x70]  }
0x180: {  	v24 =	vld [tilespmem:s1+$0xA0]  }
0x181: {  	v7 =	vadd.f32 v18, v7;
	v8 =	vadd.f32 v19, v8;
	v18 =	vld [tilespmem:s1+$0xB0]  }
0x182: {  	v4 =	vadd.f32 v20, v4;
	v5 =	vadd.f32 v21, v5;
	v19 =	vld [tilespmem:s1+$0xE0]  }
0x183: {  	v7 =	vadd.f32 v16, v7;
	v8 =	vadd.f32 v17, v8;
	v16 =	vld [tilespmem:s1+$0xF0]  }
0x184: {  	v4 =	vadd.f32 v22, v4;
	v5 =	vadd.f32 v23, v5;
	v17 =	vld [tilespmem:s1+$0x120]  }
0x185: {  	v7 =	vadd.f32 v14, v7;
	v8 =	vadd.f32 v15, v8;
	v14 =	vld [tilespmem:s1+$0x130]  }
0x186: {  	v15 =	vadd.f32 v24, v4;
	v5 =	vadd.f32 v18, v5;
	v4 =	vld [tilespmem:s1+$0x160]  }
.Ltmp3:
0x187: {  	v11 =	vadd.f32 v11, v7;
	v8 =	vadd.f32 v13, v8;
	v7 =	vld [tilespmem:s1+$0x170];
	(pc) =	sbr.rel @p0 .LBB2_8-.Ltmp3, $4  }
0x188: {  	v13 =	vadd.f32 v19, v15;
	v15 =	vadd.f32 v16, v5;
	v5 =	vld [tilespmem:s1+$0x1A0]  }
0x189: {  	v16 =	vadd.f32 v6, v11;
	v18 =	vadd.f32 v10, v8;
	v8 =	vld [tilespmem:s1+$0x1B0]  }
0x18a: {  	v11 =	vadd.f32 v17, v13;
	v10 =	vadd.f32 v14, v15;
	v6 =	vld [tilespmem:s1+$0x1E0]  }
0x18b: {  	v13 =	vadd.f32 v12, v16;
	v12 =	vadd.f32 v9, v18;
	v9 =	vld [tilespmem:s1+$0x1F0];
	s1 =	sadd.s32 $0x200, s1  }
0x18c: {  	v14 =	vld [tilespmem:$0xF840]  }
0x18d: {  	v15 =	vld [tilespmem:$0xF850]  }
0x18e: {  	v16 =	vld [tilespmem:$0xF860]  }
0x18f: {  	v17 =	vld [tilespmem:$0xF870]  }
0x190: {  	v18 =	vld [tilespmem:$0xF880]  }
0x191: {  	v19 =	vld [tilespmem:$0xF890]  }
0x192: {  	v20 =	vld [tilespmem:$0xF8A0]  }
0x193: {  	v21 =	vld [tilespmem:$0xF8B0]  }
0x194: {  	v22 =	vld [tilespmem:$0xF8C0]  }
0x195: {  	v23 =	vld [tilespmem:$0xF8D0]  }
0x196: {  	v24 =	vld [tilespmem:$0xF8E0]  }
0x197: {  	v25 =	vld [tilespmem:$0xF8F0]  }
0x198: {  	v26 =	vld [tilespmem:$0xF900]  }
0x199: {  	v4 =	vadd.f32 v4, v11;
	v11 =	vld [tilespmem:$0xF910];
	v2 =	vadd.f32 v2, v13  }
0x19a: {  	v7 =	vadd.f32 v7, v10;
	v10 =	vld [tilespmem:$0xF920];
	v3 =	vadd.f32 v3, v12  }
0x19b: {  	v12 =	vld [tilespmem:$0xF990];
	v4 =	vadd.f32 v5, v4;
	v0 =	vadd.f32 v0, v2  }
0x19c: {  	v13 =	vld [tilespmem:$0xF9A0];
	v5 =	vadd.f32 v8, v7;
	v1 =	vadd.f32 v1, v3  }
0x19d: {  	v7 =	vld [tilespmem:$0xF960];
	v4 =	vadd.f32 v6, v4;
	v0 =	vadd.f32 v14, v0  }
0x19e: {  	v8 =	vld [tilespmem:$0xF970];
	v5 =	vadd.f32 v9, v5;
	v1 =	vadd.f32 v15, v1  }
0x19f: {  	v2 =	vld [tilespmem:$0xF930];
	v4 =	vadd.f32 v16, v4;
	v0 =	vadd.f32 v18, v0  }
0x1a0: {  	v3 =	vld [tilespmem:$0xF940];
	v5 =	vadd.f32 v17, v5;
	v1 =	vadd.f32 v19, v1  }
0x1a1: {  	v6 =	vld [tilespmem:$0xF950];
	v4 =	vadd.f32 v20, v4;
	v0 =	vadd.f32 v22, v0  }
0x1a2: {  	v9 =	vld [tilespmem:$0xF980];
	v5 =	vadd.f32 v21, v5;
	v1 =	vadd.f32 v23, v1  }
0x1a3: {  	v14 =	vld [tilespmem:$0xF9B0];
	v4 =	vadd.f32 v24, v4;
	v0 =	vadd.f32 v26, v0  }
0x1a4: {  	v5 =	vadd.f32 v25, v5;
	v1 =	vadd.f32 v11, v1;
	v11 =	vld [tilespmem:$0xF9C0]  }
0x1a5: {  	v4 =	vadd.f32 v10, v4;
	v0 =	vadd.f32 v3, v0;
	v3 =	vld [tilespmem:$0xF9D0]  }
0x1a6: {  	v2 =	vadd.f32 v2, v5;
	v5 =	vld [tilespmem:$0xF9E0];
	v1 =	vadd.f32 v6, v1  }
0x1a7: {  	v6 =	vld [tilespmem:$0xF9F0];
	v4 =	vadd.f32 v7, v4;
	v0 =	vadd.f32 v9, v0  }
0x1a8: {  	v2 =	vadd.f32 v8, v2;
	v1 =	vadd.f32 v12, v1  }
0x1a9: {  	v4 =	vadd.f32 v13, v4;
	v0 =	vadd.f32 v11, v0  }
0x1aa: {  	v2 =	vadd.f32 v14, v2;
	v1 =	vadd.f32 v3, v1  }
0x1ab: {  	v7 =	vld [tilespmem:$0xFA30];
	v3 =	vadd.f32 v5, v4;
	[tilespmem:$0x14B80] =	vst v0  }
0x1ac: {  	v4 =	vld [tilespmem:$0xFA00];
	v0 =	vadd.f32 v6, v2;
	[tilespmem:$0x14B90] =	vst v1  }
0x1ad: {  	v5 =	vld [tilespmem:$0xFA10];
	[tilespmem:$0x14BA0] =	vst v3  }
0x1ae: {  	s1 =	simm.s32 $0xFA40;
	v6 =	vld [tilespmem:$0xFA20];
	[tilespmem:$0x14BB0] =	vst v0  }
0x1af: {  	v0 =	vld [tilespmem:s1+$0x1C0]  }
0x1b0: {  	v1 =	vld [tilespmem:s1+$0x1D0]  }
0x1b1: {  	v2 =	vld [tilespmem:s1+$0x180]  }
0x1b2: {  	v3 =	vld [tilespmem:s1+$0x190]  }
0x1b3: {  	v9 =	vld [tilespmem:s1+$0x140]  }
0x1b4: {  	v12 =	vld [tilespmem:s1+$0x150]  }
0x1b5: {  	v8 =	vld [tilespmem:s1+$0x100]  }
0x1b6: {  	v10 =	vld [tilespmem:s1+$0x110]  }
0x1b7: {  	v11 =	vld [tilespmem:s1+$0xC0]  }
0x1b8: {  	v13 =	vld [tilespmem:s1+$0xD0]  }
0x1b9: {  	v14 =	vld [tilespmem:s1+$0x80]  }
0x1ba: {  	v15 =	vld [tilespmem:s1+$0x90]  }
0x1bb: {  	v49 =	vld [tilespmem:s1+$0x40]  }
0x1bc: {  	v50 =	vld [tilespmem:s1+$0x50]  }
0x1bd: {  	v51 =	vld [tilespmem:s1+$0x0]  }
0x1be: {  	v52 =	vld [tilespmem:s1+$0x10]  }
0x1bf: {  	v53 =	vld [tilespmem:s1+$0x20]  }
0x1c0: {  	v54 =	vld [tilespmem:s1+$0x30]  }
0x1c1: {  	v55 =	vld [tilespmem:s1+$0x60]  }
0x1c2: {  	v56 =	vld [tilespmem:s1+$0x70]  }
0x1c3: {  	v57 =	vld [tilespmem:s1+$0xA0]  }
0x1c4: {  	v58 =	vld [tilespmem:s1+$0xB0];
	v4 =	vadd.f32 v51, v4;
	v5 =	vadd.f32 v52, v5  }
0x1c5: {  	v59 =	vld [tilespmem:s1+$0xE0];
	v6 =	vadd.f32 v53, v6;
	v7 =	vadd.f32 v54, v7  }
0x1c6: {  	v60 =	vld [tilespmem:s1+$0xF0];
	v4 =	vadd.f32 v49, v4;
	v5 =	vadd.f32 v50, v5  }
0x1c7: {  	v61 =	vld [tilespmem:s1+$0x120];
	v6 =	vadd.f32 v55, v6;
	v7 =	vadd.f32 v56, v7  }
0x1c8: {  	v14 =	vadd.f32 v14, v4;
	v5 =	vadd.f32 v15, v5;
	v15 =	vld [tilespmem:s1+$0x130]  }
0x1c9: {  	v6 =	vadd.f32 v57, v6;
	v18 =	vadd.f32 v58, v7;
	v4 =	vld [tilespmem:s1+$0x160]  }
0x1ca: {  	v7 =	vld [tilespmem:s1+$0x170];
	v11 =	vadd.f32 v11, v14;
	v13 =	vadd.f32 v13, v5  }
0x1cb: {  	v6 =	vadd.f32 v59, v6;
	v14 =	vadd.f32 v60, v18;
	v5 =	vld [tilespmem:s1+$0x1A0]  }
0x1cc: {  	v62 =	vadd.f32 v8, v11;
	v63 =	vadd.f32 v10, v13;
	v8 =	vld [tilespmem:s1+$0x1B0]  }
0x1cd: {  	v11 =	vadd.f32 v61, v6;
	v6 =	vld [tilespmem:s1+$0x1E0];
	v10 =	vadd.f32 v15, v14  }
0x1ce: {  	s0 =	simm.s32 $0x1;
	v13 =	vadd.f32 v9, v62;
	v12 =	vadd.f32 v12, v63;
	v9 =	vld [tilespmem:s1+$0x1F0];
	s1 =	simm.s32 $0xFC40  }
.LBB2_10:
0x1cf: {  	v14 =	vld [tilespmem:s1+$0x1C0];
	v4 =	vadd.f32 v4, v11;
	v7 =	vadd.f32 v7, v10  }
0x1d0: {  	v10 =	vld [tilespmem:s1+$0x1D0];
	v11 =	vadd.f32 v2, v13;
	v12 =	vadd.f32 v3, v12  }
0x1d1: {  	v2 =	vld [tilespmem:s1+$0x180];
	v4 =	vadd.f32 v5, v4;
	v5 =	vadd.f32 v8, v7  }
0x1d2: {  	v3 =	vld [tilespmem:s1+$0x190];
	v7 =	vadd.f32 v0, v11;
	v8 =	vadd.f32 v1, v12  }
0x1d3: {  	v12 =	vld [tilespmem:s1+$0x140];
	v4 =	vadd.f32 v6, v4;
	v5 =	vadd.f32 v9, v5  }
0x1d4: {  	v9 =	vld [tilespmem:s1+$0x150];
	v0 =	vmov v14  }
0x1d5: {  	v6 =	vld [tilespmem:s1+$0x100];
	v1 =	vmov v10  }
0x1d6: {  	v10 =	vld [tilespmem:s1+$0x110]  }
0x1d7: {  	v11 =	vld [tilespmem:s1+$0xC0]  }
0x1d8: {  	v13 =	vld [tilespmem:s1+$0xD0]  }
0x1d9: {  	v14 =	vld [tilespmem:s1+$0x80]  }
0x1da: {  	v15 =	vld [tilespmem:s1+$0x90]  }
0x1db: {  	v16 =	vld [tilespmem:s1+$0x40]  }
0x1dc: {  	v17 =	vld [tilespmem:s1+$0x50]  }
0x1dd: {  	v18 =	vld [tilespmem:s1+$0x0]  }
0x1de: {  	v19 =	vld [tilespmem:s1+$0x10]  }
0x1df: {  	v20 =	vld [tilespmem:s1+$0x20]  }
0x1e0: {  	s0 =	sadd.s32 $0x8, s0;
	v21 =	vld [tilespmem:s1+$0x30]  }
0x1e1: {  	p0 =	slt.u32 s0, $0xB9;
	v22 =	vld [tilespmem:s1+$0x60]  }
0x1e2: {  	v23 =	vld [tilespmem:s1+$0x70]  }
0x1e3: {  	v24 =	vld [tilespmem:s1+$0xA0]  }
0x1e4: {  	v7 =	vadd.f32 v18, v7;
	v8 =	vadd.f32 v19, v8;
	v18 =	vld [tilespmem:s1+$0xB0]  }
0x1e5: {  	v4 =	vadd.f32 v20, v4;
	v5 =	vadd.f32 v21, v5;
	v19 =	vld [tilespmem:s1+$0xE0]  }
0x1e6: {  	v7 =	vadd.f32 v16, v7;
	v8 =	vadd.f32 v17, v8;
	v16 =	vld [tilespmem:s1+$0xF0]  }
0x1e7: {  	v4 =	vadd.f32 v22, v4;
	v5 =	vadd.f32 v23, v5;
	v17 =	vld [tilespmem:s1+$0x120]  }
0x1e8: {  	v7 =	vadd.f32 v14, v7;
	v8 =	vadd.f32 v15, v8;
	v14 =	vld [tilespmem:s1+$0x130]  }
0x1e9: {  	v15 =	vadd.f32 v24, v4;
	v5 =	vadd.f32 v18, v5;
	v4 =	vld [tilespmem:s1+$0x160]  }
.Ltmp4:
0x1ea: {  	v11 =	vadd.f32 v11, v7;
	v8 =	vadd.f32 v13, v8;
	v7 =	vld [tilespmem:s1+$0x170];
	(pc) =	sbr.rel @p0 .LBB2_10-.Ltmp4, $4  }
0x1eb: {  	v13 =	vadd.f32 v19, v15;
	v15 =	vadd.f32 v16, v5;
	v5 =	vld [tilespmem:s1+$0x1A0]  }
0x1ec: {  	v16 =	vadd.f32 v6, v11;
	v18 =	vadd.f32 v10, v8;
	v8 =	vld [tilespmem:s1+$0x1B0]  }
0x1ed: {  	v11 =	vadd.f32 v17, v13;
	v10 =	vadd.f32 v14, v15;
	v6 =	vld [tilespmem:s1+$0x1E0]  }
0x1ee: {  	v13 =	vadd.f32 v12, v16;
	v12 =	vadd.f32 v9, v18;
	v9 =	vld [tilespmem:s1+$0x1F0];
	s1 =	sadd.s32 $0x200, s1  }
0x1ef: {  	v14 =	vld [tilespmem:$0x12A40]  }
0x1f0: {  	v15 =	vld [tilespmem:$0x12A50]  }
0x1f1: {  	v16 =	vld [tilespmem:$0x12A60]  }
0x1f2: {  	v17 =	vld [tilespmem:$0x12A70]  }
0x1f3: {  	v18 =	vld [tilespmem:$0x12A80]  }
0x1f4: {  	v19 =	vld [tilespmem:$0x12A90]  }
0x1f5: {  	v20 =	vld [tilespmem:$0x12AA0]  }
0x1f6: {  	v21 =	vld [tilespmem:$0x12AB0]  }
0x1f7: {  	v22 =	vld [tilespmem:$0x12AC0]  }
0x1f8: {  	v23 =	vld [tilespmem:$0x12AD0]  }
0x1f9: {  	v24 =	vld [tilespmem:$0x12AE0]  }
0x1fa: {  	v25 =	vld [tilespmem:$0x12AF0]  }
0x1fb: {  	v26 =	vld [tilespmem:$0x12B00]  }
0x1fc: {  	v4 =	vadd.f32 v4, v11;
	v46 =	vld [tilespmem:$0x12B10];
	v2 =	vadd.f32 v2, v13  }
0x1fd: {  	v7 =	vadd.f32 v7, v10;
	v47 =	vld [tilespmem:$0x12B20];
	v3 =	vadd.f32 v3, v12  }
0x1fe: {  	v48 =	vld [tilespmem:$0x12B30];
	v4 =	vadd.f32 v5, v4;
	v0 =	vadd.f32 v0, v2  }
0x1ff: {  	v50 =	vld [tilespmem:$0x12B40];
	v49 =	vadd.f32 v8, v7;
	v1 =	vadd.f32 v1, v3  }
0x200: {  	v51 =	vld [tilespmem:$0x12B50];
	v4 =	vadd.f32 v6, v4;
	v0 =	vadd.f32 v14, v0  }
0x201: {  	v52 =	vld [tilespmem:$0x12B60];
	v5 =	vadd.f32 v9, v49;
	v1 =	vadd.f32 v15, v1  }
0x202: {  	v53 =	vld [tilespmem:$0x12B70];
	v4 =	vadd.f32 v16, v4;
	v0 =	vadd.f32 v18, v0  }
0x203: {  	v54 =	vld [tilespmem:$0x12B80];
	v5 =	vadd.f32 v17, v5;
	v1 =	vadd.f32 v19, v1  }
0x204: {  	v55 =	vld [tilespmem:$0x12B90];
	v4 =	vadd.f32 v20, v4;
	v0 =	vadd.f32 v22, v0  }
0x205: {  	v56 =	vld [tilespmem:$0x12BA0];
	v5 =	vadd.f32 v21, v5;
	v1 =	vadd.f32 v23, v1  }
0x206: {  	v57 =	vld [tilespmem:$0x12BB0];
	v4 =	vadd.f32 v24, v4;
	v0 =	vadd.f32 v26, v0  }
0x207: {  	v58 =	vld [tilespmem:$0x12BC0];
	v5 =	vadd.f32 v25, v5;
	v1 =	vadd.f32 v46, v1  }
0x208: {  	v59 =	vld [tilespmem:$0x12BD0];
	v4 =	vadd.f32 v47, v4;
	v0 =	vadd.f32 v50, v0  }
0x209: {  	v60 =	vld [tilespmem:$0x12BE0];
	v2 =	vadd.f32 v48, v5;
	v1 =	vadd.f32 v51, v1  }
0x20a: {  	v61 =	vld [tilespmem:$0x12BF0];
	v4 =	vadd.f32 v52, v4;
	v0 =	vadd.f32 v54, v0  }
0x20b: {  	v2 =	vadd.f32 v53, v2;
	v1 =	vadd.f32 v55, v1  }
0x20c: {  	v4 =	vadd.f32 v56, v4;
	v0 =	vadd.f32 v58, v0  }
0x20d: {  	v2 =	vadd.f32 v57, v2;
	v1 =	vadd.f32 v59, v1  }
0x20e: {  	v62 =	vadd.f32 v60, v4;
	[tilespmem:$0x14BC0] =	vst v0  }
0x20f: {  	s30 =	sadd.s32 $0x1, s30;
	v63 =	vadd.f32 v61, v2;
	[tilespmem:$0x14BD0] =	vst v1  }
0x210: {  	p0 =	sne.s32 s30, s6;
	[tilespmem:$0x14BE0] =	vst v62  }
.Ltmp5:
0x211: {  	[tilespmem:$0x14BF0] =	vst v63;
	(pc) =	sbr.rel @p0 .LBB2_1-.Ltmp5, $4  }
0x212: {  	[hbm4b:s5+s2] =	stream.linear.scatter [tilespmem:s29], [sflag:$0x2], $0x2000, $0x38;
	[tilespmem:$0x14C00] =	vst v63  }
0x213: {  	_ =	swait.ge [sflag:s7], $0x2000  }
0x214: {  	[sflag:s7] =	ssyncset.done $0x0  }
0x215: {  	[sflag:s7] =	ssyncadd.s32 $0xFFFFE000  }
0x216: {  	_ =	sfence.sel $0x180000  }
0x217: {  	[bflag:$0x0] =	sbarrier.arrive $0xFFFF  }
0x218: {  	_ =	strace $0x90000047  }
0x219: {  	s0 =	stileid.u32;
	[bflag:$0x2] =	sbarrier.arrive $0xFFFF  }
0x21a: {  	p0 =	sne.s32 s0, $0x0;
	s0 =	rddreg [dreg:$0x1]  }
0x21b: {  	s0 =	sadd.s32 @!p0 $0x100000, s0  }
0x21c: {  	[sflag:s0] =	ssyncadd.tile.s32 @!p0 $0x1;
	_ =	shalt  }
.Lfunc_end2:
_tile_overlayer_lowered:
.L_overlay_start_2:
0x21d: {  	(tag) =	ssettag $0x2  }
0x21e: {  	s0 =	rddreg [dreg:$0x0];
	s2 =	stileid.u32  }
0x21f: {  	s1 =	rddreg [dreg:$0x1];
	p0 =	sne.s32 s2, $0x0  }
0x220: {  	s3 =	rddreg [dreg:$0x2];
	[bflag:$0x3] =	sbarrier.arrive $0xFFFF;
	s2 =	simm.s32 @!p0 $0x1C02  }
0x221: {  	[timem:s3], [sflag:s2] =	dma.local @!p0 [hbm:s0], s1  }
0x222: {  	s0 =	simm.s32 @!p0 $0x2  }
0x223: {  	_ =	swait.ge @!p0 [sflag:s0], s1  }
0x224: {  	s1 =	ssub.s32 @!p0 $0x0, s1;
	[sflag:s0] =	ssyncset.done @!p0 $0x0  }
0x225: {  	[sflag:s0] =	ssyncadd.s32 @!p0 s1  }
0x226: {  	[bflag:$0x3] =	sbarrier.arrive $0xFFFF  }
0x227: {  	_ =	shalt  }

</sc_bundles>
